<compile_context>
chip_gen: v7x
topology: tpu7x:2x2x1
jax: 0.10.2.dev20260603
libtpu: 0.0.44.dev20260713+nightly
codegen_flags: <defaults>
</compile_context>

<pallas_src>
import jax
import jax.numpy as jnp
from jax import lax
from jax.experimental import pallas as pl
from jax.experimental.pallas import tpu as pltpu
from jax.experimental.pallas import tpu_sc as plsc

SEQ = 200
BATCH = 4096
EMB = 64
VOCAB = 1000000
NC = 2
NS = 16
NW = NC * NS
BPW = BATCH // NW
LANES = 16
ESL = EMB // LANES

NTC_TOTAL = VOCAB // 128
TAIL_BASE = NTC_TOTAL * 128
TAIL = VOCAB - TAIL_BASE
NTC_BASE = NTC_TOTAL // NW
NTC_REM = NTC_TOTAL - NTC_BASE * NW
NBUF_A = 3
A_ITERS = (NTC_BASE + 1 + NBUF_A - 1) // NBUF_A


def _sc_transpose(in_t, out_flat, ib0, ib1, ib2,
                  pb0, pb1, pb2, tb,
                  is0, is1, is2, os0, os1, os2):
    c = lax.axis_index("c")
    s = lax.axis_index("s")
    w = c * NS + s
    ntc = NTC_BASE + jnp.where(w < NTC_REM, 1, 0)
    base = w * NTC_BASE + jnp.minimum(w, NTC_REM)

    ibufs = (ib0, ib1, ib2)
    pbufs = (pb0, pb1, pb2)
    isems = (is0, is1, is2)
    osems = (os0, os1, os2)
    iota = lax.broadcasted_iota(jnp.int32, (LANES,), 0)

    def start_in(i, b):
        tc = base + i
        pltpu.async_copy(in_t.at[:, pl.ds(tc * 128, 128)], ibufs[b], isems[b])

    def wait_in(b):
        pltpu.make_async_copy(in_t.at[:, pl.ds(0, 128)], ibufs[b],
                              isems[b]).wait()

    def start_out(i, b):
        tc = base + i
        pltpu.async_copy(pbufs[b], out_flat.at[pl.ds(tc * 4096, 4096)],
                         osems[b])

    def wait_out(b):
        pltpu.make_async_copy(pbufs[b], out_flat.at[pl.ds(0, 4096)],
                              osems[b]).wait()

    rows4 = [eg * LANES + iota for eg in range(ESL)]
    zvec = jnp.zeros((LANES,), jnp.int32)

    def transpose_buf(b):
        inb = ibufs[b]
        pb = pbufs[b]

        @plsc.parallel_loop(0, 128, step=1, unroll=8, carry=zvec)
        def _(l, lvec):
            lmod = (lvec + iota) & 127
            lm32 = lmod * (EMB // 2)
            for h in range(EMB // 32):
                v0 = plsc.load_gather(inb, [rows4[2 * h], lmod])
                v1 = plsc.load_gather(inb, [rows4[2 * h + 1], lmod])
                u = (plsc.bitcast(v0, jnp.uint32) & jnp.uint32(0xFFFF0000)) | (
                    plsc.bitcast(v1, jnp.uint32) >> 16)
                plsc.store_scatter(pb, [lm32 + h * LANES + iota],
                                   plsc.bitcast(u, jnp.float32))
            return lvec + 1

    for b in range(NBUF_A):
        @pl.when(b < ntc)
        def _():
            start_in(b, b)

    def body(g, carry):
        for b in range(NBUF_A):
            i = g * NBUF_A + b

            @pl.when(i < ntc)
            def _():
                wait_in(b)

                @pl.when(i >= NBUF_A)
                def _():
                    wait_out(b)

                transpose_buf(b)
                start_out(i, b)

                @pl.when(i + NBUF_A < ntc)
                def _():
                    start_in(i + NBUF_A, b)
        return carry

    lax.fori_loop(0, A_ITERS, body, 0)

    for b in range(NBUF_A):
        @pl.when(ntc > b)
        def _():
            wait_out(b)

    @pl.when(w == NW - 1)
    def _():
        pltpu.sync_copy(in_t.at[:, pl.ds(TAIL_BASE, TAIL)], tb)

        @plsc.parallel_loop(0, TAIL, step=1, unroll=8, carry=zvec)
        def _(l, lvec):
            lmod = (lvec + iota) & (TAIL - 1)
            lm32 = lmod * (EMB // 2)
            for h in range(EMB // 32):
                v0 = plsc.load_gather(tb, [rows4[2 * h], lmod])
                v1 = plsc.load_gather(tb, [rows4[2 * h + 1], lmod])
                u = (plsc.bitcast(v0, jnp.uint32) & jnp.uint32(0xFFFF0000)) | (
                    plsc.bitcast(v1, jnp.uint32) >> 16)
                plsc.store_scatter(pb0, [lm32 + h * LANES + iota],
                                   plsc.bitcast(u, jnp.float32))
            return lvec + 1
        pltpu.sync_copy(pb0.at[pl.ds(0, TAIL * EMB // 2)],
                        out_flat.at[pl.ds(TAIL_BASE * EMB // 2,
                                          TAIL * EMB // 2)])


def _linearize_table(emb_table):
    mesh = plsc.VectorSubcoreMesh(core_axis_name="c", subcore_axis_name="s")
    fn = pl.kernel(
        _sc_transpose,
        out_type=jax.ShapeDtypeStruct((VOCAB * EMB // 2,), jnp.float32),
        mesh=mesh,
        scratch_types=[
            pltpu.VMEM((EMB, 128), jnp.float32),
            pltpu.VMEM((EMB, 128), jnp.float32),
            pltpu.VMEM((EMB, 128), jnp.float32),
            pltpu.VMEM((128 * EMB // 2,), jnp.float32),
            pltpu.VMEM((128 * EMB // 2,), jnp.float32),
            pltpu.VMEM((128 * EMB // 2,), jnp.float32),
            pltpu.VMEM((EMB, TAIL), jnp.float32),
            pltpu.SemaphoreType.DMA,
            pltpu.SemaphoreType.DMA,
            pltpu.SemaphoreType.DMA,
            pltpu.SemaphoreType.DMA,
            pltpu.SemaphoreType.DMA,
            pltpu.SemaphoreType.DMA,
        ],
        compiler_params=pltpu.CompilerParams(needs_layout_passes=False),
    )
    return fn(emb_table.T)


def _sc_pool_sum(docs_hbm, emb_hbm, out_hbm, idx_v, buf0, buf1, buf2, buf3,
                 acc, sem0, sem1, sem2, sem3):
    c = lax.axis_index("c")
    s = lax.axis_index("s")
    wid = c * NS + s
    base = wid * BPW

    pltpu.sync_copy(docs_hbm.at[:, pl.ds(base, BPW)], idx_v)

    zeros = jnp.zeros((LANES,), jnp.float32)

    def zero_row(r, carry):
        for e in range(ESL):
            acc[r, pl.ds(e * LANES, LANES)] = zeros
        return carry

    lax.fori_loop(0, BPW, zero_row, 0, unroll=4)

    bufs = (buf0, buf1, buf2, buf3)
    sems = (sem0, sem1, sem2, sem3)

    def start(step, b):
        pltpu.async_copy(emb_hbm.at[idx_v.at[step]], bufs[b], sems[b])

    def wait(b):
        pltpu.make_async_copy(emb_hbm.at[idx_v.at[0]], bufs[b], sems[b]).wait()

    def accum(b):
        buf = bufs[b]

        @plsc.parallel_loop(0, BPW, step=1, unroll=8)
        def _(r):
            for h in range(EMB // 32):
                x = buf[r, pl.ds(h * LANES, LANES)]
                u = plsc.bitcast(x, jnp.uint32)
                a = plsc.bitcast(u & jnp.uint32(0xFFFF0000), jnp.float32)
                b2 = plsc.bitcast(u << 16, jnp.float32)
                plsc.addupdate(acc.at[r, pl.ds(h * 32, LANES)], a)
                plsc.addupdate(acc.at[r, pl.ds(h * 32 + LANES, LANES)], b2)

    for b in range(4):
        start(b, b)

    def body(g, carry):
        for b in range(4):
            step = 4 * g + b
            wait(b)
            accum(b)

            @pl.when(step + 4 < SEQ)
            def _():
                start(step + 4, b)
        return carry

    lax.fori_loop(0, SEQ // 4, body, 0)

    pltpu.sync_copy(acc, out_hbm.at[pl.ds(base, BPW)])


def _pool_sum_sc(docs, emb_linear):
    mesh = plsc.VectorSubcoreMesh(core_axis_name="c", subcore_axis_name="s")
    fn = pl.kernel(
        _sc_pool_sum,
        out_type=jax.ShapeDtypeStruct((BATCH, EMB), jnp.float32),
        mesh=mesh,
        scratch_types=[
            pltpu.VMEM((SEQ, BPW), jnp.int32),
            pltpu.VMEM((BPW, EMB // 2), jnp.float32),
            pltpu.VMEM((BPW, EMB // 2), jnp.float32),
            pltpu.VMEM((BPW, EMB // 2), jnp.float32),
            pltpu.VMEM((BPW, EMB // 2), jnp.float32),
            pltpu.VMEM((BPW, EMB), jnp.float32),
            pltpu.SemaphoreType.DMA,
            pltpu.SemaphoreType.DMA,
            pltpu.SemaphoreType.DMA,
            pltpu.SemaphoreType.DMA,
        ],
        compiler_params=pltpu.CompilerParams(use_tc_tiling_on_sc=False,
                                             needs_layout_passes=False),
    )
    return fn(docs, emb_linear)


def _mlp_body(pool_ref, w1_ref, b1_ref, w2_ref, b2_ref, out_ref):
    x = pool_ref[...] * (1.0 / SEQ)
    h = lax.dot_general(x, w1_ref[...], (((1,), (1,)), ((), ())),
                        preferred_element_type=jnp.float32)
    h = jnp.maximum(h + b1_ref[...], 0.0)
    o = lax.dot_general(h, w2_ref[...], (((1,), (1,)), ((), ())),
                        preferred_element_type=jnp.float32)
    out_ref[...] = o + b2_ref[...]


def _mlp_tc(pool_sum, W1, b1, W2, b2):
    return pl.pallas_call(
        _mlp_body,
        out_shape=jax.ShapeDtypeStruct((BATCH, W2.shape[0]), jnp.float32),
    )(pool_sum, W1, b1.reshape(1, -1), W2, b2.reshape(1, -1))


@jax.jit
def kernel(docs, emb_table, W1, b1, W2, b2):
    emb_linear = _linearize_table(emb_table).reshape(VOCAB, EMB // 2)
    pool_sum = _pool_sum_sc(docs, emb_linear)
    return _mlp_tc(pool_sum, W1, b1, W2, b2)

# --- scband reference (transcript-rebuilt; emitter-appended) ---
"""Pipeline reference for scband-cbo-wtext-classifier-12275016532010 (READ-ONLY COPY).

The authoritative reference and input builder live on the scoring server;
editing this copy changes nothing except your own understanding.
"""

import jax, jax.numpy as jnp
import numpy as np

VOCAB = 1000000
EMB = 64
HID = 20
NUM_LABEL = 10
SEQ = 200
BATCH = 4096

def setup_inputs(seed: int = 0) -> dict:
    key = jax.random.key(seed)
    k_docs, k_emb, k_w1, k_b1, k_w2, k_b2 = jax.random.split(key, 6)
    docs = jax.random.randint(k_docs, (SEQ, BATCH), 0, VOCAB, dtype=jnp.int64 if jax.config.jax_enable_x64 else jnp.int32).astype(jnp.int32)
    emb_table = jax.random.normal(k_emb, (VOCAB, EMB), dtype=jnp.float32)
    # nn.Linear default init scale approximated with uniform(-1/sqrt(fan_in), 1/sqrt(fan_in))
    lim1 = 1.0 / np.sqrt(EMB)
    W1 = jax.random.uniform(k_w1, (HID, EMB), minval=-lim1, maxval=lim1, dtype=jnp.float32)
    b1 = jax.random.uniform(k_b1, (HID,), minval=-lim1, maxval=lim1, dtype=jnp.float32)
    lim2 = 1.0 / np.sqrt(HID)
    W2 = jax.random.uniform(k_w2, (NUM_LABEL, HID), minval=-lim2, maxval=lim2, dtype=jnp.float32)
    b2 = jax.random.uniform(k_b2, (NUM_LABEL,), minval=-lim2, maxval=lim2, dtype=jnp.float32)
    return {"docs": docs, "emb_table": emb_table, "W1": W1, "b1": b1, "W2": W2, "b2": b2}

def reference(docs, emb_table, W1, b1, W2, b2):
    # embedding lookup: gather rows of emb_table
    embedded = jnp.take(emb_table, docs, axis=0)          # [SEQ, BATCH, EMB]
    pool_out = embedded.mean(axis=0)                       # [BATCH, EMB]
    # dropout in eval mode == identity
    hidden = jax.nn.relu(pool_out @ W1.T + b1)             # [BATCH, HID]
    preds = hidden @ W2.T + b2                             # [BATCH, NUM_LABEL]
    return preds

if __name__ == "__main__":
    import jax
    _d = setup_inputs()
    print(jax.jit(kernel)(*tuple(_d.values())))

</pallas_src>

<mosaic_0001>
#map = affine_map<(d0, d1) -> (0, 0)>
module attributes {stable_mosaic.version = 14 : i64} {
  func.func @_sc_pool_sum(%arg0: i32, %arg1: i32, %arg2: memref<200x4096xi32, #tpu.memory_space<hbm>>, %arg3: memref<1000000x32xf32, #tpu.memory_space<hbm>>, %arg4: memref<4096x64xf32, #tpu.memory_space<hbm>>, %arg5: memref<200x128xi32, #tpu.memory_space<vmem>>, %arg6: memref<128x32xf32, #tpu.memory_space<vmem>>, %arg7: memref<128x32xf32, #tpu.memory_space<vmem>>, %arg8: memref<128x32xf32, #tpu.memory_space<vmem>>, %arg9: memref<128x32xf32, #tpu.memory_space<vmem>>, %arg10: memref<128x64xf32, #tpu.memory_space<vmem>>, %arg11: memref<!tpu.dma_semaphore, #tpu.memory_space<semaphore_mem>>, %arg12: memref<!tpu.dma_semaphore, #tpu.memory_space<semaphore_mem>>, %arg13: memref<!tpu.dma_semaphore, #tpu.memory_space<semaphore_mem>>, %arg14: memref<!tpu.dma_semaphore, #tpu.memory_space<semaphore_mem>>) attributes {dimension_semantics = [#tpu.dimension_semantics<core_parallel>, #tpu.dimension_semantics<subcore_parallel>], iteration_bounds = array<i64: 2, 16>, scalar_prefetch = 0 : i64, scratch_operands = 10 : i64, tpu.core_type = #tpu.core_type<sc_vector_subcore>, window_params = [{transform_indices = #map}, {transform_indices = #map}, {transform_indices = #map}]} {
    %mul3A = arith.constant 16 : i32
    %mul3A_0 = arith.muli %arg0, %mul3A : i32
    %add3A = arith.addi %mul3A_0, %arg1 : i32
    %mul3A_1 = arith.constant 128 : i32
    %mul3A_2 = arith.muli %add3A, %mul3A_1 : i32
    "tpu.region"() ({
      %run_scoped3A = tpu.sem_alloc : memref<!tpu.dma_semaphore, #tpu.memory_space<semaphore_mem>>
      %dma_start3A_42 = arith.constant 0 : i32
      %dma_start3A_43 = tpu.memref_slice %arg2[%dma_start3A_42, %mul3A_2] : memref<200x4096xi32, #tpu.memory_space<hbm>> -> memref<200x128xi32, #tpu.memory_space<hbm>>
      %dma_start3A_44 = arith.constant 0 : i32
      %dma_start3A_45 = tpu.memref_slice %arg2[%dma_start3A_44, %mul3A_2] : memref<200x4096xi32, #tpu.memory_space<hbm>> -> memref<200x128xi32, #tpu.memory_space<hbm>>
      tpu.enqueue_dma source(%dma_start3A_45 : memref<200x128xi32, #tpu.memory_space<hbm>>) target(%arg5 : memref<200x128xi32, #tpu.memory_space<vmem>>) target_semaphore(%run_scoped3A : memref<!tpu.dma_semaphore, #tpu.memory_space<semaphore_mem>>)
      %dma_wait3A = arith.constant 0 : i32
      %dma_wait3A_46 = tpu.memref_slice %arg2[%dma_wait3A, %mul3A_2] : memref<200x4096xi32, #tpu.memory_space<hbm>> -> memref<200x128xi32, #tpu.memory_space<hbm>>
      %dma_wait3A_47 = arith.constant 0 : i32
      %dma_wait3A_48 = tpu.memref_slice %arg2[%dma_wait3A_47, %mul3A_2] : memref<200x4096xi32, #tpu.memory_space<hbm>> -> memref<200x128xi32, #tpu.memory_space<hbm>>
      tpu.wait_dma2 semaphore(%run_scoped3A : memref<!tpu.dma_semaphore, #tpu.memory_space<semaphore_mem>>) src(%dma_wait3A_48 : memref<200x128xi32, #tpu.memory_space<hbm>>) dst(%arg5 : memref<200x128xi32, #tpu.memory_space<vmem>>)
      tpu.yield
    }) : () -> ()
    %broadcast_in_dim3A = arith.constant 0.000000e+00 : f32
    %broadcast_in_dim3A_3 = vector.broadcast %broadcast_in_dim3A : f32 to vector<16xf32>
    %scan3A = arith.constant 0 : i32
    %scan3A_4 = arith.constant 0 : i32
    %scan3A_5 = arith.constant 128 : i32
    %scan3A_6 = arith.addi %scan3A_4, %scan3A_5 : i32
    %scan3A_7 = arith.constant 4 : i32
    scf.for %scan3A_42 = %scan3A_4 to %scan3A_6 step %scan3A_7  : i32 {
      %swap3A = arith.index_cast %scan3A_42 : i32 to index
      %swap3A_43 = arith.constant 0 : index
      %swap3A_44 = tpu.vector_load %arg10[%swap3A, %swap3A_43] {strides = array<i32>} : memref<128x64xf32, #tpu.memory_space<vmem>>, vector<16xf32>,
      tpu.vector_store %arg10[%swap3A, %swap3A_43], %broadcast_in_dim3A_3 {strides = array<i32>} : memref<128x64xf32, #tpu.memory_space<vmem>>, vector<16xf32>,
      %swap3A_45 = arith.index_cast %scan3A_42 : i32 to index
      %swap3A_46 = arith.constant 16 : index
      %swap3A_47 = tpu.vector_load %arg10[%swap3A_45, %swap3A_46] {strides = array<i32>} : memref<128x64xf32, #tpu.memory_space<vmem>>, vector<16xf32>,
      tpu.vector_store %arg10[%swap3A_45, %swap3A_46], %broadcast_in_dim3A_3 {strides = array<i32>} : memref<128x64xf32, #tpu.memory_space<vmem>>, vector<16xf32>,
      %swap3A_48 = arith.index_cast %scan3A_42 : i32 to index
      %swap3A_49 = arith.constant 32 : index
      %swap3A_50 = tpu.vector_load %arg10[%swap3A_48, %swap3A_49] {strides = array<i32>} : memref<128x64xf32, #tpu.memory_space<vmem>>, vector<16xf32>,
      tpu.vector_store %arg10[%swap3A_48, %swap3A_49], %broadcast_in_dim3A_3 {strides = array<i32>} : memref<128x64xf32, #tpu.memory_space<vmem>>, vector<16xf32>,
      %swap3A_51 = arith.index_cast %scan3A_42 : i32 to index
      %swap3A_52 = arith.constant 48 : index
      %swap3A_53 = tpu.vector_load %arg10[%swap3A_51, %swap3A_52] {strides = array<i32>} : memref<128x64xf32, #tpu.memory_space<vmem>>, vector<16xf32>,
      tpu.vector_store %arg10[%swap3A_51, %swap3A_52], %broadcast_in_dim3A_3 {strides = array<i32>} : memref<128x64xf32, #tpu.memory_space<vmem>>, vector<16xf32>,
      %scan3A_54 = arith.constant 1 : i32
      %scan3A_55 = arith.addi %scan3A_42, %scan3A_54 : i32
      %swap3A_56 = arith.index_cast %scan3A_55 : i32 to index
      %swap3A_57 = arith.constant 0 : index
      %swap3A_58 = tpu.vector_load %arg10[%swap3A_56, %swap3A_57] {strides = array<i32>} : memref<128x64xf32, #tpu.memory_space<vmem>>, vector<16xf32>,
      tpu.vector_store %arg10[%swap3A_56, %swap3A_57], %broadcast_in_dim3A_3 {strides = array<i32>} : memref<128x64xf32, #tpu.memory_space<vmem>>, vector<16xf32>,
      %swap3A_59 = arith.index_cast %scan3A_55 : i32 to index
      %swap3A_60 = arith.constant 16 : index
      %swap3A_61 = tpu.vector_load %arg10[%swap3A_59, %swap3A_60] {strides = array<i32>} : memref<128x64xf32, #tpu.memory_space<vmem>>, vector<16xf32>,
      tpu.vector_store %arg10[%swap3A_59, %swap3A_60], %broadcast_in_dim3A_3 {strides = array<i32>} : memref<128x64xf32, #tpu.memory_space<vmem>>, vector<16xf32>,
      %swap3A_62 = arith.index_cast %scan3A_55 : i32 to index
      %swap3A_63 = arith.constant 32 : index
      %swap3A_64 = tpu.vector_load %arg10[%swap3A_62, %swap3A_63] {strides = array<i32>} : memref<128x64xf32, #tpu.memory_space<vmem>>, vector<16xf32>,
      tpu.vector_store %arg10[%swap3A_62, %swap3A_63], %broadcast_in_dim3A_3 {strides = array<i32>} : memref<128x64xf32, #tpu.memory_space<vmem>>, vector<16xf32>,
      %swap3A_65 = arith.index_cast %scan3A_55 : i32 to index
      %swap3A_66 = arith.constant 48 : index
      %swap3A_67 = tpu.vector_load %arg10[%swap3A_65, %swap3A_66] {strides = array<i32>} : memref<128x64xf32, #tpu.memory_space<vmem>>, vector<16xf32>,
      tpu.vector_store %arg10[%swap3A_65, %swap3A_66], %broadcast_in_dim3A_3 {strides = array<i32>} : memref<128x64xf32, #tpu.memory_space<vmem>>, vector<16xf32>,
      %scan3A_68 = arith.constant 2 : i32
      %scan3A_69 = arith.addi %scan3A_42, %scan3A_68 : i32
      %swap3A_70 = arith.index_cast %scan3A_69 : i32 to index
      %swap3A_71 = arith.constant 0 : index
      %swap3A_72 = tpu.vector_load %arg10[%swap3A_70, %swap3A_71] {strides = array<i32>} : memref<128x64xf32, #tpu.memory_space<vmem>>, vector<16xf32>,
      tpu.vector_store %arg10[%swap3A_70, %swap3A_71], %broadcast_in_dim3A_3 {strides = array<i32>} : memref<128x64xf32, #tpu.memory_space<vmem>>, vector<16xf32>,
      %swap3A_73 = arith.index_cast %scan3A_69 : i32 to index
      %swap3A_74 = arith.constant 16 : index
      %swap3A_75 = tpu.vector_load %arg10[%swap3A_73, %swap3A_74] {strides = array<i32>} : memref<128x64xf32, #tpu.memory_space<vmem>>, vector<16xf32>,
      tpu.vector_store %arg10[%swap3A_73, %swap3A_74], %broadcast_in_dim3A_3 {strides = array<i32>} : memref<128x64xf32, #tpu.memory_space<vmem>>, vector<16xf32>,
      %swap3A_76 = arith.index_cast %scan3A_69 : i32 to index
      %swap3A_77 = arith.constant 32 : index
      %swap3A_78 = tpu.vector_load %arg10[%swap3A_76, %swap3A_77] {strides = array<i32>} : memref<128x64xf32, #tpu.memory_space<vmem>>, vector<16xf32>,
      tpu.vector_store %arg10[%swap3A_76, %swap3A_77], %broadcast_in_dim3A_3 {strides = array<i32>} : memref<128x64xf32, #tpu.memory_space<vmem>>, vector<16xf32>,
      %swap3A_79 = arith.index_cast %scan3A_69 : i32 to index
      %swap3A_80 = arith.constant 48 : index
      %swap3A_81 = tpu.vector_load %arg10[%swap3A_79, %swap3A_80] {strides = array<i32>} : memref<128x64xf32, #tpu.memory_space<vmem>>, vector<16xf32>,
      tpu.vector_store %arg10[%swap3A_79, %swap3A_80], %broadcast_in_dim3A_3 {strides = array<i32>} : memref<128x64xf32, #tpu.memory_space<vmem>>, vector<16xf32>,
      %scan3A_82 = arith.constant 3 : i32
      %scan3A_83 = arith.addi %scan3A_42, %scan3A_82 : i32
      %swap3A_84 = arith.index_cast %scan3A_83 : i32 to index
      %swap3A_85 = arith.constant 0 : index
      %swap3A_86 = tpu.vector_load %arg10[%swap3A_84, %swap3A_85] {strides = array<i32>} : memref<128x64xf32, #tpu.memory_space<vmem>>, vector<16xf32>,
      tpu.vector_store %arg10[%swap3A_84, %swap3A_85], %broadcast_in_dim3A_3 {strides = array<i32>} : memref<128x64xf32, #tpu.memory_space<vmem>>, vector<16xf32>,
      %swap3A_87 = arith.index_cast %scan3A_83 : i32 to index
      %swap3A_88 = arith.constant 16 : index
      %swap3A_89 = tpu.vector_load %arg10[%swap3A_87, %swap3A_88] {strides = array<i32>} : memref<128x64xf32, #tpu.memory_space<vmem>>, vector<16xf32>,
      tpu.vector_store %arg10[%swap3A_87, %swap3A_88], %broadcast_in_dim3A_3 {strides = array<i32>} : memref<128x64xf32, #tpu.memory_space<vmem>>, vector<16xf32>,
      %swap3A_90 = arith.index_cast %scan3A_83 : i32 to index
      %swap3A_91 = arith.constant 32 : index
      %swap3A_92 = tpu.vector_load %arg10[%swap3A_90, %swap3A_91] {strides = array<i32>} : memref<128x64xf32, #tpu.memory_space<vmem>>, vector<16xf32>,
      tpu.vector_store %arg10[%swap3A_90, %swap3A_91], %broadcast_in_dim3A_3 {strides = array<i32>} : memref<128x64xf32, #tpu.memory_space<vmem>>, vector<16xf32>,
      %swap3A_93 = arith.index_cast %scan3A_83 : i32 to index
      %swap3A_94 = arith.constant 48 : index
      %swap3A_95 = tpu.vector_load %arg10[%swap3A_93, %swap3A_94] {strides = array<i32>} : memref<128x64xf32, #tpu.memory_space<vmem>>, vector<16xf32>,
      tpu.vector_store %arg10[%swap3A_93, %swap3A_94], %broadcast_in_dim3A_3 {strides = array<i32>} : memref<128x64xf32, #tpu.memory_space<vmem>>, vector<16xf32>,
    }
    %scan3A_8 = arith.constant 128 : i32
    %dma_start3A = arith.constant 0 : i32
    %dma_start3A_9 = arith.constant 0 : i32
    %dma_start3A_10 = tpu.memref_slice %arg5[%dma_start3A, %dma_start3A_9] : memref<200x128xi32, #tpu.memory_space<vmem>> -> memref<1x128xi32, #tpu.memory_space<vmem>>
    %dma_start3A_11 = tpu.memref_squeeze %dma_start3A_10 : memref<1x128xi32, #tpu.memory_space<vmem>> -> memref<128xi32, #tpu.memory_space<vmem>>
    %dma_start3A_12 = arith.constant 0 : i32
    %dma_start3A_13 = arith.constant 0 : i32
    %dma_start3A_14 = tpu.memref_slice %arg3[%dma_start3A_12, %dma_start3A_13] : memref<1000000x32xf32, #tpu.memory_space<hbm>> -> memref<1000000x32xf32, #tpu.memory_space<hbm>>
    tpu.enqueue_indirect_dma source(%dma_start3A_14 : memref<1000000x32xf32, #tpu.memory_space<hbm>>) target(%arg6 : memref<128x32xf32, #tpu.memory_space<vmem>>) offsets(%dma_start3A_11 : memref<128xi32, #tpu.memory_space<vmem>>) semaphore(%arg11 : memref<!tpu.dma_semaphore, #tpu.memory_space<semaphore_mem>>)
    %dma_start3A_15 = arith.constant 1 : i32
    %dma_start3A_16 = arith.constant 0 : i32
    %dma_start3A_17 = tpu.memref_slice %arg5[%dma_start3A_15, %dma_start3A_16] : memref<200x128xi32, #tpu.memory_space<vmem>> -> memref<1x128xi32, #tpu.memory_space<vmem>>
    %dma_start3A_18 = tpu.memref_squeeze %dma_start3A_17 : memref<1x128xi32, #tpu.memory_space<vmem>> -> memref<128xi32, #tpu.memory_space<vmem>>
    %dma_start3A_19 = arith.constant 0 : i32
    %dma_start3A_20 = arith.constant 0 : i32
    %dma_start3A_21 = tpu.memref_slice %arg3[%dma_start3A_19, %dma_start3A_20] : memref<1000000x32xf32, #tpu.memory_space<hbm>> -> memref<1000000x32xf32, #tpu.memory_space<hbm>>
    tpu.enqueue_indirect_dma source(%dma_start3A_21 : memref<1000000x32xf32, #tpu.memory_space<hbm>>) target(%arg7 : memref<128x32xf32, #tpu.memory_space<vmem>>) offsets(%dma_start3A_18 : memref<128xi32, #tpu.memory_space<vmem>>) semaphore(%arg12 : memref<!tpu.dma_semaphore, #tpu.memory_space<semaphore_mem>>)
    %dma_start3A_22 = arith.constant 2 : i32
    %dma_start3A_23 = arith.constant 0 : i32
    %dma_start3A_24 = tpu.memref_slice %arg5[%dma_start3A_22, %dma_start3A_23] : memref<200x128xi32, #tpu.memory_space<vmem>> -> memref<1x128xi32, #tpu.memory_space<vmem>>
    %dma_start3A_25 = tpu.memref_squeeze %dma_start3A_24 : memref<1x128xi32, #tpu.memory_space<vmem>> -> memref<128xi32, #tpu.memory_space<vmem>>
    %dma_start3A_26 = arith.constant 0 : i32
    %dma_start3A_27 = arith.constant 0 : i32
    %dma_start3A_28 = tpu.memref_slice %arg3[%dma_start3A_26, %dma_start3A_27] : memref<1000000x32xf32, #tpu.memory_space<hbm>> -> memref<1000000x32xf32, #tpu.memory_space<hbm>>
    tpu.enqueue_indirect_dma source(%dma_start3A_28 : memref<1000000x32xf32, #tpu.memory_space<hbm>>) target(%arg8 : memref<128x32xf32, #tpu.memory_space<vmem>>) offsets(%dma_start3A_25 : memref<128xi32, #tpu.memory_space<vmem>>) semaphore(%arg13 : memref<!tpu.dma_semaphore, #tpu.memory_space<semaphore_mem>>)
    %dma_start3A_29 = arith.constant 3 : i32
    %dma_start3A_30 = arith.constant 0 : i32
    %dma_start3A_31 = tpu.memref_slice %arg5[%dma_start3A_29, %dma_start3A_30] : memref<200x128xi32, #tpu.memory_space<vmem>> -> memref<1x128xi32, #tpu.memory_space<vmem>>
    %dma_start3A_32 = tpu.memref_squeeze %dma_start3A_31 : memref<1x128xi32, #tpu.memory_space<vmem>> -> memref<128xi32, #tpu.memory_space<vmem>>
    %dma_start3A_33 = arith.constant 0 : i32
    %dma_start3A_34 = arith.constant 0 : i32
    %dma_start3A_35 = tpu.memref_slice %arg3[%dma_start3A_33, %dma_start3A_34] : memref<1000000x32xf32, #tpu.memory_space<hbm>> -> memref<1000000x32xf32, #tpu.memory_space<hbm>>
    tpu.enqueue_indirect_dma source(%dma_start3A_35 : memref<1000000x32xf32, #tpu.memory_space<hbm>>) target(%arg9 : memref<128x32xf32, #tpu.memory_space<vmem>>) offsets(%dma_start3A_32 : memref<128xi32, #tpu.memory_space<vmem>>) semaphore(%arg14 : memref<!tpu.dma_semaphore, #tpu.memory_space<semaphore_mem>>)
    %scan3A_36 = arith.constant 0 : i32
    %scan3A_37 = arith.constant 0 : i32
    %scan3A_38 = arith.constant 50 : i32
    %scan3A_39 = arith.addi %scan3A_37, %scan3A_38 : i32
    %scan3A_40 = arith.constant 1 : i32
    scf.for %scan3A_42 = %scan3A_37 to %scan3A_39 step %scan3A_40  : i32 {
      %mul3A_43 = arith.constant 4 : i32
      %mul3A_44 = arith.muli %mul3A_43, %scan3A_42 : i32
      %add3A_45 = arith.constant 0 : i32
      %add3A_46 = arith.addi %mul3A_44, %add3A_45 : i32
      %dma_wait3A = arith.constant 0 : i32
      %dma_wait3A_47 = arith.constant 0 : i32
      %dma_wait3A_48 = tpu.memref_slice %arg5[%dma_wait3A, %dma_wait3A_47] : memref<200x128xi32, #tpu.memory_space<vmem>> -> memref<1x128xi32, #tpu.memory_space<vmem>>
      %dma_wait3A_49 = tpu.memref_squeeze %dma_wait3A_48 : memref<1x128xi32, #tpu.memory_space<vmem>> -> memref<128xi32, #tpu.memory_space<vmem>>
      %dma_wait3A_50 = arith.constant 0 : i32
      %dma_wait3A_51 = arith.constant 0 : i32
      %dma_wait3A_52 = tpu.memref_slice %arg3[%dma_wait3A_50, %dma_wait3A_51] : memref<1000000x32xf32, #tpu.memory_space<hbm>> -> memref<1000000x32xf32, #tpu.memory_space<hbm>>
      tpu.wait_indirect_dma semaphore(%arg11 : memref<!tpu.dma_semaphore, #tpu.memory_space<semaphore_mem>>) src(%dma_wait3A_52 : memref<1000000x32xf32, #tpu.memory_space<hbm>>) dst(%arg6 : memref<128x32xf32, #tpu.memory_space<vmem>>)
      %parallel_loop3A = arith.constant 0 : i32
      %parallel_loop3A_53 = arith.constant 128 : i32
      %parallel_loop3A_54 = arith.constant 1 : i32
      scf.for %parallel_loop3A_122 = %parallel_loop3A to %parallel_loop3A_53 step %parallel_loop3A_54  : i32 {
        %parallel_loop3A_123 = arith.index_cast %parallel_loop3A_122 : i32 to index
        %parallel_loop3A_124 = arith.constant 0 : index
        %parallel_loop3A_125 = tpu.vector_load %arg6[%parallel_loop3A_123, %parallel_loop3A_124] {strides = array<i32>} : memref<128x32xf32, #tpu.memory_space<vmem>>, vector<16xf32>,
        %parallel_loop3A_126 = vector.bitcast %parallel_loop3A_125 : vector<16xf32> to vector<16xi32>
        %parallel_loop3A_127 = arith.constant -65536 : i32
        %parallel_loop3A_128 = vector.broadcast %parallel_loop3A_127 : i32 to vector<16xi32>
        %parallel_loop3A_129 = arith.andi %parallel_loop3A_126, %parallel_loop3A_128 : vector<16xi32>
        %parallel_loop3A_130 = vector.bitcast %parallel_loop3A_129 : vector<16xi32> to vector<16xf32>
        %parallel_loop3A_131 = arith.constant 16 : i32
        %parallel_loop3A_132 = vector.broadcast %parallel_loop3A_131 : i32 to vector<16xi32>
        %parallel_loop3A_133 = arith.shli %parallel_loop3A_126, %parallel_loop3A_132 : vector<16xi32>
        %parallel_loop3A_134 = vector.bitcast %parallel_loop3A_133 : vector<16xi32> to vector<16xf32>
        %parallel_loop3A_135 = arith.index_cast %parallel_loop3A_122 : i32 to index
        %parallel_loop3A_136 = arith.constant 0 : index
        %parallel_loop3A_137 = tpu.vector_load %arg10[%parallel_loop3A_135, %parallel_loop3A_136] {strides = array<i32>} : memref<128x64xf32, #tpu.memory_space<vmem>>, vector<16xf32>,
        tpu.vector_store %arg10[%parallel_loop3A_135, %parallel_loop3A_136], %parallel_loop3A_130 {add = true, strides = array<i32>} : memref<128x64xf32, #tpu.memory_space<vmem>>, vector<16xf32>,
        %parallel_loop3A_138 = arith.index_cast %parallel_loop3A_122 : i32 to index
        %parallel_loop3A_139 = arith.constant 16 : index
        %parallel_loop3A_140 = tpu.vector_load %arg10[%parallel_loop3A_138, %parallel_loop3A_139] {strides = array<i32>} : memref<128x64xf32, #tpu.memory_space<vmem>>, vector<16xf32>,
        tpu.vector_store %arg10[%parallel_loop3A_138, %parallel_loop3A_139], %parallel_loop3A_134 {add = true, strides = array<i32>} : memref<128x64xf32, #tpu.memory_space<vmem>>, vector<16xf32>,
        %parallel_loop3A_141 = arith.index_cast %parallel_loop3A_122 : i32 to index
        %parallel_loop3A_142 = arith.constant 16 : index
        %parallel_loop3A_143 = tpu.vector_load %arg6[%parallel_loop3A_141, %parallel_loop3A_142] {strides = array<i32>} : memref<128x32xf32, #tpu.memory_space<vmem>>, vector<16xf32>,
        %parallel_loop3A_144 = vector.bitcast %parallel_loop3A_143 : vector<16xf32> to vector<16xi32>
        %parallel_loop3A_145 = arith.constant -65536 : i32
        %parallel_loop3A_146 = vector.broadcast %parallel_loop3A_145 : i32 to vector<16xi32>
        %parallel_loop3A_147 = arith.andi %parallel_loop3A_144, %parallel_loop3A_146 : vector<16xi32>
        %parallel_loop3A_148 = vector.bitcast %parallel_loop3A_147 : vector<16xi32> to vector<16xf32>
        %parallel_loop3A_149 = arith.constant 16 : i32
        %parallel_loop3A_150 = vector.broadcast %parallel_loop3A_149 : i32 to vector<16xi32>
        %parallel_loop3A_151 = arith.shli %parallel_loop3A_144, %parallel_loop3A_150 : vector<16xi32>
        %parallel_loop3A_152 = vector.bitcast %parallel_loop3A_151 : vector<16xi32> to vector<16xf32>
        %parallel_loop3A_153 = arith.index_cast %parallel_loop3A_122 : i32 to index
        %parallel_loop3A_154 = arith.constant 32 : index
        %parallel_loop3A_155 = tpu.vector_load %arg10[%parallel_loop3A_153, %parallel_loop3A_154] {strides = array<i32>} : memref<128x64xf32, #tpu.memory_space<vmem>>, vector<16xf32>,
        tpu.vector_store %arg10[%parallel_loop3A_153, %parallel_loop3A_154], %parallel_loop3A_148 {add = true, strides = array<i32>} : memref<128x64xf32, #tpu.memory_space<vmem>>, vector<16xf32>,
        %parallel_loop3A_156 = arith.index_cast %parallel_loop3A_122 : i32 to index
        %parallel_loop3A_157 = arith.constant 48 : index
        %parallel_loop3A_158 = tpu.vector_load %arg10[%parallel_loop3A_156, %parallel_loop3A_157] {strides = array<i32>} : memref<128x64xf32, #tpu.memory_space<vmem>>, vector<16xf32>,
        tpu.vector_store %arg10[%parallel_loop3A_156, %parallel_loop3A_157], %parallel_loop3A_152 {add = true, strides = array<i32>} : memref<128x64xf32, #tpu.memory_space<vmem>>, vector<16xf32>,
      } {sc.loop_unroll_factor = 8 : i64, sc.parallel_access}
      %add3A_55 = arith.constant 4 : i32
      %add3A_56 = arith.addi %add3A_46, %add3A_55 : i32
      %lt3A = arith.constant 200 : i32
      %lt3A_57 = arith.cmpi slt, %add3A_56, %lt3A : i32
      %convert_element_type3A = arith.extui %lt3A_57 : i1 to i32
      %cond3A = arith.constant 0 : i32
      %cond3A_58 = arith.cmpi ne, %convert_element_type3A, %cond3A : i32
      scf.if %cond3A_58 {
        %add3A_122 = arith.constant 4 : i32
        %add3A_123 = arith.addi %add3A_46, %add3A_122 : i32
        %dma_start3A_124 = arith.constant 0 : i32
        %dma_start3A_125 = tpu.memref_slice %arg5[%add3A_123, %dma_start3A_124] : memref<200x128xi32, #tpu.memory_space<vmem>> -> memref<1x128xi32, #tpu.memory_space<vmem>>
        %dma_start3A_126 = tpu.memref_squeeze %dma_start3A_125 : memref<1x128xi32, #tpu.memory_space<vmem>> -> memref<128xi32, #tpu.memory_space<vmem>>
        %dma_start3A_127 = arith.constant 0 : i32
        %dma_start3A_128 = arith.constant 0 : i32
        %dma_start3A_129 = tpu.memref_slice %arg3[%dma_start3A_127, %dma_start3A_128] : memref<1000000x32xf32, #tpu.memory_space<hbm>> -> memref<1000000x32xf32, #tpu.memory_space<hbm>>
        tpu.enqueue_indirect_dma source(%dma_start3A_129 : memref<1000000x32xf32, #tpu.memory_space<hbm>>) target(%arg6 : memref<128x32xf32, #tpu.memory_space<vmem>>) offsets(%dma_start3A_126 : memref<128xi32, #tpu.memory_space<vmem>>) semaphore(%arg11 : memref<!tpu.dma_semaphore, #tpu.memory_space<semaphore_mem>>)
      } else {
      }
      %mul3A_59 = arith.constant 4 : i32
      %mul3A_60 = arith.muli %mul3A_59, %scan3A_42 : i32
      %add3A_61 = arith.constant 1 : i32
      %add3A_62 = arith.addi %mul3A_60, %add3A_61 : i32
      %dma_wait3A_63 = arith.constant 0 : i32
      %dma_wait3A_64 = arith.constant 0 : i32
      %dma_wait3A_65 = tpu.memref_slice %arg5[%dma_wait3A_63, %dma_wait3A_64] : memref<200x128xi32, #tpu.memory_space<vmem>> -> memref<1x128xi32, #tpu.memory_space<vmem>>
      %dma_wait3A_66 = tpu.memref_squeeze %dma_wait3A_65 : memref<1x128xi32, #tpu.memory_space<vmem>> -> memref<128xi32, #tpu.memory_space<vmem>>
      %dma_wait3A_67 = arith.constant 0 : i32
      %dma_wait3A_68 = arith.constant 0 : i32
      %dma_wait3A_69 = tpu.memref_slice %arg3[%dma_wait3A_67, %dma_wait3A_68] : memref<1000000x32xf32, #tpu.memory_space<hbm>> -> memref<1000000x32xf32, #tpu.memory_space<hbm>>
      tpu.wait_indirect_dma semaphore(%arg12 : memref<!tpu.dma_semaphore, #tpu.memory_space<semaphore_mem>>) src(%dma_wait3A_69 : memref<1000000x32xf32, #tpu.memory_space<hbm>>) dst(%arg7 : memref<128x32xf32, #tpu.memory_space<vmem>>)
      %parallel_loop3A_70 = arith.constant 0 : i32
      %parallel_loop3A_71 = arith.constant 128 : i32
      %parallel_loop3A_72 = arith.constant 1 : i32
      scf.for %parallel_loop3A_122 = %parallel_loop3A_70 to %parallel_loop3A_71 step %parallel_loop3A_72  : i32 {
        %parallel_loop3A_123 = arith.index_cast %parallel_loop3A_122 : i32 to index
        %parallel_loop3A_124 = arith.constant 0 : index
        %parallel_loop3A_125 = tpu.vector_load %arg7[%parallel_loop3A_123, %parallel_loop3A_124] {strides = array<i32>} : memref<128x32xf32, #tpu.memory_space<vmem>>, vector<16xf32>,
        %parallel_loop3A_126 = vector.bitcast %parallel_loop3A_125 : vector<16xf32> to vector<16xi32>
        %parallel_loop3A_127 = arith.constant -65536 : i32
        %parallel_loop3A_128 = vector.broadcast %parallel_loop3A_127 : i32 to vector<16xi32>
        %parallel_loop3A_129 = arith.andi %parallel_loop3A_126, %parallel_loop3A_128 : vector<16xi32>
        %parallel_loop3A_130 = vector.bitcast %parallel_loop3A_129 : vector<16xi32> to vector<16xf32>
        %parallel_loop3A_131 = arith.constant 16 : i32
        %parallel_loop3A_132 = vector.broadcast %parallel_loop3A_131 : i32 to vector<16xi32>
        %parallel_loop3A_133 = arith.shli %parallel_loop3A_126, %parallel_loop3A_132 : vector<16xi32>
        %parallel_loop3A_134 = vector.bitcast %parallel_loop3A_133 : vector<16xi32> to vector<16xf32>
        %parallel_loop3A_135 = arith.index_cast %parallel_loop3A_122 : i32 to index
        %parallel_loop3A_136 = arith.constant 0 : index
        %parallel_loop3A_137 = tpu.vector_load %arg10[%parallel_loop3A_135, %parallel_loop3A_136] {strides = array<i32>} : memref<128x64xf32, #tpu.memory_space<vmem>>, vector<16xf32>,
        tpu.vector_store %arg10[%parallel_loop3A_135, %parallel_loop3A_136], %parallel_loop3A_130 {add = true, strides = array<i32>} : memref<128x64xf32, #tpu.memory_space<vmem>>, vector<16xf32>,
        %parallel_loop3A_138 = arith.index_cast %parallel_loop3A_122 : i32 to index
        %parallel_loop3A_139 = arith.constant 16 : index
        %parallel_loop3A_140 = tpu.vector_load %arg10[%parallel_loop3A_138, %parallel_loop3A_139] {strides = array<i32>} : memref<128x64xf32, #tpu.memory_space<vmem>>, vector<16xf32>,
        tpu.vector_store %arg10[%parallel_loop3A_138, %parallel_loop3A_139], %parallel_loop3A_134 {add = true, strides = array<i32>} : memref<128x64xf32, #tpu.memory_space<vmem>>, vector<16xf32>,
        %parallel_loop3A_141 = arith.index_cast %parallel_loop3A_122 : i32 to index
        %parallel_loop3A_142 = arith.constant 16 : index
        %parallel_loop3A_143 = tpu.vector_load %arg7[%parallel_loop3A_141, %parallel_loop3A_142] {strides = array<i32>} : memref<128x32xf32, #tpu.memory_space<vmem>>, vector<16xf32>,
        %parallel_loop3A_144 = vector.bitcast %parallel_loop3A_143 : vector<16xf32> to vector<16xi32>
        %parallel_loop3A_145 = arith.constant -65536 : i32
        %parallel_loop3A_146 = vector.broadcast %parallel_loop3A_145 : i32 to vector<16xi32>
        %parallel_loop3A_147 = arith.andi %parallel_loop3A_144, %parallel_loop3A_146 : vector<16xi32>
        %parallel_loop3A_148 = vector.bitcast %parallel_loop3A_147 : vector<16xi32> to vector<16xf32>
        %parallel_loop3A_149 = arith.constant 16 : i32
        %parallel_loop3A_150 = vector.broadcast %parallel_loop3A_149 : i32 to vector<16xi32>
        %parallel_loop3A_151 = arith.shli %parallel_loop3A_144, %parallel_loop3A_150 : vector<16xi32>
        %parallel_loop3A_152 = vector.bitcast %parallel_loop3A_151 : vector<16xi32> to vector<16xf32>
        %parallel_loop3A_153 = arith.index_cast %parallel_loop3A_122 : i32 to index
        %parallel_loop3A_154 = arith.constant 32 : index
        %parallel_loop3A_155 = tpu.vector_load %arg10[%parallel_loop3A_153, %parallel_loop3A_154] {strides = array<i32>} : memref<128x64xf32, #tpu.memory_space<vmem>>, vector<16xf32>,
        tpu.vector_store %arg10[%parallel_loop3A_153, %parallel_loop3A_154], %parallel_loop3A_148 {add = true, strides = array<i32>} : memref<128x64xf32, #tpu.memory_space<vmem>>, vector<16xf32>,
        %parallel_loop3A_156 = arith.index_cast %parallel_loop3A_122 : i32 to index
        %parallel_loop3A_157 = arith.constant 48 : index
        %parallel_loop3A_158 = tpu.vector_load %arg10[%parallel_loop3A_156, %parallel_loop3A_157] {strides = array<i32>} : memref<128x64xf32, #tpu.memory_space<vmem>>, vector<16xf32>,
        tpu.vector_store %arg10[%parallel_loop3A_156, %parallel_loop3A_157], %parallel_loop3A_152 {add = true, strides = array<i32>} : memref<128x64xf32, #tpu.memory_space<vmem>>, vector<16xf32>,
      } {sc.loop_unroll_factor = 8 : i64, sc.parallel_access}
      %add3A_73 = arith.constant 4 : i32
      %add3A_74 = arith.addi %add3A_62, %add3A_73 : i32
      %lt3A_75 = arith.constant 200 : i32
      %lt3A_76 = arith.cmpi slt, %add3A_74, %lt3A_75 : i32
      %convert_element_type3A_77 = arith.extui %lt3A_76 : i1 to i32
      %cond3A_78 = arith.constant 0 : i32
      %cond3A_79 = arith.cmpi ne, %convert_element_type3A_77, %cond3A_78 : i32
      scf.if %cond3A_79 {
        %add3A_122 = arith.constant 4 : i32
        %add3A_123 = arith.addi %add3A_62, %add3A_122 : i32
        %dma_start3A_124 = arith.constant 0 : i32
        %dma_start3A_125 = tpu.memref_slice %arg5[%add3A_123, %dma_start3A_124] : memref<200x128xi32, #tpu.memory_space<vmem>> -> memref<1x128xi32, #tpu.memory_space<vmem>>
        %dma_start3A_126 = tpu.memref_squeeze %dma_start3A_125 : memref<1x128xi32, #tpu.memory_space<vmem>> -> memref<128xi32, #tpu.memory_space<vmem>>
        %dma_start3A_127 = arith.constant 0 : i32
        %dma_start3A_128 = arith.constant 0 : i32
        %dma_start3A_129 = tpu.memref_slice %arg3[%dma_start3A_127, %dma_start3A_128] : memref<1000000x32xf32, #tpu.memory_space<hbm>> -> memref<1000000x32xf32, #tpu.memory_space<hbm>>
        tpu.enqueue_indirect_dma source(%dma_start3A_129 : memref<1000000x32xf32, #tpu.memory_space<hbm>>) target(%arg7 : memref<128x32xf32, #tpu.memory_space<vmem>>) offsets(%dma_start3A_126 : memref<128xi32, #tpu.memory_space<vmem>>) semaphore(%arg12 : memref<!tpu.dma_semaphore, #tpu.memory_space<semaphore_mem>>)
      } else {
      }
      %mul3A_80 = arith.constant 4 : i32
      %mul3A_81 = arith.muli %mul3A_80, %scan3A_42 : i32
      %add3A_82 = arith.constant 2 : i32
      %add3A_83 = arith.addi %mul3A_81, %add3A_82 : i32
      %dma_wait3A_84 = arith.constant 0 : i32
      %dma_wait3A_85 = arith.constant 0 : i32
      %dma_wait3A_86 = tpu.memref_slice %arg5[%dma_wait3A_84, %dma_wait3A_85] : memref<200x128xi32, #tpu.memory_space<vmem>> -> memref<1x128xi32, #tpu.memory_space<vmem>>
      %dma_wait3A_87 = tpu.memref_squeeze %dma_wait3A_86 : memref<1x128xi32, #tpu.memory_space<vmem>> -> memref<128xi32, #tpu.memory_space<vmem>>
      %dma_wait3A_88 = arith.constant 0 : i32
      %dma_wait3A_89 = arith.constant 0 : i32
      %dma_wait3A_90 = tpu.memref_slice %arg3[%dma_wait3A_88, %dma_wait3A_89] : memref<1000000x32xf32, #tpu.memory_space<hbm>> -> memref<1000000x32xf32, #tpu.memory_space<hbm>>
      tpu.wait_indirect_dma semaphore(%arg13 : memref<!tpu.dma_semaphore, #tpu.memory_space<semaphore_mem>>) src(%dma_wait3A_90 : memref<1000000x32xf32, #tpu.memory_space<hbm>>) dst(%arg8 : memref<128x32xf32, #tpu.memory_space<vmem>>)
      %parallel_loop3A_91 = arith.constant 0 : i32
      %parallel_loop3A_92 = arith.constant 128 : i32
      %parallel_loop3A_93 = arith.constant 1 : i32
      scf.for %parallel_loop3A_122 = %parallel_loop3A_91 to %parallel_loop3A_92 step %parallel_loop3A_93  : i32 {
        %parallel_loop3A_123 = arith.index_cast %parallel_loop3A_122 : i32 to index
        %parallel_loop3A_124 = arith.constant 0 : index
        %parallel_loop3A_125 = tpu.vector_load %arg8[%parallel_loop3A_123, %parallel_loop3A_124] {strides = array<i32>} : memref<128x32xf32, #tpu.memory_space<vmem>>, vector<16xf32>,
        %parallel_loop3A_126 = vector.bitcast %parallel_loop3A_125 : vector<16xf32> to vector<16xi32>
        %parallel_loop3A_127 = arith.constant -65536 : i32
        %parallel_loop3A_128 = vector.broadcast %parallel_loop3A_127 : i32 to vector<16xi32>
        %parallel_loop3A_129 = arith.andi %parallel_loop3A_126, %parallel_loop3A_128 : vector<16xi32>
        %parallel_loop3A_130 = vector.bitcast %parallel_loop3A_129 : vector<16xi32> to vector<16xf32>
        %parallel_loop3A_131 = arith.constant 16 : i32
        %parallel_loop3A_132 = vector.broadcast %parallel_loop3A_131 : i32 to vector<16xi32>
        %parallel_loop3A_133 = arith.shli %parallel_loop3A_126, %parallel_loop3A_132 : vector<16xi32>
        %parallel_loop3A_134 = vector.bitcast %parallel_loop3A_133 : vector<16xi32> to vector<16xf32>
        %parallel_loop3A_135 = arith.index_cast %parallel_loop3A_122 : i32 to index
        %parallel_loop3A_136 = arith.constant 0 : index
        %parallel_loop3A_137 = tpu.vector_load %arg10[%parallel_loop3A_135, %parallel_loop3A_136] {strides = array<i32>} : memref<128x64xf32, #tpu.memory_space<vmem>>, vector<16xf32>,
        tpu.vector_store %arg10[%parallel_loop3A_135, %parallel_loop3A_136], %parallel_loop3A_130 {add = true, strides = array<i32>} : memref<128x64xf32, #tpu.memory_space<vmem>>, vector<16xf32>,
        %parallel_loop3A_138 = arith.index_cast %parallel_loop3A_122 : i32 to index
        %parallel_loop3A_139 = arith.constant 16 : index
        %parallel_loop3A_140 = tpu.vector_load %arg10[%parallel_loop3A_138, %parallel_loop3A_139] {strides = array<i32>} : memref<128x64xf32, #tpu.memory_space<vmem>>, vector<16xf32>,
        tpu.vector_store %arg10[%parallel_loop3A_138, %parallel_loop3A_139], %parallel_loop3A_134 {add = true, strides = array<i32>} : memref<128x64xf32, #tpu.memory_space<vmem>>, vector<16xf32>,
        %parallel_loop3A_141 = arith.index_cast %parallel_loop3A_122 : i32 to index
        %parallel_loop3A_142 = arith.constant 16 : index
        %parallel_loop3A_143 = tpu.vector_load %arg8[%parallel_loop3A_141, %parallel_loop3A_142] {strides = array<i32>} : memref<128x32xf32, #tpu.memory_space<vmem>>, vector<16xf32>,
        %parallel_loop3A_144 = vector.bitcast %parallel_loop3A_143 : vector<16xf32> to vector<16xi32>
        %parallel_loop3A_145 = arith.constant -65536 : i32
        %parallel_loop3A_146 = vector.broadcast %parallel_loop3A_145 : i32 to vector<16xi32>
        %parallel_loop3A_147 = arith.andi %parallel_loop3A_144, %parallel_loop3A_146 : vector<16xi32>
        %parallel_loop3A_148 = vector.bitcast %parallel_loop3A_147 : vector<16xi32> to vector<16xf32>
        %parallel_loop3A_149 = arith.constant 16 : i32
        %parallel_loop3A_150 = vector.broadcast %parallel_loop3A_149 : i32 to vector<16xi32>
        %parallel_loop3A_151 = arith.shli %parallel_loop3A_144, %parallel_loop3A_150 : vector<16xi32>
        %parallel_loop3A_152 = vector.bitcast %parallel_loop3A_151 : vector<16xi32> to vector<16xf32>
        %parallel_loop3A_153 = arith.index_cast %parallel_loop3A_122 : i32 to index
        %parallel_loop3A_154 = arith.constant 32 : index
        %parallel_loop3A_155 = tpu.vector_load %arg10[%parallel_loop3A_153, %parallel_loop3A_154] {strides = array<i32>} : memref<128x64xf32, #tpu.memory_space<vmem>>, vector<16xf32>,
        tpu.vector_store %arg10[%parallel_loop3A_153, %parallel_loop3A_154], %parallel_loop3A_148 {add = true, strides = array<i32>} : memref<128x64xf32, #tpu.memory_space<vmem>>, vector<16xf32>,
        %parallel_loop3A_156 = arith.index_cast %parallel_loop3A_122 : i32 to index
        %parallel_loop3A_157 = arith.constant 48 : index
        %parallel_loop3A_158 = tpu.vector_load %arg10[%parallel_loop3A_156, %parallel_loop3A_157] {strides = array<i32>} : memref<128x64xf32, #tpu.memory_space<vmem>>, vector<16xf32>,
        tpu.vector_store %arg10[%parallel_loop3A_156, %parallel_loop3A_157], %parallel_loop3A_152 {add = true, strides = array<i32>} : memref<128x64xf32, #tpu.memory_space<vmem>>, vector<16xf32>,
      } {sc.loop_unroll_factor = 8 : i64, sc.parallel_access}
      %add3A_94 = arith.constant 4 : i32
      %add3A_95 = arith.addi %add3A_83, %add3A_94 : i32
      %lt3A_96 = arith.constant 200 : i32
      %lt3A_97 = arith.cmpi slt, %add3A_95, %lt3A_96 : i32
      %convert_element_type3A_98 = arith.extui %lt3A_97 : i1 to i32
      %cond3A_99 = arith.constant 0 : i32
      %cond3A_100 = arith.cmpi ne, %convert_element_type3A_98, %cond3A_99 : i32
      scf.if %cond3A_100 {
        %add3A_122 = arith.constant 4 : i32
        %add3A_123 = arith.addi %add3A_83, %add3A_122 : i32
        %dma_start3A_124 = arith.constant 0 : i32
        %dma_start3A_125 = tpu.memref_slice %arg5[%add3A_123, %dma_start3A_124] : memref<200x128xi32, #tpu.memory_space<vmem>> -> memref<1x128xi32, #tpu.memory_space<vmem>>
        %dma_start3A_126 = tpu.memref_squeeze %dma_start3A_125 : memref<1x128xi32, #tpu.memory_space<vmem>> -> memref<128xi32, #tpu.memory_space<vmem>>
        %dma_start3A_127 = arith.constant 0 : i32
        %dma_start3A_128 = arith.constant 0 : i32
        %dma_start3A_129 = tpu.memref_slice %arg3[%dma_start3A_127, %dma_start3A_128] : memref<1000000x32xf32, #tpu.memory_space<hbm>> -> memref<1000000x32xf32, #tpu.memory_space<hbm>>
        tpu.enqueue_indirect_dma source(%dma_start3A_129 : memref<1000000x32xf32, #tpu.memory_space<hbm>>) target(%arg8 : memref<128x32xf32, #tpu.memory_space<vmem>>) offsets(%dma_start3A_126 : memref<128xi32, #tpu.memory_space<vmem>>) semaphore(%arg13 : memref<!tpu.dma_semaphore, #tpu.memory_space<semaphore_mem>>)
      } else {
      }
      %mul3A_101 = arith.constant 4 : i32
      %mul3A_102 = arith.muli %mul3A_101, %scan3A_42 : i32
      %add3A_103 = arith.constant 3 : i32
      %add3A_104 = arith.addi %mul3A_102, %add3A_103 : i32
      %dma_wait3A_105 = arith.constant 0 : i32
      %dma_wait3A_106 = arith.constant 0 : i32
      %dma_wait3A_107 = tpu.memref_slice %arg5[%dma_wait3A_105, %dma_wait3A_106] : memref<200x128xi32, #tpu.memory_space<vmem>> -> memref<1x128xi32, #tpu.memory_space<vmem>>
      %dma_wait3A_108 = tpu.memref_squeeze %dma_wait3A_107 : memref<1x128xi32, #tpu.memory_space<vmem>> -> memref<128xi32, #tpu.memory_space<vmem>>
      %dma_wait3A_109 = arith.constant 0 : i32
      %dma_wait3A_110 = arith.constant 0 : i32
      %dma_wait3A_111 = tpu.memref_slice %arg3[%dma_wait3A_109, %dma_wait3A_110] : memref<1000000x32xf32, #tpu.memory_space<hbm>> -> memref<1000000x32xf32, #tpu.memory_space<hbm>>
      tpu.wait_indirect_dma semaphore(%arg14 : memref<!tpu.dma_semaphore, #tpu.memory_space<semaphore_mem>>) src(%dma_wait3A_111 : memref<1000000x32xf32, #tpu.memory_space<hbm>>) dst(%arg9 : memref<128x32xf32, #tpu.memory_space<vmem>>)
      %parallel_loop3A_112 = arith.constant 0 : i32
      %parallel_loop3A_113 = arith.constant 128 : i32
      %parallel_loop3A_114 = arith.constant 1 : i32
      scf.for %parallel_loop3A_122 = %parallel_loop3A_112 to %parallel_loop3A_113 step %parallel_loop3A_114  : i32 {
        %parallel_loop3A_123 = arith.index_cast %parallel_loop3A_122 : i32 to index
        %parallel_loop3A_124 = arith.constant 0 : index
        %parallel_loop3A_125 = tpu.vector_load %arg9[%parallel_loop3A_123, %parallel_loop3A_124] {strides = array<i32>} : memref<128x32xf32, #tpu.memory_space<vmem>>, vector<16xf32>,
        %parallel_loop3A_126 = vector.bitcast %parallel_loop3A_125 : vector<16xf32> to vector<16xi32>
        %parallel_loop3A_127 = arith.constant -65536 : i32
        %parallel_loop3A_128 = vector.broadcast %parallel_loop3A_127 : i32 to vector<16xi32>
        %parallel_loop3A_129 = arith.andi %parallel_loop3A_126, %parallel_loop3A_128 : vector<16xi32>
        %parallel_loop3A_130 = vector.bitcast %parallel_loop3A_129 : vector<16xi32> to vector<16xf32>
        %parallel_loop3A_131 = arith.constant 16 : i32
        %parallel_loop3A_132 = vector.broadcast %parallel_loop3A_131 : i32 to vector<16xi32>
        %parallel_loop3A_133 = arith.shli %parallel_loop3A_126, %parallel_loop3A_132 : vector<16xi32>
        %parallel_loop3A_134 = vector.bitcast %parallel_loop3A_133 : vector<16xi32> to vector<16xf32>
        %parallel_loop3A_135 = arith.index_cast %parallel_loop3A_122 : i32 to index
        %parallel_loop3A_136 = arith.constant 0 : index
        %parallel_loop3A_137 = tpu.vector_load %arg10[%parallel_loop3A_135, %parallel_loop3A_136] {strides = array<i32>} : memref<128x64xf32, #tpu.memory_space<vmem>>, vector<16xf32>,
        tpu.vector_store %arg10[%parallel_loop3A_135, %parallel_loop3A_136], %parallel_loop3A_130 {add = true, strides = array<i32>} : memref<128x64xf32, #tpu.memory_space<vmem>>, vector<16xf32>,
        %parallel_loop3A_138 = arith.index_cast %parallel_loop3A_122 : i32 to index
        %parallel_loop3A_139 = arith.constant 16 : index
        %parallel_loop3A_140 = tpu.vector_load %arg10[%parallel_loop3A_138, %parallel_loop3A_139] {strides = array<i32>} : memref<128x64xf32, #tpu.memory_space<vmem>>, vector<16xf32>,
        tpu.vector_store %arg10[%parallel_loop3A_138, %parallel_loop3A_139], %parallel_loop3A_134 {add = true, strides = array<i32>} : memref<128x64xf32, #tpu.memory_space<vmem>>, vector<16xf32>,
        %parallel_loop3A_141 = arith.index_cast %parallel_loop3A_122 : i32 to index
        %parallel_loop3A_142 = arith.constant 16 : index
        %parallel_loop3A_143 = tpu.vector_load %arg9[%parallel_loop3A_141, %parallel_loop3A_142] {strides = array<i32>} : memref<128x32xf32, #tpu.memory_space<vmem>>, vector<16xf32>,
        %parallel_loop3A_144 = vector.bitcast %parallel_loop3A_143 : vector<16xf32> to vector<16xi32>
        %parallel_loop3A_145 = arith.constant -65536 : i32
        %parallel_loop3A_146 = vector.broadcast %parallel_loop3A_145 : i32 to vector<16xi32>
        %parallel_loop3A_147 = arith.andi %parallel_loop3A_144, %parallel_loop3A_146 : vector<16xi32>
        %parallel_loop3A_148 = vector.bitcast %parallel_loop3A_147 : vector<16xi32> to vector<16xf32>
        %parallel_loop3A_149 = arith.constant 16 : i32
        %parallel_loop3A_150 = vector.broadcast %parallel_loop3A_149 : i32 to vector<16xi32>
        %parallel_loop3A_151 = arith.shli %parallel_loop3A_144, %parallel_loop3A_150 : vector<16xi32>
        %parallel_loop3A_152 = vector.bitcast %parallel_loop3A_151 : vector<16xi32> to vector<16xf32>
        %parallel_loop3A_153 = arith.index_cast %parallel_loop3A_122 : i32 to index
        %parallel_loop3A_154 = arith.constant 32 : index
        %parallel_loop3A_155 = tpu.vector_load %arg10[%parallel_loop3A_153, %parallel_loop3A_154] {strides = array<i32>} : memref<128x64xf32, #tpu.memory_space<vmem>>, vector<16xf32>,
        tpu.vector_store %arg10[%parallel_loop3A_153, %parallel_loop3A_154], %parallel_loop3A_148 {add = true, strides = array<i32>} : memref<128x64xf32, #tpu.memory_space<vmem>>, vector<16xf32>,
        %parallel_loop3A_156 = arith.index_cast %parallel_loop3A_122 : i32 to index
        %parallel_loop3A_157 = arith.constant 48 : index
        %parallel_loop3A_158 = tpu.vector_load %arg10[%parallel_loop3A_156, %parallel_loop3A_157] {strides = array<i32>} : memref<128x64xf32, #tpu.memory_space<vmem>>, vector<16xf32>,
        tpu.vector_store %arg10[%parallel_loop3A_156, %parallel_loop3A_157], %parallel_loop3A_152 {add = true, strides = array<i32>} : memref<128x64xf32, #tpu.memory_space<vmem>>, vector<16xf32>,
      } {sc.loop_unroll_factor = 8 : i64, sc.parallel_access}
      %add3A_115 = arith.constant 4 : i32
      %add3A_116 = arith.addi %add3A_104, %add3A_115 : i32
      %lt3A_117 = arith.constant 200 : i32
      %lt3A_118 = arith.cmpi slt, %add3A_116, %lt3A_117 : i32
      %convert_element_type3A_119 = arith.extui %lt3A_118 : i1 to i32
      %cond3A_120 = arith.constant 0 : i32
      %cond3A_121 = arith.cmpi ne, %convert_element_type3A_119, %cond3A_120 : i32
      scf.if %cond3A_121 {
        %add3A_122 = arith.constant 4 : i32
        %add3A_123 = arith.addi %add3A_104, %add3A_122 : i32
        %dma_start3A_124 = arith.constant 0 : i32
        %dma_start3A_125 = tpu.memref_slice %arg5[%add3A_123, %dma_start3A_124] : memref<200x128xi32, #tpu.memory_space<vmem>> -> memref<1x128xi32, #tpu.memory_space<vmem>>
        %dma_start3A_126 = tpu.memref_squeeze %dma_start3A_125 : memref<1x128xi32, #tpu.memory_space<vmem>> -> memref<128xi32, #tpu.memory_space<vmem>>
        %dma_start3A_127 = arith.constant 0 : i32
        %dma_start3A_128 = arith.constant 0 : i32
        %dma_start3A_129 = tpu.memref_slice %arg3[%dma_start3A_127, %dma_start3A_128] : memref<1000000x32xf32, #tpu.memory_space<hbm>> -> memref<1000000x32xf32, #tpu.memory_space<hbm>>
        tpu.enqueue_indirect_dma source(%dma_start3A_129 : memref<1000000x32xf32, #tpu.memory_space<hbm>>) target(%arg9 : memref<128x32xf32, #tpu.memory_space<vmem>>) offsets(%dma_start3A_126 : memref<128xi32, #tpu.memory_space<vmem>>) semaphore(%arg14 : memref<!tpu.dma_semaphore, #tpu.memory_space<semaphore_mem>>)
      } else {
      }
    }
    %scan3A_41 = arith.constant 50 : i32
    "tpu.region"() ({
      %run_scoped3A = tpu.sem_alloc : memref<!tpu.dma_semaphore, #tpu.memory_space<semaphore_mem>>
      %dma_start3A_42 = arith.constant 0 : i32
      %dma_start3A_43 = tpu.memref_slice %arg4[%mul3A_2, %dma_start3A_42] : memref<4096x64xf32, #tpu.memory_space<hbm>> -> memref<128x64xf32, #tpu.memory_space<hbm>>
      %dma_start3A_44 = arith.constant 0 : i32
      %dma_start3A_45 = tpu.memref_slice %arg4[%mul3A_2, %dma_start3A_44] : memref<4096x64xf32, #tpu.memory_space<hbm>> -> memref<128x64xf32, #tpu.memory_space<hbm>>
      tpu.enqueue_dma source(%arg10 : memref<128x64xf32, #tpu.memory_space<vmem>>) target(%dma_start3A_45 : memref<128x64xf32, #tpu.memory_space<hbm>>) target_semaphore(%run_scoped3A : memref<!tpu.dma_semaphore, #tpu.memory_space<semaphore_mem>>)
      %dma_wait3A = arith.constant 0 : i32
      %dma_wait3A_46 = tpu.memref_slice %arg4[%mul3A_2, %dma_wait3A] : memref<4096x64xf32, #tpu.memory_space<hbm>> -> memref<128x64xf32, #tpu.memory_space<hbm>>
      %dma_wait3A_47 = arith.constant 0 : i32
      %dma_wait3A_48 = tpu.memref_slice %arg4[%mul3A_2, %dma_wait3A_47] : memref<4096x64xf32, #tpu.memory_space<hbm>> -> memref<128x64xf32, #tpu.memory_space<hbm>>
      tpu.wait_dma2 semaphore(%run_scoped3A : memref<!tpu.dma_semaphore, #tpu.memory_space<semaphore_mem>>) src(%arg10 : memref<128x64xf32, #tpu.memory_space<vmem>>) dst(%dma_wait3A_48 : memref<128x64xf32, #tpu.memory_space<hbm>>)
      tpu.yield
    }) : () -> ()
    return
  }
}

#map = affine_map<(d0, d1) -> (0, 0)>
#map1 = affine_map<(d0, d1) -> (0)>
module attributes {stable_mosaic.version = 14 : i64} {
  func.func @_sc_transpose(%arg0: i32, %arg1: i32, %arg2: memref<64x1000000xf32, #tpu.memory_space<hbm>>, %arg3: memref<32000000xf32, #tpu.memory_space<hbm>>, %arg4: memref<64x128xf32, #tpu.memory_space<vmem>>, %arg5: memref<64x128xf32, #tpu.memory_space<vmem>>, %arg6: memref<64x128xf32, #tpu.memory_space<vmem>>, %arg7: memref<4096xf32, #tpu.memory_space<vmem>>, %arg8: memref<4096xf32, #tpu.memory_space<vmem>>, %arg9: memref<4096xf32, #tpu.memory_space<vmem>>, %arg10: memref<64x64xf32, #tpu.memory_space<vmem>>, %arg11: memref<!tpu.dma_semaphore, #tpu.memory_space<semaphore_mem>>, %arg12: memref<!tpu.dma_semaphore, #tpu.memory_space<semaphore_mem>>, %arg13: memref<!tpu.dma_semaphore, #tpu.memory_space<semaphore_mem>>, %arg14: memref<!tpu.dma_semaphore, #tpu.memory_space<semaphore_mem>>, %arg15: memref<!tpu.dma_semaphore, #tpu.memory_space<semaphore_mem>>, %arg16: memref<!tpu.dma_semaphore, #tpu.memory_space<semaphore_mem>>) attributes {dimension_semantics = [#tpu.dimension_semantics<core_parallel>, #tpu.dimension_semantics<subcore_parallel>], iteration_bounds = array<i64: 2, 16>, scalar_prefetch = 0 : i64, scratch_operands = 13 : i64, tpu.core_type = #tpu.core_type<sc_vector_subcore>, window_params = [{transform_indices = #map}, {transform_indices = #map1}]} {
    %mul3A = arith.constant 16 : i32
    %mul3A_0 = arith.muli %arg0, %mul3A : i32
    %add3A = arith.addi %mul3A_0, %arg1 : i32
    %lt3A = arith.constant 4 : i32
    %lt3A_1 = arith.cmpi slt, %add3A, %lt3A : i32
    %jit3A = arith.constant 1 : i32
    %jit3A_2 = arith.constant 0 : i32
    %select_n3A = arith.select %lt3A_1, %jit3A, %jit3A_2 : i32
    %add3A_3 = arith.constant 244 : i32
    %add3A_4 = arith.addi %add3A_3, %select_n3A : i32
    %mul3A_5 = arith.constant 244 : i32
    %mul3A_6 = arith.muli %add3A, %mul3A_5 : i32
    %min3A = arith.constant 4 : i32
    %min3A_7 = arith.minsi %add3A, %min3A : i32
    %add3A_8 = arith.addi %mul3A_6, %min3A_7 : i32
    %iota3A = tpu.iota {dimensions = array<i32: 0>} : vector<16xi32>
    %add3A_9 = arith.constant 0 : i32
    %add3A_10 = vector.broadcast %add3A_9 : i32 to vector<16xi32>
    %add3A_11 = arith.addi %add3A_10, %iota3A : vector<16xi32>
    %add3A_12 = arith.constant 16 : i32
    %add3A_13 = vector.broadcast %add3A_12 : i32 to vector<16xi32>
    %add3A_14 = arith.addi %add3A_13, %iota3A : vector<16xi32>
    %add3A_15 = arith.constant 32 : i32
    %add3A_16 = vector.broadcast %add3A_15 : i32 to vector<16xi32>
    %add3A_17 = arith.addi %add3A_16, %iota3A : vector<16xi32>
    %add3A_18 = arith.constant 48 : i32
    %add3A_19 = vector.broadcast %add3A_18 : i32 to vector<16xi32>
    %add3A_20 = arith.addi %add3A_19, %iota3A : vector<16xi32>
    %broadcast_in_dim3A = arith.constant 0 : i32
    %broadcast_in_dim3A_21 = vector.broadcast %broadcast_in_dim3A : i32 to vector<16xi32>
    %gt3A = arith.constant 0 : i32
    %gt3A_22 = arith.cmpi sgt, %add3A_4, %gt3A : i32
    %convert_element_type3A = arith.extui %gt3A_22 : i1 to i32
    %cond3A = arith.constant 0 : i32
    %cond3A_23 = arith.cmpi ne, %convert_element_type3A, %cond3A : i32
    scf.if %cond3A_23 {
      %add3A_58 = arith.constant 0 : i32
      %add3A_59 = arith.addi %add3A_8, %add3A_58 : i32
      %mul3A_60 = arith.constant 128 : i32
      %mul3A_61 = arith.muli %add3A_59, %mul3A_60 : i32
      %dma_start3A = arith.constant 0 : i32
      %dma_start3A_62 = tpu.memref_slice %arg2[%dma_start3A, %mul3A_61] : memref<64x1000000xf32, #tpu.memory_space<hbm>> -> memref<64x128xf32, #tpu.memory_space<hbm>>
      %dma_start3A_63 = arith.constant 0 : i32
      %dma_start3A_64 = tpu.memref_slice %arg2[%dma_start3A_63, %mul3A_61] : memref<64x1000000xf32, #tpu.memory_space<hbm>> -> memref<64x128xf32, #tpu.memory_space<hbm>>
      tpu.enqueue_dma source(%dma_start3A_64 : memref<64x128xf32, #tpu.memory_space<hbm>>) target(%arg4 : memref<64x128xf32, #tpu.memory_space<vmem>>) target_semaphore(%arg11 : memref<!tpu.dma_semaphore, #tpu.memory_space<semaphore_mem>>)
    } else {
    }
    %gt3A_24 = arith.constant 1 : i32
    %gt3A_25 = arith.cmpi sgt, %add3A_4, %gt3A_24 : i32
    %convert_element_type3A_26 = arith.extui %gt3A_25 : i1 to i32
    %cond3A_27 = arith.constant 0 : i32
    %cond3A_28 = arith.cmpi ne, %convert_element_type3A_26, %cond3A_27 : i32
    scf.if %cond3A_28 {
      %add3A_58 = arith.constant 1 : i32
      %add3A_59 = arith.addi %add3A_8, %add3A_58 : i32
      %mul3A_60 = arith.constant 128 : i32
      %mul3A_61 = arith.muli %add3A_59, %mul3A_60 : i32
      %dma_start3A = arith.constant 0 : i32
      %dma_start3A_62 = tpu.memref_slice %arg2[%dma_start3A, %mul3A_61] : memref<64x1000000xf32, #tpu.memory_space<hbm>> -> memref<64x128xf32, #tpu.memory_space<hbm>>
      %dma_start3A_63 = arith.constant 0 : i32
      %dma_start3A_64 = tpu.memref_slice %arg2[%dma_start3A_63, %mul3A_61] : memref<64x1000000xf32, #tpu.memory_space<hbm>> -> memref<64x128xf32, #tpu.memory_space<hbm>>
      tpu.enqueue_dma source(%dma_start3A_64 : memref<64x128xf32, #tpu.memory_space<hbm>>) target(%arg5 : memref<64x128xf32, #tpu.memory_space<vmem>>) target_semaphore(%arg12 : memref<!tpu.dma_semaphore, #tpu.memory_space<semaphore_mem>>)
    } else {
    }
    %gt3A_29 = arith.constant 2 : i32
    %gt3A_30 = arith.cmpi sgt, %add3A_4, %gt3A_29 : i32
    %convert_element_type3A_31 = arith.extui %gt3A_30 : i1 to i32
    %cond3A_32 = arith.constant 0 : i32
    %cond3A_33 = arith.cmpi ne, %convert_element_type3A_31, %cond3A_32 : i32
    scf.if %cond3A_33 {
      %add3A_58 = arith.constant 2 : i32
      %add3A_59 = arith.addi %add3A_8, %add3A_58 : i32
      %mul3A_60 = arith.constant 128 : i32
      %mul3A_61 = arith.muli %add3A_59, %mul3A_60 : i32
      %dma_start3A = arith.constant 0 : i32
      %dma_start3A_62 = tpu.memref_slice %arg2[%dma_start3A, %mul3A_61] : memref<64x1000000xf32, #tpu.memory_space<hbm>> -> memref<64x128xf32, #tpu.memory_space<hbm>>
      %dma_start3A_63 = arith.constant 0 : i32
      %dma_start3A_64 = tpu.memref_slice %arg2[%dma_start3A_63, %mul3A_61] : memref<64x1000000xf32, #tpu.memory_space<hbm>> -> memref<64x128xf32, #tpu.memory_space<hbm>>
      tpu.enqueue_dma source(%dma_start3A_64 : memref<64x128xf32, #tpu.memory_space<hbm>>) target(%arg6 : memref<64x128xf32, #tpu.memory_space<vmem>>) target_semaphore(%arg13 : memref<!tpu.dma_semaphore, #tpu.memory_space<semaphore_mem>>)
    } else {
    }
    %scan3A = arith.constant 0 : i32
    %scan3A_34 = arith.constant 0 : i32
    %scan3A_35 = arith.constant 82 : i32
    %scan3A_36 = arith.addi %scan3A_34, %scan3A_35 : i32
    %scan3A_37 = arith.constant 1 : i32
    scf.for %scan3A_58 = %scan3A_34 to %scan3A_36 step %scan3A_37  : i32 {
      %mul3A_59 = arith.constant 3 : i32
      %mul3A_60 = arith.muli %scan3A_58, %mul3A_59 : i32
      %add3A_61 = arith.constant 0 : i32
      %add3A_62 = arith.addi %mul3A_60, %add3A_61 : i32
      %lt3A_63 = arith.cmpi slt, %add3A_62, %add3A_4 : i32
      %convert_element_type3A_64 = arith.extui %lt3A_63 : i1 to i32
      %cond3A_65 = arith.constant 0 : i32
      %cond3A_66 = arith.cmpi ne, %convert_element_type3A_64, %cond3A_65 : i32
      scf.if %cond3A_66 {
        %dma_wait3A = arith.constant 0 : i32
        %dma_wait3A_83 = arith.constant 0 : i32
        %dma_wait3A_84 = tpu.memref_slice %arg2[%dma_wait3A, %dma_wait3A_83] : memref<64x1000000xf32, #tpu.memory_space<hbm>> -> memref<64x128xf32, #tpu.memory_space<hbm>>
        %dma_wait3A_85 = arith.constant 0 : i32
        %dma_wait3A_86 = arith.constant 0 : i32
        %dma_wait3A_87 = tpu.memref_slice %arg2[%dma_wait3A_85, %dma_wait3A_86] : memref<64x1000000xf32, #tpu.memory_space<hbm>> -> memref<64x128xf32, #tpu.memory_space<hbm>>
        tpu.wait_dma2 semaphore(%arg11 : memref<!tpu.dma_semaphore, #tpu.memory_space<semaphore_mem>>) src(%dma_wait3A_87 : memref<64x128xf32, #tpu.memory_space<hbm>>) dst(%arg4 : memref<64x128xf32, #tpu.memory_space<vmem>>)
        %ge3A = arith.constant 3 : i32
        %ge3A_88 = arith.cmpi sge, %add3A_62, %ge3A : i32
        %convert_element_type3A_89 = arith.extui %ge3A_88 : i1 to i32
        %cond3A_90 = arith.constant 0 : i32
        %cond3A_91 = arith.cmpi ne, %convert_element_type3A_89, %cond3A_90 : i32
        scf.if %cond3A_91 {
          %dma_wait3A_105 = arith.constant 0 : i32
          %dma_wait3A_106 = tpu.memref_slice %arg3[%dma_wait3A_105] : memref<32000000xf32, #tpu.memory_space<hbm>> -> memref<4096xf32, #tpu.memory_space<hbm>>
          %dma_wait3A_107 = arith.constant 0 : i32
          %dma_wait3A_108 = tpu.memref_slice %arg3[%dma_wait3A_107] : memref<32000000xf32, #tpu.memory_space<hbm>> -> memref<4096xf32, #tpu.memory_space<hbm>>
          tpu.wait_dma2 semaphore(%arg14 : memref<!tpu.dma_semaphore, #tpu.memory_space<semaphore_mem>>) src(%arg7 : memref<4096xf32, #tpu.memory_space<vmem>>) dst(%dma_wait3A_108 : memref<4096xf32, #tpu.memory_space<hbm>>)
        } else {
        }
        %parallel_loop3A = arith.constant 0 : i32
        %parallel_loop3A_92 = arith.constant 128 : i32
        %parallel_loop3A_93 = arith.constant 1 : i32
        %parallel_loop3A_94 = scf.for %parallel_loop3A_105 = %parallel_loop3A to %parallel_loop3A_92 step %parallel_loop3A_93 iter_args(%parallel_loop3A_106 = %broadcast_in_dim3A_21) -> (vector<16xi32>)  : i32 {
          %parallel_loop3A_107 = arith.addi %parallel_loop3A_106, %iota3A : vector<16xi32>
          %parallel_loop3A_108 = arith.constant 127 : i32
          %parallel_loop3A_109 = vector.broadcast %parallel_loop3A_108 : i32 to vector<16xi32>
          %parallel_loop3A_110 = arith.andi %parallel_loop3A_107, %parallel_loop3A_109 : vector<16xi32>
          %parallel_loop3A_111 = arith.constant 32 : i32
          %parallel_loop3A_112 = vector.broadcast %parallel_loop3A_111 : i32 to vector<16xi32>
          %parallel_loop3A_113 = arith.muli %parallel_loop3A_110, %parallel_loop3A_112 : vector<16xi32>
          %parallel_loop3A_114 = tpu.vector_load_idx %arg4[%add3A_11, %parallel_loop3A_110] : memref<64x128xf32, #tpu.memory_space<vmem>>[vector<16xi32>, vector<16xi32>], vector<16xf32>,
          %parallel_loop3A_115 = tpu.vector_load_idx %arg4[%add3A_14, %parallel_loop3A_110] : memref<64x128xf32, #tpu.memory_space<vmem>>[vector<16xi32>, vector<16xi32>], vector<16xf32>,
          %parallel_loop3A_116 = vector.bitcast %parallel_loop3A_114 : vector<16xf32> to vector<16xi32>
          %parallel_loop3A_117 = arith.constant -65536 : i32
          %parallel_loop3A_118 = vector.broadcast %parallel_loop3A_117 : i32 to vector<16xi32>
          %parallel_loop3A_119 = arith.andi %parallel_loop3A_116, %parallel_loop3A_118 : vector<16xi32>
          %parallel_loop3A_120 = vector.bitcast %parallel_loop3A_115 : vector<16xf32> to vector<16xi32>
          %parallel_loop3A_121 = arith.constant 16 : i32
          %parallel_loop3A_122 = vector.broadcast %parallel_loop3A_121 : i32 to vector<16xi32>
          %parallel_loop3A_123 = arith.shrui %parallel_loop3A_120, %parallel_loop3A_122 : vector<16xi32>
          %parallel_loop3A_124 = arith.ori %parallel_loop3A_119, %parallel_loop3A_123 : vector<16xi32>
          %parallel_loop3A_125 = arith.constant 0 : i32
          %parallel_loop3A_126 = vector.broadcast %parallel_loop3A_125 : i32 to vector<16xi32>
          %parallel_loop3A_127 = arith.addi %parallel_loop3A_113, %parallel_loop3A_126 : vector<16xi32>
          %parallel_loop3A_128 = arith.addi %parallel_loop3A_127, %iota3A : vector<16xi32>
          %parallel_loop3A_129 = vector.bitcast %parallel_loop3A_124 : vector<16xi32> to vector<16xf32>
          tpu.vector_store_idx %arg7[%parallel_loop3A_128], %parallel_loop3A_129 : memref<4096xf32, #tpu.memory_space<vmem>>[vector<16xi32>], vector<16xf32>,
          %parallel_loop3A_130 = tpu.vector_load_idx %arg4[%add3A_17, %parallel_loop3A_110] : memref<64x128xf32, #tpu.memory_space<vmem>>[vector<16xi32>, vector<16xi32>], vector<16xf32>,
          %parallel_loop3A_131 = tpu.vector_load_idx %arg4[%add3A_20, %parallel_loop3A_110] : memref<64x128xf32, #tpu.memory_space<vmem>>[vector<16xi32>, vector<16xi32>], vector<16xf32>,
          %parallel_loop3A_132 = vector.bitcast %parallel_loop3A_130 : vector<16xf32> to vector<16xi32>
          %parallel_loop3A_133 = arith.constant -65536 : i32
          %parallel_loop3A_134 = vector.broadcast %parallel_loop3A_133 : i32 to vector<16xi32>
          %parallel_loop3A_135 = arith.andi %parallel_loop3A_132, %parallel_loop3A_134 : vector<16xi32>
          %parallel_loop3A_136 = vector.bitcast %parallel_loop3A_131 : vector<16xf32> to vector<16xi32>
          %parallel_loop3A_137 = arith.constant 16 : i32
          %parallel_loop3A_138 = vector.broadcast %parallel_loop3A_137 : i32 to vector<16xi32>
          %parallel_loop3A_139 = arith.shrui %parallel_loop3A_136, %parallel_loop3A_138 : vector<16xi32>
          %parallel_loop3A_140 = arith.ori %parallel_loop3A_135, %parallel_loop3A_139 : vector<16xi32>
          %parallel_loop3A_141 = arith.constant 16 : i32
          %parallel_loop3A_142 = vector.broadcast %parallel_loop3A_141 : i32 to vector<16xi32>
          %parallel_loop3A_143 = arith.addi %parallel_loop3A_113, %parallel_loop3A_142 : vector<16xi32>
          %parallel_loop3A_144 = arith.addi %parallel_loop3A_143, %iota3A : vector<16xi32>
          %parallel_loop3A_145 = vector.bitcast %parallel_loop3A_140 : vector<16xi32> to vector<16xf32>
          tpu.vector_store_idx %arg7[%parallel_loop3A_144], %parallel_loop3A_145 : memref<4096xf32, #tpu.memory_space<vmem>>[vector<16xi32>], vector<16xf32>,
          %parallel_loop3A_146 = arith.constant 1 : i32
          %parallel_loop3A_147 = vector.broadcast %parallel_loop3A_146 : i32 to vector<16xi32>
          %parallel_loop3A_148 = arith.addi %parallel_loop3A_106, %parallel_loop3A_147 : vector<16xi32>
          scf.yield %parallel_loop3A_148 : vector<16xi32>
        } {sc.loop_unroll_factor = 8 : i64, sc.parallel_access}
        %add3A_95 = arith.addi %add3A_8, %add3A_62 : i32
        %mul3A_96 = arith.constant 4096 : i32
        %mul3A_97 = arith.muli %add3A_95, %mul3A_96 : i32
        %dma_start3A = tpu.memref_slice %arg3[%mul3A_97] : memref<32000000xf32, #tpu.memory_space<hbm>> -> memref<4096xf32, #tpu.memory_space<hbm>>
        %dma_start3A_98 = tpu.memref_slice %arg3[%mul3A_97] : memref<32000000xf32, #tpu.memory_space<hbm>> -> memref<4096xf32, #tpu.memory_space<hbm>>
        tpu.enqueue_dma source(%arg7 : memref<4096xf32, #tpu.memory_space<vmem>>) target(%dma_start3A_98 : memref<4096xf32, #tpu.memory_space<hbm>>) target_semaphore(%arg14 : memref<!tpu.dma_semaphore, #tpu.memory_space<semaphore_mem>>)
        %add3A_99 = arith.constant 3 : i32
        %add3A_100 = arith.addi %add3A_62, %add3A_99 : i32
        %lt3A_101 = arith.cmpi slt, %add3A_100, %add3A_4 : i32
        %convert_element_type3A_102 = arith.extui %lt3A_101 : i1 to i32
        %cond3A_103 = arith.constant 0 : i32
        %cond3A_104 = arith.cmpi ne, %convert_element_type3A_102, %cond3A_103 : i32
        scf.if %cond3A_104 {
          %add3A_105 = arith.constant 3 : i32
          %add3A_106 = arith.addi %add3A_62, %add3A_105 : i32
          %add3A_107 = arith.addi %add3A_8, %add3A_106 : i32
          %mul3A_108 = arith.constant 128 : i32
          %mul3A_109 = arith.muli %add3A_107, %mul3A_108 : i32
          %dma_start3A_110 = arith.constant 0 : i32
          %dma_start3A_111 = tpu.memref_slice %arg2[%dma_start3A_110, %mul3A_109] : memref<64x1000000xf32, #tpu.memory_space<hbm>> -> memref<64x128xf32, #tpu.memory_space<hbm>>
          %dma_start3A_112 = arith.constant 0 : i32
          %dma_start3A_113 = tpu.memref_slice %arg2[%dma_start3A_112, %mul3A_109] : memref<64x1000000xf32, #tpu.memory_space<hbm>> -> memref<64x128xf32, #tpu.memory_space<hbm>>
          tpu.enqueue_dma source(%dma_start3A_113 : memref<64x128xf32, #tpu.memory_space<hbm>>) target(%arg4 : memref<64x128xf32, #tpu.memory_space<vmem>>) target_semaphore(%arg11 : memref<!tpu.dma_semaphore, #tpu.memory_space<semaphore_mem>>)
        } else {
        }
      } else {
      }
      %mul3A_67 = arith.constant 3 : i32
      %mul3A_68 = arith.muli %scan3A_58, %mul3A_67 : i32
      %add3A_69 = arith.constant 1 : i32
      %add3A_70 = arith.addi %mul3A_68, %add3A_69 : i32
      %lt3A_71 = arith.cmpi slt, %add3A_70, %add3A_4 : i32
      %convert_element_type3A_72 = arith.extui %lt3A_71 : i1 to i32
      %cond3A_73 = arith.constant 0 : i32
      %cond3A_74 = arith.cmpi ne, %convert_element_type3A_72, %cond3A_73 : i32
      scf.if %cond3A_74 {
        %dma_wait3A = arith.constant 0 : i32
        %dma_wait3A_83 = arith.constant 0 : i32
        %dma_wait3A_84 = tpu.memref_slice %arg2[%dma_wait3A, %dma_wait3A_83] : memref<64x1000000xf32, #tpu.memory_space<hbm>> -> memref<64x128xf32, #tpu.memory_space<hbm>>
        %dma_wait3A_85 = arith.constant 0 : i32
        %dma_wait3A_86 = arith.constant 0 : i32
        %dma_wait3A_87 = tpu.memref_slice %arg2[%dma_wait3A_85, %dma_wait3A_86] : memref<64x1000000xf32, #tpu.memory_space<hbm>> -> memref<64x128xf32, #tpu.memory_space<hbm>>
        tpu.wait_dma2 semaphore(%arg12 : memref<!tpu.dma_semaphore, #tpu.memory_space<semaphore_mem>>) src(%dma_wait3A_87 : memref<64x128xf32, #tpu.memory_space<hbm>>) dst(%arg5 : memref<64x128xf32, #tpu.memory_space<vmem>>)
        %ge3A = arith.constant 3 : i32
        %ge3A_88 = arith.cmpi sge, %add3A_70, %ge3A : i32
        %convert_element_type3A_89 = arith.extui %ge3A_88 : i1 to i32
        %cond3A_90 = arith.constant 0 : i32
        %cond3A_91 = arith.cmpi ne, %convert_element_type3A_89, %cond3A_90 : i32
        scf.if %cond3A_91 {
          %dma_wait3A_105 = arith.constant 0 : i32
          %dma_wait3A_106 = tpu.memref_slice %arg3[%dma_wait3A_105] : memref<32000000xf32, #tpu.memory_space<hbm>> -> memref<4096xf32, #tpu.memory_space<hbm>>
          %dma_wait3A_107 = arith.constant 0 : i32
          %dma_wait3A_108 = tpu.memref_slice %arg3[%dma_wait3A_107] : memref<32000000xf32, #tpu.memory_space<hbm>> -> memref<4096xf32, #tpu.memory_space<hbm>>
          tpu.wait_dma2 semaphore(%arg15 : memref<!tpu.dma_semaphore, #tpu.memory_space<semaphore_mem>>) src(%arg8 : memref<4096xf32, #tpu.memory_space<vmem>>) dst(%dma_wait3A_108 : memref<4096xf32, #tpu.memory_space<hbm>>)
        } else {
        }
        %parallel_loop3A = arith.constant 0 : i32
        %parallel_loop3A_92 = arith.constant 128 : i32
        %parallel_loop3A_93 = arith.constant 1 : i32
        %parallel_loop3A_94 = scf.for %parallel_loop3A_105 = %parallel_loop3A to %parallel_loop3A_92 step %parallel_loop3A_93 iter_args(%parallel_loop3A_106 = %broadcast_in_dim3A_21) -> (vector<16xi32>)  : i32 {
          %parallel_loop3A_107 = arith.addi %parallel_loop3A_106, %iota3A : vector<16xi32>
          %parallel_loop3A_108 = arith.constant 127 : i32
          %parallel_loop3A_109 = vector.broadcast %parallel_loop3A_108 : i32 to vector<16xi32>
          %parallel_loop3A_110 = arith.andi %parallel_loop3A_107, %parallel_loop3A_109 : vector<16xi32>
          %parallel_loop3A_111 = arith.constant 32 : i32
          %parallel_loop3A_112 = vector.broadcast %parallel_loop3A_111 : i32 to vector<16xi32>
          %parallel_loop3A_113 = arith.muli %parallel_loop3A_110, %parallel_loop3A_112 : vector<16xi32>
          %parallel_loop3A_114 = tpu.vector_load_idx %arg5[%add3A_11, %parallel_loop3A_110] : memref<64x128xf32, #tpu.memory_space<vmem>>[vector<16xi32>, vector<16xi32>], vector<16xf32>,
          %parallel_loop3A_115 = tpu.vector_load_idx %arg5[%add3A_14, %parallel_loop3A_110] : memref<64x128xf32, #tpu.memory_space<vmem>>[vector<16xi32>, vector<16xi32>], vector<16xf32>,
          %parallel_loop3A_116 = vector.bitcast %parallel_loop3A_114 : vector<16xf32> to vector<16xi32>
          %parallel_loop3A_117 = arith.constant -65536 : i32
          %parallel_loop3A_118 = vector.broadcast %parallel_loop3A_117 : i32 to vector<16xi32>
          %parallel_loop3A_119 = arith.andi %parallel_loop3A_116, %parallel_loop3A_118 : vector<16xi32>
          %parallel_loop3A_120 = vector.bitcast %parallel_loop3A_115 : vector<16xf32> to vector<16xi32>
          %parallel_loop3A_121 = arith.constant 16 : i32
          %parallel_loop3A_122 = vector.broadcast %parallel_loop3A_121 : i32 to vector<16xi32>
          %parallel_loop3A_123 = arith.shrui %parallel_loop3A_120, %parallel_loop3A_122 : vector<16xi32>
          %parallel_loop3A_124 = arith.ori %parallel_loop3A_119, %parallel_loop3A_123 : vector<16xi32>
          %parallel_loop3A_125 = arith.constant 0 : i32
          %parallel_loop3A_126 = vector.broadcast %parallel_loop3A_125 : i32 to vector<16xi32>
          %parallel_loop3A_127 = arith.addi %parallel_loop3A_113, %parallel_loop3A_126 : vector<16xi32>
          %parallel_loop3A_128 = arith.addi %parallel_loop3A_127, %iota3A : vector<16xi32>
          %parallel_loop3A_129 = vector.bitcast %parallel_loop3A_124 : vector<16xi32> to vector<16xf32>
          tpu.vector_store_idx %arg8[%parallel_loop3A_128], %parallel_loop3A_129 : memref<4096xf32, #tpu.memory_space<vmem>>[vector<16xi32>], vector<16xf32>,
          %parallel_loop3A_130 = tpu.vector_load_idx %arg5[%add3A_17, %parallel_loop3A_110] : memref<64x128xf32, #tpu.memory_space<vmem>>[vector<16xi32>, vector<16xi32>], vector<16xf32>,
          %parallel_loop3A_131 = tpu.vector_load_idx %arg5[%add3A_20, %parallel_loop3A_110] : memref<64x128xf32, #tpu.memory_space<vmem>>[vector<16xi32>, vector<16xi32>], vector<16xf32>,
          %parallel_loop3A_132 = vector.bitcast %parallel_loop3A_130 : vector<16xf32> to vector<16xi32>
          %parallel_loop3A_133 = arith.constant -65536 : i32
          %parallel_loop3A_134 = vector.broadcast %parallel_loop3A_133 : i32 to vector<16xi32>
          %parallel_loop3A_135 = arith.andi %parallel_loop3A_132, %parallel_loop3A_134 : vector<16xi32>
          %parallel_loop3A_136 = vector.bitcast %parallel_loop3A_131 : vector<16xf32> to vector<16xi32>
          %parallel_loop3A_137 = arith.constant 16 : i32
          %parallel_loop3A_138 = vector.broadcast %parallel_loop3A_137 : i32 to vector<16xi32>
          %parallel_loop3A_139 = arith.shrui %parallel_loop3A_136, %parallel_loop3A_138 : vector<16xi32>
          %parallel_loop3A_140 = arith.ori %parallel_loop3A_135, %parallel_loop3A_139 : vector<16xi32>
          %parallel_loop3A_141 = arith.constant 16 : i32
          %parallel_loop3A_142 = vector.broadcast %parallel_loop3A_141 : i32 to vector<16xi32>
          %parallel_loop3A_143 = arith.addi %parallel_loop3A_113, %parallel_loop3A_142 : vector<16xi32>
          %parallel_loop3A_144 = arith.addi %parallel_loop3A_143, %iota3A : vector<16xi32>
          %parallel_loop3A_145 = vector.bitcast %parallel_loop3A_140 : vector<16xi32> to vector<16xf32>
          tpu.vector_store_idx %arg8[%parallel_loop3A_144], %parallel_loop3A_145 : memref<4096xf32, #tpu.memory_space<vmem>>[vector<16xi32>], vector<16xf32>,
          %parallel_loop3A_146 = arith.constant 1 : i32
          %parallel_loop3A_147 = vector.broadcast %parallel_loop3A_146 : i32 to vector<16xi32>
          %parallel_loop3A_148 = arith.addi %parallel_loop3A_106, %parallel_loop3A_147 : vector<16xi32>
          scf.yield %parallel_loop3A_148 : vector<16xi32>
        } {sc.loop_unroll_factor = 8 : i64, sc.parallel_access}
        %add3A_95 = arith.addi %add3A_8, %add3A_70 : i32
        %mul3A_96 = arith.constant 4096 : i32
        %mul3A_97 = arith.muli %add3A_95, %mul3A_96 : i32
        %dma_start3A = tpu.memref_slice %arg3[%mul3A_97] : memref<32000000xf32, #tpu.memory_space<hbm>> -> memref<4096xf32, #tpu.memory_space<hbm>>
        %dma_start3A_98 = tpu.memref_slice %arg3[%mul3A_97] : memref<32000000xf32, #tpu.memory_space<hbm>> -> memref<4096xf32, #tpu.memory_space<hbm>>
        tpu.enqueue_dma source(%arg8 : memref<4096xf32, #tpu.memory_space<vmem>>) target(%dma_start3A_98 : memref<4096xf32, #tpu.memory_space<hbm>>) target_semaphore(%arg15 : memref<!tpu.dma_semaphore, #tpu.memory_space<semaphore_mem>>)
        %add3A_99 = arith.constant 3 : i32
        %add3A_100 = arith.addi %add3A_70, %add3A_99 : i32
        %lt3A_101 = arith.cmpi slt, %add3A_100, %add3A_4 : i32
        %convert_element_type3A_102 = arith.extui %lt3A_101 : i1 to i32
        %cond3A_103 = arith.constant 0 : i32
        %cond3A_104 = arith.cmpi ne, %convert_element_type3A_102, %cond3A_103 : i32
        scf.if %cond3A_104 {
          %add3A_105 = arith.constant 3 : i32
          %add3A_106 = arith.addi %add3A_70, %add3A_105 : i32
          %add3A_107 = arith.addi %add3A_8, %add3A_106 : i32
          %mul3A_108 = arith.constant 128 : i32
          %mul3A_109 = arith.muli %add3A_107, %mul3A_108 : i32
          %dma_start3A_110 = arith.constant 0 : i32
          %dma_start3A_111 = tpu.memref_slice %arg2[%dma_start3A_110, %mul3A_109] : memref<64x1000000xf32, #tpu.memory_space<hbm>> -> memref<64x128xf32, #tpu.memory_space<hbm>>
          %dma_start3A_112 = arith.constant 0 : i32
          %dma_start3A_113 = tpu.memref_slice %arg2[%dma_start3A_112, %mul3A_109] : memref<64x1000000xf32, #tpu.memory_space<hbm>> -> memref<64x128xf32, #tpu.memory_space<hbm>>
          tpu.enqueue_dma source(%dma_start3A_113 : memref<64x128xf32, #tpu.memory_space<hbm>>) target(%arg5 : memref<64x128xf32, #tpu.memory_space<vmem>>) target_semaphore(%arg12 : memref<!tpu.dma_semaphore, #tpu.memory_space<semaphore_mem>>)
        } else {
        }
      } else {
      }
      %mul3A_75 = arith.constant 3 : i32
      %mul3A_76 = arith.muli %scan3A_58, %mul3A_75 : i32
      %add3A_77 = arith.constant 2 : i32
      %add3A_78 = arith.addi %mul3A_76, %add3A_77 : i32
      %lt3A_79 = arith.cmpi slt, %add3A_78, %add3A_4 : i32
      %convert_element_type3A_80 = arith.extui %lt3A_79 : i1 to i32
      %cond3A_81 = arith.constant 0 : i32
      %cond3A_82 = arith.cmpi ne, %convert_element_type3A_80, %cond3A_81 : i32
      scf.if %cond3A_82 {
        %dma_wait3A = arith.constant 0 : i32
        %dma_wait3A_83 = arith.constant 0 : i32
        %dma_wait3A_84 = tpu.memref_slice %arg2[%dma_wait3A, %dma_wait3A_83] : memref<64x1000000xf32, #tpu.memory_space<hbm>> -> memref<64x128xf32, #tpu.memory_space<hbm>>
        %dma_wait3A_85 = arith.constant 0 : i32
        %dma_wait3A_86 = arith.constant 0 : i32
        %dma_wait3A_87 = tpu.memref_slice %arg2[%dma_wait3A_85, %dma_wait3A_86] : memref<64x1000000xf32, #tpu.memory_space<hbm>> -> memref<64x128xf32, #tpu.memory_space<hbm>>
        tpu.wait_dma2 semaphore(%arg13 : memref<!tpu.dma_semaphore, #tpu.memory_space<semaphore_mem>>) src(%dma_wait3A_87 : memref<64x128xf32, #tpu.memory_space<hbm>>) dst(%arg6 : memref<64x128xf32, #tpu.memory_space<vmem>>)
        %ge3A = arith.constant 3 : i32
        %ge3A_88 = arith.cmpi sge, %add3A_78, %ge3A : i32
        %convert_element_type3A_89 = arith.extui %ge3A_88 : i1 to i32
        %cond3A_90 = arith.constant 0 : i32
        %cond3A_91 = arith.cmpi ne, %convert_element_type3A_89, %cond3A_90 : i32
        scf.if %cond3A_91 {
          %dma_wait3A_105 = arith.constant 0 : i32
          %dma_wait3A_106 = tpu.memref_slice %arg3[%dma_wait3A_105] : memref<32000000xf32, #tpu.memory_space<hbm>> -> memref<4096xf32, #tpu.memory_space<hbm>>
          %dma_wait3A_107 = arith.constant 0 : i32
          %dma_wait3A_108 = tpu.memref_slice %arg3[%dma_wait3A_107] : memref<32000000xf32, #tpu.memory_space<hbm>> -> memref<4096xf32, #tpu.memory_space<hbm>>
          tpu.wait_dma2 semaphore(%arg16 : memref<!tpu.dma_semaphore, #tpu.memory_space<semaphore_mem>>) src(%arg9 : memref<4096xf32, #tpu.memory_space<vmem>>) dst(%dma_wait3A_108 : memref<4096xf32, #tpu.memory_space<hbm>>)
        } else {
        }
        %parallel_loop3A = arith.constant 0 : i32
        %parallel_loop3A_92 = arith.constant 128 : i32
        %parallel_loop3A_93 = arith.constant 1 : i32
        %parallel_loop3A_94 = scf.for %parallel_loop3A_105 = %parallel_loop3A to %parallel_loop3A_92 step %parallel_loop3A_93 iter_args(%parallel_loop3A_106 = %broadcast_in_dim3A_21) -> (vector<16xi32>)  : i32 {
          %parallel_loop3A_107 = arith.addi %parallel_loop3A_106, %iota3A : vector<16xi32>
          %parallel_loop3A_108 = arith.constant 127 : i32
          %parallel_loop3A_109 = vector.broadcast %parallel_loop3A_108 : i32 to vector<16xi32>
          %parallel_loop3A_110 = arith.andi %parallel_loop3A_107, %parallel_loop3A_109 : vector<16xi32>
          %parallel_loop3A_111 = arith.constant 32 : i32
          %parallel_loop3A_112 = vector.broadcast %parallel_loop3A_111 : i32 to vector<16xi32>
          %parallel_loop3A_113 = arith.muli %parallel_loop3A_110, %parallel_loop3A_112 : vector<16xi32>
          %parallel_loop3A_114 = tpu.vector_load_idx %arg6[%add3A_11, %parallel_loop3A_110] : memref<64x128xf32, #tpu.memory_space<vmem>>[vector<16xi32>, vector<16xi32>], vector<16xf32>,
          %parallel_loop3A_115 = tpu.vector_load_idx %arg6[%add3A_14, %parallel_loop3A_110] : memref<64x128xf32, #tpu.memory_space<vmem>>[vector<16xi32>, vector<16xi32>], vector<16xf32>,
          %parallel_loop3A_116 = vector.bitcast %parallel_loop3A_114 : vector<16xf32> to vector<16xi32>
          %parallel_loop3A_117 = arith.constant -65536 : i32
          %parallel_loop3A_118 = vector.broadcast %parallel_loop3A_117 : i32 to vector<16xi32>
          %parallel_loop3A_119 = arith.andi %parallel_loop3A_116, %parallel_loop3A_118 : vector<16xi32>
          %parallel_loop3A_120 = vector.bitcast %parallel_loop3A_115 : vector<16xf32> to vector<16xi32>
          %parallel_loop3A_121 = arith.constant 16 : i32
          %parallel_loop3A_122 = vector.broadcast %parallel_loop3A_121 : i32 to vector<16xi32>
          %parallel_loop3A_123 = arith.shrui %parallel_loop3A_120, %parallel_loop3A_122 : vector<16xi32>
          %parallel_loop3A_124 = arith.ori %parallel_loop3A_119, %parallel_loop3A_123 : vector<16xi32>
          %parallel_loop3A_125 = arith.constant 0 : i32
          %parallel_loop3A_126 = vector.broadcast %parallel_loop3A_125 : i32 to vector<16xi32>
          %parallel_loop3A_127 = arith.addi %parallel_loop3A_113, %parallel_loop3A_126 : vector<16xi32>
          %parallel_loop3A_128 = arith.addi %parallel_loop3A_127, %iota3A : vector<16xi32>
          %parallel_loop3A_129 = vector.bitcast %parallel_loop3A_124 : vector<16xi32> to vector<16xf32>
          tpu.vector_store_idx %arg9[%parallel_loop3A_128], %parallel_loop3A_129 : memref<4096xf32, #tpu.memory_space<vmem>>[vector<16xi32>], vector<16xf32>,
          %parallel_loop3A_130 = tpu.vector_load_idx %arg6[%add3A_17, %parallel_loop3A_110] : memref<64x128xf32, #tpu.memory_space<vmem>>[vector<16xi32>, vector<16xi32>], vector<16xf32>,
          %parallel_loop3A_131 = tpu.vector_load_idx %arg6[%add3A_20, %parallel_loop3A_110] : memref<64x128xf32, #tpu.memory_space<vmem>>[vector<16xi32>, vector<16xi32>], vector<16xf32>,
          %parallel_loop3A_132 = vector.bitcast %parallel_loop3A_130 : vector<16xf32> to vector<16xi32>
          %parallel_loop3A_133 = arith.constant -65536 : i32
          %parallel_loop3A_134 = vector.broadcast %parallel_loop3A_133 : i32 to vector<16xi32>
          %parallel_loop3A_135 = arith.andi %parallel_loop3A_132, %parallel_loop3A_134 : vector<16xi32>
          %parallel_loop3A_136 = vector.bitcast %parallel_loop3A_131 : vector<16xf32> to vector<16xi32>
          %parallel_loop3A_137 = arith.constant 16 : i32
          %parallel_loop3A_138 = vector.broadcast %parallel_loop3A_137 : i32 to vector<16xi32>
          %parallel_loop3A_139 = arith.shrui %parallel_loop3A_136, %parallel_loop3A_138 : vector<16xi32>
          %parallel_loop3A_140 = arith.ori %parallel_loop3A_135, %parallel_loop3A_139 : vector<16xi32>
          %parallel_loop3A_141 = arith.constant 16 : i32
          %parallel_loop3A_142 = vector.broadcast %parallel_loop3A_141 : i32 to vector<16xi32>
          %parallel_loop3A_143 = arith.addi %parallel_loop3A_113, %parallel_loop3A_142 : vector<16xi32>
          %parallel_loop3A_144 = arith.addi %parallel_loop3A_143, %iota3A : vector<16xi32>
          %parallel_loop3A_145 = vector.bitcast %parallel_loop3A_140 : vector<16xi32> to vector<16xf32>
          tpu.vector_store_idx %arg9[%parallel_loop3A_144], %parallel_loop3A_145 : memref<4096xf32, #tpu.memory_space<vmem>>[vector<16xi32>], vector<16xf32>,
          %parallel_loop3A_146 = arith.constant 1 : i32
          %parallel_loop3A_147 = vector.broadcast %parallel_loop3A_146 : i32 to vector<16xi32>
          %parallel_loop3A_148 = arith.addi %parallel_loop3A_106, %parallel_loop3A_147 : vector<16xi32>
          scf.yield %parallel_loop3A_148 : vector<16xi32>
        } {sc.loop_unroll_factor = 8 : i64, sc.parallel_access}
        %add3A_95 = arith.addi %add3A_8, %add3A_78 : i32
        %mul3A_96 = arith.constant 4096 : i32
        %mul3A_97 = arith.muli %add3A_95, %mul3A_96 : i32
        %dma_start3A = tpu.memref_slice %arg3[%mul3A_97] : memref<32000000xf32, #tpu.memory_space<hbm>> -> memref<4096xf32, #tpu.memory_space<hbm>>
        %dma_start3A_98 = tpu.memref_slice %arg3[%mul3A_97] : memref<32000000xf32, #tpu.memory_space<hbm>> -> memref<4096xf32, #tpu.memory_space<hbm>>
        tpu.enqueue_dma source(%arg9 : memref<4096xf32, #tpu.memory_space<vmem>>) target(%dma_start3A_98 : memref<4096xf32, #tpu.memory_space<hbm>>) target_semaphore(%arg16 : memref<!tpu.dma_semaphore, #tpu.memory_space<semaphore_mem>>)
        %add3A_99 = arith.constant 3 : i32
        %add3A_100 = arith.addi %add3A_78, %add3A_99 : i32
        %lt3A_101 = arith.cmpi slt, %add3A_100, %add3A_4 : i32
        %convert_element_type3A_102 = arith.extui %lt3A_101 : i1 to i32
        %cond3A_103 = arith.constant 0 : i32
        %cond3A_104 = arith.cmpi ne, %convert_element_type3A_102, %cond3A_103 : i32
        scf.if %cond3A_104 {
          %add3A_105 = arith.constant 3 : i32
          %add3A_106 = arith.addi %add3A_78, %add3A_105 : i32
          %add3A_107 = arith.addi %add3A_8, %add3A_106 : i32
          %mul3A_108 = arith.constant 128 : i32
          %mul3A_109 = arith.muli %add3A_107, %mul3A_108 : i32
          %dma_start3A_110 = arith.constant 0 : i32
          %dma_start3A_111 = tpu.memref_slice %arg2[%dma_start3A_110, %mul3A_109] : memref<64x1000000xf32, #tpu.memory_space<hbm>> -> memref<64x128xf32, #tpu.memory_space<hbm>>
          %dma_start3A_112 = arith.constant 0 : i32
          %dma_start3A_113 = tpu.memref_slice %arg2[%dma_start3A_112, %mul3A_109] : memref<64x1000000xf32, #tpu.memory_space<hbm>> -> memref<64x128xf32, #tpu.memory_space<hbm>>
          tpu.enqueue_dma source(%dma_start3A_113 : memref<64x128xf32, #tpu.memory_space<hbm>>) target(%arg6 : memref<64x128xf32, #tpu.memory_space<vmem>>) target_semaphore(%arg13 : memref<!tpu.dma_semaphore, #tpu.memory_space<semaphore_mem>>)
        } else {
        }
      } else {
      }
    }
    %scan3A_38 = arith.constant 82 : i32
    %gt3A_39 = arith.constant 0 : i32
    %gt3A_40 = arith.cmpi sgt, %add3A_4, %gt3A_39 : i32
    %convert_element_type3A_41 = arith.extui %gt3A_40 : i1 to i32
    %cond3A_42 = arith.constant 0 : i32
    %cond3A_43 = arith.cmpi ne, %convert_element_type3A_41, %cond3A_42 : i32
    scf.if %cond3A_43 {
      %dma_wait3A = arith.constant 0 : i32
      %dma_wait3A_58 = tpu.memref_slice %arg3[%dma_wait3A] : memref<32000000xf32, #tpu.memory_space<hbm>> -> memref<4096xf32, #tpu.memory_space<hbm>>
      %dma_wait3A_59 = arith.constant 0 : i32
      %dma_wait3A_60 = tpu.memref_slice %arg3[%dma_wait3A_59] : memref<32000000xf32, #tpu.memory_space<hbm>> -> memref<4096xf32, #tpu.memory_space<hbm>>
      tpu.wait_dma2 semaphore(%arg14 : memref<!tpu.dma_semaphore, #tpu.memory_space<semaphore_mem>>) src(%arg7 : memref<4096xf32, #tpu.memory_space<vmem>>) dst(%dma_wait3A_60 : memref<4096xf32, #tpu.memory_space<hbm>>)
    } else {
    }
    %gt3A_44 = arith.constant 1 : i32
    %gt3A_45 = arith.cmpi sgt, %add3A_4, %gt3A_44 : i32
    %convert_element_type3A_46 = arith.extui %gt3A_45 : i1 to i32
    %cond3A_47 = arith.constant 0 : i32
    %cond3A_48 = arith.cmpi ne, %convert_element_type3A_46, %cond3A_47 : i32
    scf.if %cond3A_48 {
      %dma_wait3A = arith.constant 0 : i32
      %dma_wait3A_58 = tpu.memref_slice %arg3[%dma_wait3A] : memref<32000000xf32, #tpu.memory_space<hbm>> -> memref<4096xf32, #tpu.memory_space<hbm>>
      %dma_wait3A_59 = arith.constant 0 : i32
      %dma_wait3A_60 = tpu.memref_slice %arg3[%dma_wait3A_59] : memref<32000000xf32, #tpu.memory_space<hbm>> -> memref<4096xf32, #tpu.memory_space<hbm>>
      tpu.wait_dma2 semaphore(%arg15 : memref<!tpu.dma_semaphore, #tpu.memory_space<semaphore_mem>>) src(%arg8 : memref<4096xf32, #tpu.memory_space<vmem>>) dst(%dma_wait3A_60 : memref<4096xf32, #tpu.memory_space<hbm>>)
    } else {
    }
    %gt3A_49 = arith.constant 2 : i32
    %gt3A_50 = arith.cmpi sgt, %add3A_4, %gt3A_49 : i32
    %convert_element_type3A_51 = arith.extui %gt3A_50 : i1 to i32
    %cond3A_52 = arith.constant 0 : i32
    %cond3A_53 = arith.cmpi ne, %convert_element_type3A_51, %cond3A_52 : i32
    scf.if %cond3A_53 {
      %dma_wait3A = arith.constant 0 : i32
      %dma_wait3A_58 = tpu.memref_slice %arg3[%dma_wait3A] : memref<32000000xf32, #tpu.memory_space<hbm>> -> memref<4096xf32, #tpu.memory_space<hbm>>
      %dma_wait3A_59 = arith.constant 0 : i32
      %dma_wait3A_60 = tpu.memref_slice %arg3[%dma_wait3A_59] : memref<32000000xf32, #tpu.memory_space<hbm>> -> memref<4096xf32, #tpu.memory_space<hbm>>
      tpu.wait_dma2 semaphore(%arg16 : memref<!tpu.dma_semaphore, #tpu.memory_space<semaphore_mem>>) src(%arg9 : memref<4096xf32, #tpu.memory_space<vmem>>) dst(%dma_wait3A_60 : memref<4096xf32, #tpu.memory_space<hbm>>)
    } else {
    }
    %eq3A = arith.constant 31 : i32
    %eq3A_54 = arith.cmpi eq, %add3A, %eq3A : i32
    %convert_element_type3A_55 = arith.extui %eq3A_54 : i1 to i32
    %cond3A_56 = arith.constant 0 : i32
    %cond3A_57 = arith.cmpi ne, %convert_element_type3A_55, %cond3A_56 : i32
    scf.if %cond3A_57 {
      "tpu.region"() ({
        %run_scoped3A = tpu.sem_alloc : memref<!tpu.dma_semaphore, #tpu.memory_space<semaphore_mem>>
        %dma_start3A = arith.constant 0 : i32
        %dma_start3A_61 = arith.constant 999936 : i32
        %dma_start3A_62 = tpu.memref_slice %arg2[%dma_start3A, %dma_start3A_61] : memref<64x1000000xf32, #tpu.memory_space<hbm>> -> memref<64x64xf32, #tpu.memory_space<hbm>>
        %dma_start3A_63 = arith.constant 0 : i32
        %dma_start3A_64 = arith.constant 999936 : i32
        %dma_start3A_65 = tpu.memref_slice %arg2[%dma_start3A_63, %dma_start3A_64] : memref<64x1000000xf32, #tpu.memory_space<hbm>> -> memref<64x64xf32, #tpu.memory_space<hbm>>
        tpu.enqueue_dma source(%dma_start3A_65 : memref<64x64xf32, #tpu.memory_space<hbm>>) target(%arg10 : memref<64x64xf32, #tpu.memory_space<vmem>>) target_semaphore(%run_scoped3A : memref<!tpu.dma_semaphore, #tpu.memory_space<semaphore_mem>>)
        %dma_wait3A = arith.constant 0 : i32
        %dma_wait3A_66 = arith.constant 999936 : i32
        %dma_wait3A_67 = tpu.memref_slice %arg2[%dma_wait3A, %dma_wait3A_66] : memref<64x1000000xf32, #tpu.memory_space<hbm>> -> memref<64x64xf32, #tpu.memory_space<hbm>>
        %dma_wait3A_68 = arith.constant 0 : i32
        %dma_wait3A_69 = arith.constant 999936 : i32
        %dma_wait3A_70 = tpu.memref_slice %arg2[%dma_wait3A_68, %dma_wait3A_69] : memref<64x1000000xf32, #tpu.memory_space<hbm>> -> memref<64x64xf32, #tpu.memory_space<hbm>>
        tpu.wait_dma2 semaphore(%run_scoped3A : memref<!tpu.dma_semaphore, #tpu.memory_space<semaphore_mem>>) src(%dma_wait3A_70 : memref<64x64xf32, #tpu.memory_space<hbm>>) dst(%arg10 : memref<64x64xf32, #tpu.memory_space<vmem>>)
        tpu.yield
      }) : () -> ()
      %parallel_loop3A = arith.constant 0 : i32
      %parallel_loop3A_58 = arith.constant 64 : i32
      %parallel_loop3A_59 = arith.constant 1 : i32
      %parallel_loop3A_60 = scf.for %parallel_loop3A_61 = %parallel_loop3A to %parallel_loop3A_58 step %parallel_loop3A_59 iter_args(%parallel_loop3A_62 = %broadcast_in_dim3A_21) -> (vector<16xi32>)  : i32 {
        %parallel_loop3A_63 = arith.addi %parallel_loop3A_62, %iota3A : vector<16xi32>
        %parallel_loop3A_64 = arith.constant 63 : i32
        %parallel_loop3A_65 = vector.broadcast %parallel_loop3A_64 : i32 to vector<16xi32>
        %parallel_loop3A_66 = arith.andi %parallel_loop3A_63, %parallel_loop3A_65 : vector<16xi32>
        %parallel_loop3A_67 = arith.constant 32 : i32
        %parallel_loop3A_68 = vector.broadcast %parallel_loop3A_67 : i32 to vector<16xi32>
        %parallel_loop3A_69 = arith.muli %parallel_loop3A_66, %parallel_loop3A_68 : vector<16xi32>
        %parallel_loop3A_70 = tpu.vector_load_idx %arg10[%add3A_11, %parallel_loop3A_66] : memref<64x64xf32, #tpu.memory_space<vmem>>[vector<16xi32>, vector<16xi32>], vector<16xf32>,
        %parallel_loop3A_71 = tpu.vector_load_idx %arg10[%add3A_14, %parallel_loop3A_66] : memref<64x64xf32, #tpu.memory_space<vmem>>[vector<16xi32>, vector<16xi32>], vector<16xf32>,
        %parallel_loop3A_72 = vector.bitcast %parallel_loop3A_70 : vector<16xf32> to vector<16xi32>
        %parallel_loop3A_73 = arith.constant -65536 : i32
        %parallel_loop3A_74 = vector.broadcast %parallel_loop3A_73 : i32 to vector<16xi32>
        %parallel_loop3A_75 = arith.andi %parallel_loop3A_72, %parallel_loop3A_74 : vector<16xi32>
        %parallel_loop3A_76 = vector.bitcast %parallel_loop3A_71 : vector<16xf32> to vector<16xi32>
        %parallel_loop3A_77 = arith.constant 16 : i32
        %parallel_loop3A_78 = vector.broadcast %parallel_loop3A_77 : i32 to vector<16xi32>
        %parallel_loop3A_79 = arith.shrui %parallel_loop3A_76, %parallel_loop3A_78 : vector<16xi32>
        %parallel_loop3A_80 = arith.ori %parallel_loop3A_75, %parallel_loop3A_79 : vector<16xi32>
        %parallel_loop3A_81 = arith.constant 0 : i32
        %parallel_loop3A_82 = vector.broadcast %parallel_loop3A_81 : i32 to vector<16xi32>
        %parallel_loop3A_83 = arith.addi %parallel_loop3A_69, %parallel_loop3A_82 : vector<16xi32>
        %parallel_loop3A_84 = arith.addi %parallel_loop3A_83, %iota3A : vector<16xi32>
        %parallel_loop3A_85 = vector.bitcast %parallel_loop3A_80 : vector<16xi32> to vector<16xf32>
        tpu.vector_store_idx %arg7[%parallel_loop3A_84], %parallel_loop3A_85 : memref<4096xf32, #tpu.memory_space<vmem>>[vector<16xi32>], vector<16xf32>,
        %parallel_loop3A_86 = tpu.vector_load_idx %arg10[%add3A_17, %parallel_loop3A_66] : memref<64x64xf32, #tpu.memory_space<vmem>>[vector<16xi32>, vector<16xi32>], vector<16xf32>,
        %parallel_loop3A_87 = tpu.vector_load_idx %arg10[%add3A_20, %parallel_loop3A_66] : memref<64x64xf32, #tpu.memory_space<vmem>>[vector<16xi32>, vector<16xi32>], vector<16xf32>,
        %parallel_loop3A_88 = vector.bitcast %parallel_loop3A_86 : vector<16xf32> to vector<16xi32>
        %parallel_loop3A_89 = arith.constant -65536 : i32
        %parallel_loop3A_90 = vector.broadcast %parallel_loop3A_89 : i32 to vector<16xi32>
        %parallel_loop3A_91 = arith.andi %parallel_loop3A_88, %parallel_loop3A_90 : vector<16xi32>
        %parallel_loop3A_92 = vector.bitcast %parallel_loop3A_87 : vector<16xf32> to vector<16xi32>
        %parallel_loop3A_93 = arith.constant 16 : i32
        %parallel_loop3A_94 = vector.broadcast %parallel_loop3A_93 : i32 to vector<16xi32>
        %parallel_loop3A_95 = arith.shrui %parallel_loop3A_92, %parallel_loop3A_94 : vector<16xi32>
        %parallel_loop3A_96 = arith.ori %parallel_loop3A_91, %parallel_loop3A_95 : vector<16xi32>
        %parallel_loop3A_97 = arith.constant 16 : i32
        %parallel_loop3A_98 = vector.broadcast %parallel_loop3A_97 : i32 to vector<16xi32>
        %parallel_loop3A_99 = arith.addi %parallel_loop3A_69, %parallel_loop3A_98 : vector<16xi32>
        %parallel_loop3A_100 = arith.addi %parallel_loop3A_99, %iota3A : vector<16xi32>
        %parallel_loop3A_101 = vector.bitcast %parallel_loop3A_96 : vector<16xi32> to vector<16xf32>
        tpu.vector_store_idx %arg7[%parallel_loop3A_100], %parallel_loop3A_101 : memref<4096xf32, #tpu.memory_space<vmem>>[vector<16xi32>], vector<16xf32>,
        %parallel_loop3A_102 = arith.constant 1 : i32
        %parallel_loop3A_103 = vector.broadcast %parallel_loop3A_102 : i32 to vector<16xi32>
        %parallel_loop3A_104 = arith.addi %parallel_loop3A_62, %parallel_loop3A_103 : vector<16xi32>
        scf.yield %parallel_loop3A_104 : vector<16xi32>
      } {sc.loop_unroll_factor = 8 : i64, sc.parallel_access}
      "tpu.region"() ({
        %run_scoped3A = tpu.sem_alloc : memref<!tpu.dma_semaphore, #tpu.memory_space<semaphore_mem>>
        %dma_start3A = arith.constant 0 : i32
        %dma_start3A_61 = tpu.memref_slice %arg7[%dma_start3A] : memref<4096xf32, #tpu.memory_space<vmem>> -> memref<2048xf32, #tpu.memory_space<vmem>>
        %dma_start3A_62 = arith.constant 31997952 : i32
        %dma_start3A_63 = tpu.memref_slice %arg3[%dma_start3A_62] : memref<32000000xf32, #tpu.memory_space<hbm>> -> memref<2048xf32, #tpu.memory_space<hbm>>
        %dma_start3A_64 = arith.constant 31997952 : i32
        %dma_start3A_65 = tpu.memref_slice %arg3[%dma_start3A_64] : memref<32000000xf32, #tpu.memory_space<hbm>> -> memref<2048xf32, #tpu.memory_space<hbm>>
        %dma_start3A_66 = arith.constant 0 : i32
        %dma_start3A_67 = tpu.memref_slice %arg7[%dma_start3A_66] : memref<4096xf32, #tpu.memory_space<vmem>> -> memref<2048xf32, #tpu.memory_space<vmem>>
        tpu.enqueue_dma source(%dma_start3A_67 : memref<2048xf32, #tpu.memory_space<vmem>>) target(%dma_start3A_65 : memref<2048xf32, #tpu.memory_space<hbm>>) target_semaphore(%run_scoped3A : memref<!tpu.dma_semaphore, #tpu.memory_space<semaphore_mem>>)
        %dma_wait3A = arith.constant 0 : i32
        %dma_wait3A_68 = tpu.memref_slice %arg7[%dma_wait3A] : memref<4096xf32, #tpu.memory_space<vmem>> -> memref<2048xf32, #tpu.memory_space<vmem>>
        %dma_wait3A_69 = arith.constant 31997952 : i32
        %dma_wait3A_70 = tpu.memref_slice %arg3[%dma_wait3A_69] : memref<32000000xf32, #tpu.memory_space<hbm>> -> memref<2048xf32, #tpu.memory_space<hbm>>
        %dma_wait3A_71 = arith.constant 31997952 : i32
        %dma_wait3A_72 = tpu.memref_slice %arg3[%dma_wait3A_71] : memref<32000000xf32, #tpu.memory_space<hbm>> -> memref<2048xf32, #tpu.memory_space<hbm>>
        %dma_wait3A_73 = arith.constant 0 : i32
        %dma_wait3A_74 = tpu.memref_slice %arg7[%dma_wait3A_73] : memref<4096xf32, #tpu.memory_space<vmem>> -> memref<2048xf32, #tpu.memory_space<vmem>>
        tpu.wait_dma2 semaphore(%run_scoped3A : memref<!tpu.dma_semaphore, #tpu.memory_space<semaphore_mem>>) src(%dma_wait3A_74 : memref<2048xf32, #tpu.memory_space<vmem>>) dst(%dma_wait3A_72 : memref<2048xf32, #tpu.memory_space<hbm>>)
        tpu.yield
      }) : () -> ()
    } else {
    }
    return
  }
}

module attributes {stable_mosaic.version = 14 : i64} {
  func.func @_mlp_body(%arg0: memref<4096x64xf32, #tpu.memory_space<vmem>>, %arg1: memref<20x64xf32, #tpu.memory_space<vmem>>, %arg2: memref<1x20xf32, #tpu.memory_space<vmem>>, %arg3: memref<10x20xf32, #tpu.memory_space<vmem>>, %arg4: memref<1x10xf32, #tpu.memory_space<vmem>>, %arg5: memref<4096x10xf32, #tpu.memory_space<vmem>>) attributes {dimension_semantics = [], scalar_prefetch = 0 : i64, scratch_operands = 0 : i64, tpu.core_type = #tpu.core_type<tc>} {
    %get3A = arith.constant 0 : index
    %get3A_0 = arith.constant 0 : index
    %get3A_1 = vector.load %arg0[%get3A, %get3A_0] : memref<4096x64xf32, #tpu.memory_space<vmem>>, vector<4096x64xf32>
    %mul3A = arith.constant 5.000000e-03 : f32
    %mul3A_2 = vector.broadcast %mul3A : f32 to vector<4096x64xf32>
    %mul3A_3 = arith.mulf %get3A_1, %mul3A_2 : vector<4096x64xf32>
    %get3A_4 = arith.constant 0 : index
    %get3A_5 = arith.constant 0 : index
    %get3A_6 = vector.load %arg1[%get3A_4, %get3A_5] : memref<20x64xf32, #tpu.memory_space<vmem>>, vector<20x64xf32>
    %dot_general3A = arith.constant dense<0.000000e+00> : vector<4096x20xf32>
    %dot_general3A_7 = tpu.matmul %mul3A_3, %get3A_6, %dot_general3A {dimension_numbers = #tpu.dot_dimension_numbers<[1], [1], [0], [0], [0, 0, 1, 0], [], []>, transpose_lhs_hint = false} : vector<4096x64xf32>, vector<20x64xf32>, vector<4096x20xf32> -> vector<4096x20xf32>
    %get3A_8 = arith.constant 0 : index
    %get3A_9 = arith.constant 0 : index
    %get3A_10 = vector.load %arg2[%get3A_8, %get3A_9] : memref<1x20xf32, #tpu.memory_space<vmem>>, vector<1x20xf32>
    %add3A = vector.broadcast %get3A_10 : vector<1x20xf32> to vector<4096x20xf32>
    %add3A_11 = arith.addf %dot_general3A_7, %add3A : vector<4096x20xf32>
    %max3A = arith.constant 0.000000e+00 : f32
    %max3A_12 = vector.broadcast %max3A : f32 to vector<4096x20xf32>
    %max3A_13 = arith.maximumf %add3A_11, %max3A_12 : vector<4096x20xf32>
    %get3A_14 = arith.constant 0 : index
    %get3A_15 = arith.constant 0 : index
    %get3A_16 = vector.load %arg3[%get3A_14, %get3A_15] : memref<10x20xf32, #tpu.memory_space<vmem>>, vector<10x20xf32>
    %dot_general3A_17 = arith.constant dense<0.000000e+00> : vector<4096x10xf32>
    %dot_general3A_18 = tpu.matmul %max3A_13, %get3A_16, %dot_general3A_17 {dimension_numbers = #tpu.dot_dimension_numbers<[1], [1], [0], [0], [0, 0, 1, 0], [], []>, transpose_lhs_hint = false} : vector<4096x20xf32>, vector<10x20xf32>, vector<4096x10xf32> -> vector<4096x10xf32>
    %get3A_19 = arith.constant 0 : index
    %get3A_20 = arith.constant 0 : index
    %get3A_21 = vector.load %arg4[%get3A_19, %get3A_20] : memref<1x10xf32, #tpu.memory_space<vmem>>, vector<1x10xf32>
    %add3A_22 = vector.broadcast %get3A_21 : vector<1x10xf32> to vector<4096x10xf32>
    %add3A_23 = arith.addf %dot_general3A_18, %add3A_22 : vector<4096x10xf32>
    %swap3A = arith.constant 0 : index
    %swap3A_24 = arith.constant 0 : index
    %swap3A_25 = vector.load %arg5[%swap3A, %swap3A_24] : memref<4096x10xf32, #tpu.memory_space<vmem>>, vector<4096x10xf32>
    tpu.vector_store %arg5[%swap3A, %swap3A_24], %add3A_23 {strides = array<i32>} : memref<4096x10xf32, #tpu.memory_space<vmem>>, vector<4096x10xf32>,
    return
  }
}

</mosaic_0001>

<sc_bundles>
// kernel: kernel.5.cloned.1.call-start
scs
__scs_entry_jumppad:
0x0: {  	(pc) =	sbr.rel $0x88, $3  }
0x1: {  	(tag) =	ssettag $0x0;
	lr =	simm.s32 $0x1  }
0x2: {  	[smem:$0x3F9B] =	sst lr;
	_ =	strace $0xD0000000  }
0x3: {  	_ = 	snop  }
0x4: {  	_ = 	snop  }
0x5: {  	_ = 	snop  }
0x6: {  	_ = 	snop  }
0x7: {  	_ = 	snop  }
__scs_overlays_trampoline_lowered:
0x8: {  	[smem:$0x3FAA] =	sst s0  }
0x9: {  	[smem:$0x3FAB] =	sst s1  }
0xa: {  	[smem:$0x3FAC] =	sst s2  }
0xb: {  	[smem:$0x3FAD] =	sst s3  }
0xc: {  	[smem:$0x3FAE] =	sst s4  }
0xd: {  	[smem:$0x3FAF] =	sst s5  }
0xe: {  	[smem:$0x3FB0] =	sst s6  }
0xf: {  	[smem:$0x3FB1] =	sst s7  }
0x10: {  	[smem:$0x3FB2] =	sst s8  }
0x11: {  	[smem:$0x3FB3] =	sst s9;
	s0 =	simm.s32 @!p0 $0x0  }
0x12: {  	s1 =	sld [smem:$0x3F99];
	s0 =	simm.s32 @p0 $0x1  }
0x13: {  	[smem:$0x3FB4] =	sst s0;
	s0 =	simm.s32 @!p1 $0x0  }
0x14: {  	s2 =	sld [smem:$0x3F98];
	s0 =	simm.s32 @p1 $0x1  }
0x15: {  	[smem:$0x3FB5] =	sst s0;
	s0 =	simm.s32 @!p2 $0x0  }
0x16: {  	s3 =	sld [smem:$0x3FDB];
	s0 =	simm.s32 @p2 $0x1  }
0x17: {  	s4 =	simm.s32 $0x1BF5;
	[smem:$0x3FB7] =	sst s0  }
0x18: {  	s0 =	sld [smem:$0x3F9A];
	_ =	swait.ge [sflag:s4], $0x0  }
0x19: {  	s7 =	sld [smem:$0x3F9B]  }
0x1a: {  	s8 =	sadd.s32 $0xFFFFE003, lr  }
0x1b: {  	s9 =	sadd.s32 $0xFFFFFEF7, lr;
	s5 =	simm.s32 $0xFFFFFFFF;
	p2 =	slt.u32 s8, $0xFFFFF086  }
0x1c: {  	p1 =	slt.u32 s9, $0xF7A;
	s5 =	simm.s32 @!p2 $0x0  }
0x1d: {  	s5 =	simm.s32 @p1 $0x1;
	p0 =	seq.s32 s7, s2  }
0x1e: {  	s7 =	smul.u32 @!p0 $0xF7A, s2;
	p2 =	seq.s32 @!p0 s5, $0x0  }
0x1f: {  	s9 =	smul.u32 $0xF7A, s1;
	s8 =	simm.s32 @!p0 $0x1BF5;
	p2 =	por !p2, p0  }
0x20: {  	[sflag:s8] =	ssyncset.s32 @!p0 $0xFFFFF086;
	s6 =	sadd.s32 @!p0 s3, s7;
	s7 =	simm.s32 @!p0 $0x108  }
0x21: {  	s3 =	sadd.s32 s3, s9;
	s6 =	sadd.s32 @!p0 $0x88, s6;
	s7 =	simm.s32 @p2 $0x1082  }
0x22: {  	[simem:s7], [sflag:s8] =	dma.local @!p0 [hbm:s6], $0xF7A  }
0x23: {  	s9 =	sor.u32 $0xD0000000, s2;
	s6 =	simm.s32 $0x108;
	_ =	swait.ge @!p0 [sflag:s8], $0x0  }
0x24: {  	s3 =	sadd.s32 $0x88, s3;
	s6 =	simm.s32 @!p1 $0x1082;
	[sflag:s4] =	ssyncset.s32 $0xFFFFF086  }
0x25: {  	[simem:s6], [sflag:s4] =	dma.local [hbm:s3], $0xF7A  }
0x26: {  	[smem:$0x3F9B] =	sst s1;
	(tag) =	ssettag s2;
	_ =	strace s9  }
0x27: {  	s1 =	sld [smem:$0x3FAB]  }
0x28: {  	s2 =	sld [smem:$0x3FAC]  }
0x29: {  	s4 =	sld [smem:$0x3FAE]  }
0x2a: {  	p0 =	seq.s32 s5, $0x0;
	s5 =	sld [smem:$0x3FAF]  }
0x2b: {  	s6 =	sld [smem:$0x3FB0]  }
0x2c: {  	s7 =	sld [smem:$0x3FB1]  }
0x2d: {  	s3 =	simm.s32 $0x108;
	s8 =	sld [smem:$0x3FB2]  }
0x2e: {  	s3 =	simm.s32 @!p0 $0x1082;
	s9 =	sld [smem:$0x3FB3]  }
0x2f: {  	lr =	sadd.s32 s0, s3;
	s0 =	sld [smem:$0x3FAA]  }
0x30: {  	s3 =	sld [smem:$0x3FAD]  }
0x31: {  	[smem:$0x3FB6] =	sst s10  }
0x32: {  	s10 =	sld [smem:$0x3FB4];
	_ =	sdelay $0x3  }
0x33: {  	p0 =	seq.s32 s10, $0x1;
	s10 =	sld [smem:$0x3FB6];
	_ =	sdelay $0x3  }
0x34: {  	[smem:$0x3FB6] =	sst s10  }
0x35: {  	s10 =	sld [smem:$0x3FB5];
	_ =	sdelay $0x3  }
0x36: {  	p1 =	seq.s32 s10, $0x1;
	s10 =	sld [smem:$0x3FB6];
	_ =	sdelay $0x3  }
0x37: {  	[smem:$0x3FB6] =	sst s10  }
0x38: {  	s10 =	sld [smem:$0x3FB7]  }
0x39: {  	_ = 	snop;
	(pc) =	sbr.ind lr, $3  }
0x3a: {  	_ = 	snop  }
0x3b: {  	_ = 	snop  }
0x3c: {  	p2 =	seq.s32 s10, $0x1;
	s10 =	sld [smem:$0x3FB6]  }
0x3d: {  	_ =	shalt  }
0x3e: {  	_ =	shalt  }
0x3f: {  	_ =	shalt  }
0x40: {  	_ =	shalt  }
0x41: {  	_ =	shalt  }
0x42: {  	_ =	shalt  }
0x43: {  	_ =	shalt  }
0x44: {  	_ =	shalt  }
0x45: {  	_ =	shalt  }
0x46: {  	_ =	shalt  }
0x47: {  	_ =	shalt  }
0x48: {  	_ =	shalt  }
0x49: {  	_ =	shalt  }
0x4a: {  	_ =	shalt  }
0x4b: {  	_ =	shalt  }
0x4c: {  	_ =	shalt  }
0x4d: {  	_ =	shalt  }
0x4e: {  	_ =	shalt  }
0x4f: {  	_ =	shalt  }
0x50: {  	_ =	shalt  }
0x51: {  	_ =	shalt  }
0x52: {  	_ =	shalt  }
0x53: {  	_ =	shalt  }
0x54: {  	_ =	shalt  }
0x55: {  	_ =	shalt  }
0x56: {  	_ =	shalt  }
0x57: {  	_ =	shalt  }
0x58: {  	_ =	shalt  }
0x59: {  	_ =	shalt  }
0x5a: {  	_ =	shalt  }
0x5b: {  	_ =	shalt  }
0x5c: {  	_ =	shalt  }
0x5d: {  	_ =	shalt  }
0x5e: {  	_ =	shalt  }
0x5f: {  	_ =	shalt  }
0x60: {  	_ =	shalt  }
0x61: {  	_ =	shalt  }
0x62: {  	_ =	shalt  }
0x63: {  	_ =	shalt  }
0x64: {  	_ =	shalt  }
0x65: {  	_ =	shalt  }
0x66: {  	_ =	shalt  }
0x67: {  	_ =	shalt  }
0x68: {  	_ =	shalt  }
0x69: {  	_ =	shalt  }
0x6a: {  	_ =	shalt  }
0x6b: {  	_ =	shalt  }
0x6c: {  	_ =	shalt  }
0x6d: {  	_ =	shalt  }
0x6e: {  	_ =	shalt  }
0x6f: {  	_ =	shalt  }
0x70: {  	_ =	shalt  }
0x71: {  	_ =	shalt  }
0x72: {  	_ =	shalt  }
0x73: {  	_ =	shalt  }
0x74: {  	_ =	shalt  }
0x75: {  	_ =	shalt  }
0x76: {  	_ =	shalt  }
0x77: {  	_ =	shalt  }
0x78: {  	_ =	shalt  }
0x79: {  	_ =	shalt  }
0x7a: {  	_ =	shalt  }
0x7b: {  	_ =	shalt  }
0x7c: {  	_ =	shalt  }
0x7d: {  	_ =	shalt  }
0x7e: {  	_ =	shalt  }
0x7f: {  	_ =	shalt  }
0x80: {  	_ =	shalt  }
0x81: {  	_ =	shalt  }
0x82: {  	_ =	shalt  }
0x83: {  	_ =	shalt  }
0x84: {  	_ =	shalt  }
0x85: {  	_ =	shalt  }
0x86: {  	_ =	shalt  }
0x87: {  	_ =	shalt  }
.Lfunc_end0:
.L_simem_size_0:
called_computation_lowered:
.L_overlay_start_0:
0x88: {  	s2 =	sld [smem:$0x3FD9]  }
0x89: {  	s3 =	sld [smem:$0x3FFE];
	_ =	sdelay $0x1  }
0x8a: {  	s1 =	srdreg.scid  }
0x8b: {  	s0 =	sand.u32 $0x1, s1  }
0x8c: {  	s17 =	sshll.u32 s0, $0xA;
	s2 =	sadd.s32 s3, s2  }
0x8d: {  	s2 =	sadd.s32 s2, s17  }
0x8e: {  	[smem:$0x3FC2] =	sst s2  }
0x8f: {  	_ = 	snop  }
0x90: {  	s2 =	sld [smem:$0x3FC8];
	(tm) =	ssettm $0x1  }
0x91: {  	s18 =	sld [smem:$0x3FFB];
	_ =	sdelay $0x3  }
0x92: {  	_ =	strace s18  }
0x93: {  	s3 =	sld [smem:$0x3FFC];
	_ =	sdelay $0x3  }
0x94: {  	_ =	strace s3  }
0x95: {  	s3 =	sld [smem:$0x3FFD];
	_ =	sdelay $0x3  }
0x96: {  	_ =	strace s3  }
0x97: {  	_ =	strace $0x8FFFFFFF  }
0x98: {  	s19 =	sld [smem:$0x3FDB];
	_ =	sdelay $0x1  }
0x99: {  	s4 =	simm.s32 $_scs_section_size  }
0x9a: {  	s5 =	simm.s32 $_size__tile_overlayer_lowered;
	s6 =	simm.s32 $_tile_overlayer_lowered  }
0x9b: {  	s22 =	simm.s32 $0x1BFF;
	s21 =	sshll.u32 s6, $0x1;
	s3 =	sadd.s32 s4, s19  }
0x9c: {  	s7 =	simm.s32 $0x0;
	s20 =	sshll.u32 s5, $0x1;
	s5 =	sadd.s32 s21, s3  }
0x9d: {  	[timem:s7], [sflag:s22] =	dma.local [hbm:s5], s20  }
0x9e: {  	_ =	swait.ge [sflag:s22], s20  }
0x9f: {  	s4 =	ssub.s32 $0x0, s20;
	[sflag:s22] =	ssyncset.done $0x0  }
0xa0: {  	[sflag:s22] =	ssyncadd.s32 s4;
	_ =	sdelay $0x1  }
0xa1: {  	s23 =	simm.s32 $0x1B8B  }
0xa2: {  	_ =	swait.ge [sflag:s23], $0x1  }
0xa3: {  	[sflag:s23] =	ssyncset.done $0x0  }
0xa4: {  	s25 =	simm.s32 $0x1B8E;
	s24 =	sld [smem:$0x3FFE];
	[sflag:s23] =	ssyncadd.s32 $0xFFFFFFFF  }
0xa5: {  	s26 =	simm.s32 $execute0_lowered;
	[smem:$0x3FD2] =	sst s25  }
0xa6: {  	s5 =	sshll.u32 s26, $0x1;
	_ =	strace $0x80000046;
	[dreg:$0x1] =	wrdreg $0xFFFFFFFF  }
0xa7: {  	s28 =	simm.s32 $_size_execute0_lowered;
	s3 =	sadd.s32 s3, s5;
	[dreg:$0x0] =	wrdreg $0x0  }
0xa8: {  	s5 =	sshll.u32 s28, $0x1;
	[dreg:$0x2] =	wrdreg s3  }
0xa9: {  	[dreg:$0x3] =	wrdreg s5  }
0xaa: {  	[dreg:$0x4] =	wrdreg $0xC0  }
0xab: {  	_ =	task [dreg:s7], $0x5FFFF  }
0xac: {  	[dreg:$0x1] =	wrdreg $0xFFFFFFFF  }
0xad: {  	[dreg:$0x0] =	wrdreg $0x60  }
0xae: {  	[dreg:$0x2] =	wrdreg s2  }
0xaf: {  	[dreg:$0x3] =	wrdreg s24  }
0xb0: {  	[dreg:$0x4] =	wrdreg $0x9  }
0xb1: {  	_ =	task.clear_ibuf [dreg:s7], $0x5FFFF;
	_ =	strace $0x90000046  }
0xb2: {  	s29 =	simm.s32 $0x9;
	_ =	strace $0x80000048  }
0xb3: {  	_ =	swait.ge [sflag:s29], $0x1  }
0xb4: {  	[sflag:s29] =	ssyncadd.s32 $0xFFFFFFFF  }
0xb5: {  	_ =	strace $0x90000048  }
0xb6: {  	_ =	sfence  }
0xb7: {  	s30 =	sld [smem:$0x0];
	_ =	sdelay $0x2  }
0xb8: {  	s31 =	sshll.u32 s1, $0xD;
	s1 =	sshrl.u32 s1, $0x2  }
0xb9: {  	s3 =	sand.u32 $0x4000, s31;
	s1 =	sadd.s32 s1, s30  }
0xba: {  	s0 =	sor.u32 s3, s0;
	s1 =	sshll.u32 s1, $0x11  }
0xbb: {  	s0 =	sor.u32 s1, s0  }
0xbc: {  	s0 =	sadd.s32 $0x8F2B, s0  }
0xbd: {  	[sflag:s0] =	ssyncadd.remote.s32 $0x1  }
0xbe: {  	_ =	sfence.sel $0xFFFF  }
0xbf: {  	[dreg:$0x0] =	wrdreg $0xFFFFFFFF;
	(pc) =	sbr.abs _section_cstart, $3  }
0xc0: {  	[dreg:$0x1] =	wrdreg $0xFFFFFFFF  }
0xc1: {  	_ =	task.clear_ibuf [dreg:s7], $0x2FFFF;
	_ =	strace $0x9FFFFFFF  }
0xc2: {  	(tm) =	ssettm $0x7FFFFFFF  }
0xc3: {  	_ =	shalt  }
tec
execute0_lowered:
.L_overlay_start_1:
0x0: {  	(tag) =	ssettag $0x1  }
0x1: {  	s0 =	srdreg.scid;
	s2 =	rddreg [dreg:$0x0]  }
0x2: {  	s3 =	stileid.u32;
	s11 =	rddreg [dreg:$0x1];
	s6 =	simm.s32 $0xF5  }
0x3: {  	s13 =	simm.s32 $0x400;
	s14 =	simm.s32 $0x7A1400;
	s15 =	simm.s32 $0x2000  }
0x4: {  	s16 =	simm.s32 $0x4000;
	s17 =	simm.s32 $0x1;
	s18 =	simm.s32 $0x6000  }
0x5: {  	s19 =	simm.s32 $0x2;
	s20 =	simm.s32 $0x7000;
	s21 =	simm.s32 $0x3  }
0x6: {  	s22 =	simm.s32 $0x8000;
	s23 =	simm.s32 $0x4;
	s24 =	simm.s32 $0x5  }
0x7: {  	s25 =	simm.s32 $0x6;
	s26 =	simm.s32 $0x9000;
	s0 =	sand.u32 $0x1, s0  }
0x8: {  	s28 =	simm.s32 $0x7;
	s29 =	simm.s32 $0x0;
	s1 =	sshll.u32 s0, $0x4  }
0x9: {  	v0 =	vlaneseq.u32;
	s10 =	sadd.s32 $0xF4200, s2;
	s1 =	sor.u32 s3, s1;
	s3 =	simm.s32 $0x0  }
0xa: {  	s31 =	sadd.s32 $0x3D1A00, s11;
	v7 =	vadd.s32 $0x2, v0;
	s0 =	ssub.s32 $0x2, s0;
	[smem:$0x7FF] =	sst s3  }
0xb: {  	v9 =	vadd.s32 $0x3, v0;
	s8 =	sshrl.u32 s0, $0x1;
	s4 =	smul.u32 $0xF4, s1;
	_ =	strace $0x80000047;
	[tilespmem:$0x1FFA0] =	vst v7  }
.Ltmp0:
0xc: {  	v10 =	vadd.s32 $0x4, v0;
	s5 =	smin.u32 s1, $0x4;
	p0 =	slt.u32 s1, $0x4;
	[tilespmem:$0x1FFB0] =	vst v9;
	(pc) =	sbr.rel .LBB2_1-.Ltmp0, $4  }
0xd: {  	v11 =	vadd.s32 $0x5, v0;
	s0 =	ssub.s32 s0, s8;
	[dreg:$0x3] =	wrdreg s10;
	[tilespmem:$0x1FFC0] =	vst v10;
	s4 =	sadd.s32 s5, s4  }
0xe: {  	v1 =	vmul.u32 $0x80, v0;
	v12 =	vadd.s32 $0x7, v0;
	s6 =	simm.s32 @!p0 $0xF4;
	[dreg:$0x4] =	wrdreg s31;
	[tilespmem:$0x1FFD0] =	vst v11;
	s7 =	sshll.u32 s4, $0x7  }
0xf: {  	v5 =	vor.u32 $0x10, v0;
	v53 =	vadd.s32 $0x1, v0;
	v55 =	vadd.s32 $0x6, v0;
	s12 =	smax.u32 s0, $0x1;
	p0 =	sne.s32 s1, $0x1F;
	[tilespmem:$0x1FFE0] =	vst v12;
	s7 =	sadd.s32 s2, s7  }
0x10: {  	v2 =	vor.u32 $0x800, v1;
	v3 =	vor.u32 $0x1000, v1;
	v4 =	vor.u32 $0x1800, v1;
	[tilespmem:$0x1FFF0] =	vst v53;
	s5 =	sadd.s32 $0x1200, s11;
	s8 =	sadd.s32 $0x80, s7;
	s9 =	sadd.s32 $0x100, s7  }
.LBB2_17:
0x11: {  	s29 =	sadd.s32 $0x1, s29  }
0x12: {  	p1 =	sne.s32 s29, s12  }
.Ltmp1:
0x13: {  	_ = 	snop;
	(pc) =	sbr.rel @!p1 .LBB2_18-.Ltmp1, $1  }
0x14: {  	_ =	sdelay $0x3  }
.LBB2_1:
0x15: {  	[tilespmem:s3], [sflag:$0x1] =	stream.strided.gather [hbm4b:s7+s13], $0x2000, s14, s13, $0x38;
	[tilespmem:$0xB000] =	vst v63  }
.Ltmp2:
0x16: {  	_ = 	snop;
	(pc) =	sbr.rel .LBB2_2-.Ltmp2, $4  }
0x17: {  	_ = 	snop  }
0x18: {  	[tilespmem:s15], [sflag:$0x2] =	stream.strided.gather [hbm4b:s8+s13], $0x2000, s14, s13, $0x38;
	[tilespmem:$0xB000] =	vst v63  }
0x19: {  	s30 =	simm.s32 $0x0  }
0x1a: {  	[tilespmem:s16], [sflag:$0x3] =	stream.strided.gather [hbm4b:s9+s13], $0x2000, s14, s13, $0x38;
	[tilespmem:$0xB000] =	vst v63  }
.LBB2_12:
0x1b: {  	s30 =	sadd.s32 $0x1, s30  }
0x1c: {  	v9 =	vld [tilespmem:$0x1FFB0];
	p1 =	sne.s32 s30, $0x52  }
.Ltmp3:
0x1d: {  	v10 =	vld [tilespmem:$0x1FFC0];
	(pc) =	sbr.rel @!p1 .LBB2_13-.Ltmp3, $1  }
0x1e: {  	v11 =	vld [tilespmem:$0x1FFD0];
	_ =	sdelay $0x3  }
.LBB2_2:
0x1f: {  	v21 =	vimm.s32 $0x0  }
0x20: {  	v13 =	vadd.s32 v12, v21;
	v14 =	vadd.s32 v53, v21;
	v15 =	vadd.s32 v7, v21  }
0x21: {  	v16 =	vadd.s32 v9, v21;
	v17 =	vadd.s32 v10, v21;
	v19 =	vadd.s32 v11, v21  }
0x22: {  	v20 =	vadd.s32 v0, v21;
	v23 =	vadd.s32 v55, v21;
	v21 =	vadd.s32 $0x8, v21  }
0x23: {  	_ =	swait.ge [sflag:s17], $0x2000;
	v13 =	vand.u32 $0x7F, v13;
	v24 =	vand.u32 $0x7F, v14;
	v20 =	vand.u32 $0x7F, v20  }
0x24: {  	p1 =	seq.s32 s30, $0x0;
	[sflag:s17] =	ssyncset.done $0x0;
	v25 =	vand.u32 $0x7F, v15;
	v26 =	vand.u32 $0x7F, v16;
	v18 =	vor.u32 v1, v13  }
0x25: {  	s0 =	simm.s32 @!p1 $0x4;
	[sflag:s17] =	ssyncadd.s32 $0xFFFFE000;
	v27 =	vand.u32 $0x7F, v17;
	v19 =	vand.u32 $0x7F, v19;
	v22 =	vor.u32 v2, v13  }
0x26: {  	v23 =	vand.u32 $0x7F, v23;
	_ =	swait.ge @!p1 [sflag:s0], $0x1000;
	v14 =	vor.u32 v1, v20;
	v15 =	vor.u32 v2, v20  }
0x27: {  	v16 =	vor.u32 v1, v24;
	v17 =	vor.u32 v2, v24;
	v28 =	vor.u32 v1, v25;
	[sflag:s0] =	ssyncset.done @!p1 $0x0  }
0x28: {  	v29 =	vor.u32 v2, v25;
	v30 =	vor.u32 v1, v26;
	v31 =	vor.u32 v2, v26;
	[sflag:s0] =	ssyncadd.s32 @!p1 $0xFFFFF000  }
0x29: {  	v32 =	vor.u32 v1, v27;
	v33 =	vshll.u32 v13, $0x5;
	v34 =	vor.u32 v2, v27;
	v18 =	vld.idx.msk [tilespmem:v18+s3+$0x0], $0xffff  }
0x2a: {  	v35 =	vor.u32 v1, v19;
	v38 =	vor.u32 v2, v19;
	v39 =	vor.u32 v1, v23;
	v22 =	vld.idx.msk [tilespmem:v22+s3+$0x0], $0xffff  }
0x2b: {  	v41 =	vor.u32 v3, v13;
	v42 =	vor.u32 v2, v23;
	v43 =	vshll.u32 v20, $0x5;
	v36 =	vld.idx.msk [tilespmem:v14+s3+$0x0], $0xffff  }
0x2c: {  	v45 =	vor.u32 v4, v13;
	v46 =	vshll.u32 v24, $0x5;
	v48 =	vshll.u32 v25, $0x5;
	v40 =	vld.idx.msk [tilespmem:v15+s3+$0x0], $0xffff  }
0x2d: {  	v6 =	vshll.u32 v26, $0x5;
	v8 =	vshll.u32 v23, $0x5;
	v52 =	vor.u32 v3, v20;
	v44 =	vld.idx.msk [tilespmem:v16+s3+$0x0], $0xffff  }
0x2e: {  	v20 =	vor.u32 v4, v20;
	v62 =	vor.u32 v3, v24;
	v24 =	vor.u32 v4, v24;
	v47 =	vld.idx.msk [tilespmem:v17+s3+$0x0], $0xffff  }
0x2f: {  	v63 =	vor.u32 v3, v25;
	v25 =	vor.u32 v4, v25;
	v15 =	vshrl.u32 v22, $0x10;
	v22 =	vld.idx.msk [tilespmem:v28+s3+$0x0], $0xffff;
	[tilespmem:$0x1FF90] =	vst v8  }
0x30: {  	v13 =	vor.u32 v4, v23;
	v37 =	vor.u32 v0, v33;
	v59 =	vor.u32 v0, v46;
	v28 =	vld.idx.msk [tilespmem:v29+s3+$0x0], $0xffff  }
0x31: {  	v49 =	vor.u32 v0, v48;
	v50 =	vor.u32 v0, v6;
	v33 =	vor.u32 v5, v33;
	v30 =	vld.idx.msk [tilespmem:v30+s3+$0x0], $0xffff  }
0x32: {  	v14 =	vand.u32 $0xFFFF0000, v18;
	v36 =	vand.u32 $0xFFFF0000, v36;
	v40 =	vshrl.u32 v40, $0x10;
	v31 =	vld.idx.msk [tilespmem:v31+s3+$0x0], $0xffff  }
0x33: {  	v60 =	vand.u32 $0xFFFF0000, v44;
	v61 =	vshrl.u32 v47, $0x10;
	v29 =	vor.u32 v0, v43;
	v32 =	vld.idx.msk [tilespmem:v32+s3+$0x0], $0xffff  }
0x34: {  	v47 =	vadd.s32 v12, v21;
	v17 =	vor.u32 v14, v15;
	v14 =	vshll.u32 v27, $0x5;
	v34 =	vld.idx.msk [tilespmem:v34+s3+$0x0], $0xffff  }
0x35: {  	v15 =	vshll.u32 v19, $0x5;
	v36 =	vor.u32 v36, v40;
	v38 =	vld.idx.msk [tilespmem:v38+s3+$0x0], $0xffff;
	v40 =	vor.u32 v3, v27  }
0x36: {  	v56 =	vld.idx.msk [tilespmem:v42+s3+$0x0], $0xffff;
	v27 =	vor.u32 v4, v27;
	v42 =	vor.u32 v5, v48;
	[tilespmem:v37+s18+$0x0] =	vst.idx.msk $0xffff, v17  }
0x37: {  	v51 =	vor.u32 v0, v14;
	v18 =	vor.u32 v0, v15;
	v17 =	vor.u32 v0, v8;
	v41 =	vld.idx.msk [tilespmem:v41+s3+$0x0], $0xffff  }
0x38: {  	v37 =	vand.u32 $0x7F, v47;
	v45 =	vld.idx.msk [tilespmem:v45+s3+$0x0], $0xffff;
	v22 =	vand.u32 $0xFFFF0000, v22;
	[tilespmem:v29+s18+$0x0] =	vst.idx.msk $0xffff, v36;
	v29 =	vor.u32 v60, v61  }
0x39: {  	v39 =	vld.idx.msk [tilespmem:v39+s3+$0x0], $0xffff;
	v28 =	vshrl.u32 v28, $0x10;
	v36 =	vor.u32 v3, v26;
	v30 =	vand.u32 $0xFFFF0000, v30  }
0x3a: {  	v26 =	vor.u32 v4, v26;
	v58 =	vshrl.u32 v34, $0x10;
	v34 =	vor.u32 v3, v19  }
0x3b: {  	v31 =	vshrl.u32 v31, $0x10;
	v38 =	vshrl.u32 v38, $0x10;
	v28 =	vor.u32 v22, v28;
	v22 =	vld.idx.msk [tilespmem:v35+s3+$0x0], $0xffff;
	[tilespmem:v59+s18+$0x0] =	vst.idx.msk $0xffff, v29  }
0x3c: {  	v30 =	vor.u32 v30, v31;
	v31 =	vand.u32 $0xFFFF0000, v32;
	v59 =	vld.idx.msk [tilespmem:v20+s3+$0x0], $0xffff;
	v20 =	vor.u32 v4, v19  }
0x3d: {  	v57 =	vld.idx.msk [tilespmem:v52+s3+$0x0], $0xffff;
	v52 =	vadd.s32 v0, v21;
	v29 =	vand.u32 $0xFFFF0000, v41;
	v54 =	vshrl.u32 v45, $0x10  }
0x3e: {  	v31 =	vor.u32 v31, v58;
	v61 =	vld.idx.msk [tilespmem:v62+s3+$0x0], $0xffff;
	[tilespmem:v49+s18+$0x0] =	vst.idx.msk $0xffff, v28;
	v28 =	vand.u32 $0xFFFF0000, v39;
	v62 =	vshrl.u32 v56, $0x10  }
0x3f: {  	[tilespmem:v50+s18+$0x0] =	vst.idx.msk $0xffff, v30;
	v39 =	vor.u32 v5, v46;
	v50 =	vor.u32 v1, v37;
	v32 =	vand.u32 $0x7F, v52  }
0x40: {  	v56 =	vadd.s32 v53, v21;
	v58 =	vadd.s32 v7, v21;
	v29 =	vor.u32 v29, v54;
	v35 =	vld.idx.msk [tilespmem:v63+s3+$0x0], $0xffff  }
0x41: {  	v28 =	vor.u32 v28, v62;
	v25 =	vld.idx.msk [tilespmem:v25+s3+$0x0], $0xffff;
	v54 =	vor.u32 v2, v37;
	[tilespmem:v51+s18+$0x0] =	vst.idx.msk $0xffff, v31  }
0x42: {  	v51 =	vshll.u32 v37, $0x5;
	v40 =	vld.idx.msk [tilespmem:v40+s3+$0x0], $0xffff;
	v60 =	vand.u32 $0xFFFF0000, v22;
	v22 =	vor.u32 v3, v23  }
0x43: {  	v27 =	vld.idx.msk [tilespmem:v27+s3+$0x0], $0xffff;
	v63 =	vand.u32 $0xFFFF0000, v57;
	v45 =	vshrl.u32 v59, $0x10;
	v57 =	vor.u32 v2, v32  }
0x44: {  	v23 =	vld.idx.msk [tilespmem:v24+s3+$0x0], $0xffff;
	v59 =	vadd.s32 v9, v21;
	v24 =	vor.u32 v60, v38;
	v38 =	vor.u32 v5, v43  }
0x45: {  	[tilespmem:v17+s18+$0x0] =	vst.idx.msk $0xffff, v28;
	v30 =	vor.u32 v63, v45;
	v49 =	vand.u32 $0xFFFF0000, v61;
	v43 =	vor.u32 v1, v32  }
0x46: {  	v36 =	vld.idx.msk [tilespmem:v36+s3+$0x0], $0xffff;
	v45 =	vand.u32 $0x7F, v58;
	v61 =	vadd.s32 v11, v21;
	v63 =	vadd.s32 v55, v21  }
0x47: {  	v13 =	vld.idx.msk [tilespmem:v13+s3+$0x0], $0xffff;
	v47 =	vand.u32 $0x7F, v59;
	v31 =	vand.u32 $0xFFFF0000, v35;
	v25 =	vshrl.u32 v25, $0x10  }
0x48: {  	v44 =	vld.idx.msk [tilespmem:v54+s3+$0x0], $0xffff;
	v60 =	vor.u32 v1, v45;
	v62 =	vor.u32 v2, v45;
	v54 =	vor.u32 v0, v51  }
0x49: {  	v8 =	vmovc v7;
	v41 =	vld.idx.msk [tilespmem:v50+s3+$0x0], $0xffff;
	v52 =	vand.u32 $0x7F, v61;
	v25 =	vor.u32 v31, v25;
	v31 =	vand.u32 $0x7F, v56  }
0x4a: {  	v7 =	vmovc v55;
	v55 =	vand.u32 $0x7F, v63;
	v58 =	vor.u32 v2, v47;
	v46 =	vor.u32 v1, v31;
	v35 =	vld.idx.msk [tilespmem:v57+s3+$0x0], $0xffff  }
0x4b: {  	[tilespmem:v33+s18+$0x0] =	vst.idx.msk $0xffff, v29;
	v29 =	vshll.u32 v45, $0x5;
	v16 =	vshll.u32 v47, $0x5;
	v48 =	vor.u32 v2, v31;
	v22 =	vld.idx.msk [tilespmem:v22+s3+$0x0], $0xffff  }
0x4c: {  	v56 =	vor.u32 v3, v37;
	v37 =	vor.u32 v4, v37;
	v23 =	vshrl.u32 v23, $0x10;
	v43 =	vld.idx.msk [tilespmem:v43+s3+$0x0], $0xffff  }
0x4d: {  	v61 =	vor.u32 v2, v55;
	v57 =	vor.u32 v1, v47;
	v23 =	vor.u32 v49, v23;
	v50 =	vld.idx.msk [tilespmem:v60+s3+$0x0], $0xffff  }
0x4e: {  	v49 =	vadd.s32 v10, v21;
	v41 =	vand.u32 $0xFFFF0000, v41;
	v44 =	vshrl.u32 v44, $0x10;
	v53 =	vld.idx.msk [tilespmem:v62+s3+$0x0], $0xffff  }
0x4f: {  	v27 =	vshrl.u32 v27, $0x10;
	[tilespmem:v42+s18+$0x0] =	vst.idx.msk $0xffff, v25;
	v49 =	vand.u32 $0x7F, v49;
	v41 =	vor.u32 v41, v44;
	v46 =	vld.idx.msk [tilespmem:v46+s3+$0x0], $0xffff  }
0x50: {  	v36 =	vand.u32 $0xFFFF0000, v36;
	v63 =	vshll.u32 v31, $0x5;
	v44 =	vor.u32 v1, v49;
	v48 =	vld.idx.msk [tilespmem:v48+s3+$0x0], $0xffff;
	[tilespmem:v54+s18+$0x0] =	vst.idx.msk $0xffff, v41  }
0x51: {  	v25 =	vor.u32 v3, v32;
	v13 =	vshrl.u32 v13, $0x10;
	v59 =	vor.u32 v2, v49;
	v56 =	vld.idx.msk [tilespmem:v56+s3+$0x0], $0xffff  }
0x52: {  	[tilespmem:v38+s18+$0x0] =	vst.idx.msk $0xffff, v30;
	v30 =	vor.u32 v0, v63;
	v60 =	vor.u32 v1, v55;
	v37 =	vld.idx.msk [tilespmem:v37+s3+$0x0], $0xffff  }
0x53: {  	[tilespmem:v18+s18+$0x0] =	vst.idx.msk $0xffff, v24;
	v62 =	vshll.u32 v32, $0x5;
	v32 =	vor.u32 v4, v32;
	v19 =	vshll.u32 v49, $0x5;
	v33 =	vld.idx.msk [tilespmem:v57+s3+$0x0], $0xffff  }
0x54: {  	v41 =	vor.u32 v1, v52;
	v54 =	vor.u32 v2, v52;
	v24 =	vshrl.u32 v35, $0x10;
	v35 =	vld.idx.msk [tilespmem:v58+s3+$0x0], $0xffff  }
0x55: {  	v57 =	vshll.u32 v52, $0x5;
	v22 =	vand.u32 $0xFFFF0000, v22;
	v18 =	vand.u32 $0xFFFF0000, v43;
	v28 =	vld.idx.msk [tilespmem:v44+s3+$0x0], $0xffff  }
0x56: {  	v17 =	vor.u32 v18, v24;
	v44 =	vld.idx.msk [tilespmem:v59+s3+$0x0], $0xffff;
	v18 =	vand.u32 $0xFFFF0000, v46;
	v24 =	vshrl.u32 v48, $0x10  }
0x57: {  	v59 =	vld.idx.msk [tilespmem:v61+s3+$0x0], $0xffff;
	v61 =	vor.u32 v3, v31;
	v18 =	vor.u32 v18, v24;
	v24 =	vor.u32 v0, v62  }
0x58: {  	v26 =	vld.idx.msk [tilespmem:v26+s3+$0x0], $0xffff;
	[tilespmem:v39+s18+$0x0] =	vst.idx.msk $0xffff, v23;
	v31 =	vor.u32 v4, v31;
	v48 =	vand.u32 $0xFFFF0000, v50;
	v50 =	vshrl.u32 v53, $0x10  }
0x59: {  	v38 =	vld.idx.msk [tilespmem:v54+s3+$0x0], $0xffff;
	v54 =	vor.u32 v0, v29;
	v46 =	vor.u32 v0, v19;
	v23 =	vor.u32 v48, v50  }
0x5a: {  	v41 =	vld.idx.msk [tilespmem:v41+s3+$0x0], $0xffff;
	v53 =	vand.u32 $0xFFFF0000, v56;
	v37 =	vshrl.u32 v37, $0x10;
	v56 =	vor.u32 v0, v16  }
0x5b: {  	v58 =	vld.idx.msk [tilespmem:v60+s3+$0x0], $0xffff;
	v33 =	vand.u32 $0xFFFF0000, v33;
	v35 =	vshrl.u32 v35, $0x10;
	v48 =	vor.u32 v0, v57  }
0x5c: {  	v62 =	vor.u32 v5, v62;
	[tilespmem:v24+s18+$0x0] =	vst.idx.msk $0xffff, v17;
	v17 =	vld.idx.msk [tilespmem:v20+s3+$0x0], $0xffff;
	v20 =	vor.u32 v5, v51  }
0x5d: {  	v43 =	vshll.u32 v55, $0x5;
	v37 =	vor.u32 v53, v37;
	v33 =	vor.u32 v33, v35;
	[tilespmem:v30+s18+$0x0] =	vst.idx.msk $0xffff, v18  }
0x5e: {  	v18 =	vor.u32 v4, v45;
	v35 =	vor.u32 v5, v29;
	v29 =	vor.u32 v5, v19  }
0x5f: {  	v60 =	vld.idx.msk [tilespmem:v34+s3+$0x0], $0xffff;
	v30 =	vand.u32 $0xFFFF0000, v41;
	[tilespmem:v54+s18+$0x0] =	vst.idx.msk $0xffff, v23;
	v24 =	vand.u32 $0xFFFF0000, v28;
	v28 =	vshrl.u32 v44, $0x10  }
0x60: {  	v44 =	vshrl.u32 v38, $0x10;
	v51 =	vld.idx.msk [tilespmem:v61+s3+$0x0], $0xffff;
	v24 =	vor.u32 v24, v28;
	v28 =	vor.u32 v3, v45  }
0x61: {  	v23 =	vld.idx.msk [tilespmem:v25+s3+$0x0], $0xffff;
	v25 =	vor.u32 v30, v44;
	v30 =	vand.u32 $0xFFFF0000, v58;
	[tilespmem:v20+s18+$0x0] =	vst.idx.msk $0xffff, v37;
	v20 =	vshrl.u32 v26, $0x10  }
0x62: {  	v32 =	vld.idx.msk [tilespmem:v32+s3+$0x0], $0xffff;
	v58 =	vor.u32 v4, v52;
	v26 =	vand.u32 $0xFFFF0000, v40;
	v34 =	vor.u32 v36, v20  }
0x63: {  	v36 =	vor.u32 v26, v27;
	v20 =	vor.u32 v0, v43;
	v27 =	vld.idx.msk [tilespmem:v31+s3+$0x0], $0xffff;
	v31 =	vor.u32 v3, v47  }
0x64: {  	v54 =	vor.u32 v4, v47;
	[tilespmem:v56+s18+$0x0] =	vst.idx.msk $0xffff, v33;
	v56 =	vor.u32 v4, v49;
	v45 =	vshrl.u32 v59, $0x10  }
0x65: {  	v18 =	vld.idx.msk [tilespmem:v18+s3+$0x0], $0xffff;
	v30 =	vor.u32 v30, v45;
	v17 =	vshrl.u32 v17, $0x10;
	v26 =	vand.u32 $0xFFFF0000, v60  }
0x66: {  	[tilespmem:v48+s18+$0x0] =	vst.idx.msk $0xffff, v25;
	v53 =	vld.idx.msk [tilespmem:v28+s3+$0x0], $0xffff;
	v26 =	vor.u32 v26, v17;
	v17 =	vor.u32 v3, v49  }
0x67: {  	[tilespmem:v46+s18+$0x0] =	vst.idx.msk $0xffff, v24;
	v23 =	vand.u32 $0xFFFF0000, v23;
	v24 =	vshrl.u32 v32, $0x10;
	v28 =	vor.u32 v22, v13;
	v19 =	vld.idx.msk [tilespmem:v58+s3+$0x0], $0xffff  }
0x68: {  	v22 =	vor.u32 v3, v52;
	v13 =	vand.u32 $0xFFFF0000, v51;
	v61 =	vld.idx.msk [tilespmem:v31+s3+$0x0], $0xffff;
	[tilespmem:v20+s18+$0x0] =	vst.idx.msk $0xffff, v30;
	v20 =	vshrl.u32 v27, $0x10  }
0x69: {  	v60 =	vor.u32 v3, v55;
	v31 =	vor.u32 v13, v20;
	v13 =	vor.u32 v5, v6;
	v6 =	vld [tilespmem:$0x1FF90]  }
0x6a: {  	v14 =	vor.u32 v5, v14;
	v59 =	vor.u32 v23, v24;
	v24 =	vld.idx.msk [tilespmem:v54+s3+$0x0], $0xffff  }
0x6b: {  	v38 =	vor.u32 v5, v63;
	v18 =	vshrl.u32 v18, $0x10;
	v23 =	vand.u32 $0xFFFF0000, v53;
	v25 =	vld.idx.msk [tilespmem:v17+s3+$0x0], $0xffff  }
0x6c: {  	v37 =	vor.u32 v4, v55;
	v32 =	vor.u32 v5, v43;
	v33 =	vor.u32 v23, v18;
	v23 =	vld.idx.msk [tilespmem:v56+s3+$0x0], $0xffff  }
0x6d: {  	v30 =	vor.u32 v5, v16;
	v27 =	vor.u32 v5, v57;
	v17 =	vor.u32 v5, v15;
	v18 =	vld.idx.msk [tilespmem:v22+s3+$0x0], $0xffff  }
0x6e: {  	s31 =	smul.u32 $0x3, s30;
	s1 =	simm.s32 $0x8;
	v16 =	vadd.s32 $0x8, v21;
	[tilespmem:v62+s18+$0x0] =	vst.idx.msk $0xffff, v59;
	v22 =	vld.idx.msk [tilespmem:v60+s3+$0x0], $0xffff;
	v20 =	vand.u32 $0xFFFF0000, v61;
	v15 =	vor.u32 v5, v6  }
.LBB2_3:
0x6f: {  	v40 =	vadd.s32 v8, v16;
	v41 =	vadd.s32 v12, v16;
	v60 =	vadd.s32 v9, v16  }
0x70: {  	v42 =	vadd.s32 v10, v16;
	[tilespmem:v38+s18+$0x0] =	vst.idx.msk $0xffff, v31;
	v31 =	vadd.s32 v11, v16  }
0x71: {  	v61 =	vadd.s32 v7, v16;
	v44 =	vadd.s32 v0, v16;
	[tilespmem:v35+s18+$0x0] =	vst.idx.msk $0xffff, v33;
	v41 =	vand.u32 $0x7F, v41  }
0x72: {  	v21 =	vld.idx.msk [tilespmem:v37+s3+$0x0], $0xffff;
	[tilespmem:v13+s18+$0x0] =	vst.idx.msk $0xffff, v34;
	v44 =	vand.u32 $0x7F, v44;
	v40 =	vand.u32 $0x7F, v40;
	v37 =	vand.u32 $0x7F, v60  }
0x73: {  	[tilespmem:v14+s18+$0x0] =	vst.idx.msk $0xffff, v36;
	v42 =	vand.u32 $0x7F, v42;
	v46 =	vand.u32 $0x7F, v31;
	v43 =	vor.u32 v1, v41  }
0x74: {  	v6 =	vld [tilespmem:$0x1FFF0];
	v14 =	vmovc v29;
	v34 =	vand.u32 $0x7F, v61;
	v45 =	vor.u32 v2, v41;
	v29 =	vor.u32 v1, v44  }
0x75: {  	v13 =	vmovc v30;
	v30 =	vor.u32 v2, v44;
	v38 =	vor.u32 v1, v40;
	v47 =	vor.u32 v2, v40  }
0x76: {  	v48 =	vor.u32 v1, v37;
	v49 =	vor.u32 v2, v37;
	v50 =	vor.u32 v1, v42  }
0x77: {  	v51 =	vor.u32 v2, v42;
	v52 =	vor.u32 v1, v46;
	v53 =	vor.u32 v2, v46  }
0x78: {  	v54 =	vor.u32 v1, v34;
	v55 =	vor.u32 v2, v34;
	v56 =	vshll.u32 v41, $0x5;
	v43 =	vld.idx.msk [tilespmem:v43+s3+$0x0], $0xffff  }
0x79: {  	[tilespmem:v17+s18+$0x0] =	vst.idx.msk $0xffff, v26;
	v35 =	vshll.u32 v44, $0x5;
	v31 =	vshll.u32 v37, $0x5;
	v39 =	vadd.s32 v6, v16;
	v45 =	vld.idx.msk [tilespmem:v45+s3+$0x0], $0xffff  }
0x7a: {  	[tilespmem:v15+s18+$0x0] =	vst.idx.msk $0xffff, v28;
	v58 =	vor.u32 v3, v41;
	v33 =	vshll.u32 v42, $0x5;
	v39 =	vand.u32 $0x7F, v39;
	v26 =	vld.idx.msk [tilespmem:v29+s3+$0x0], $0xffff  }
0x7b: {  	v17 =	vmovc v27;
	v27 =	vshll.u32 v46, $0x5;
	v41 =	vor.u32 v4, v41;
	v62 =	vor.u32 v1, v39;
	v28 =	vld.idx.msk [tilespmem:v30+s3+$0x0], $0xffff  }
0x7c: {  	v15 =	vmovc v32;
	v32 =	vshll.u32 v34, $0x5;
	v57 =	vor.u32 v0, v56;
	v63 =	vor.u32 v2, v39;
	v38 =	vld.idx.msk [tilespmem:v38+s3+$0x0], $0xffff  }
0x7d: {  	v60 =	vor.u32 v0, v35;
	v24 =	vshrl.u32 v24, $0x10;
	v25 =	vand.u32 $0xFFFF0000, v25;
	v48 =	vld.idx.msk [tilespmem:v48+s3+$0x0], $0xffff  }
0x7e: {  	v23 =	vshrl.u32 v23, $0x10;
	v18 =	vand.u32 $0xFFFF0000, v18;
	v19 =	vshrl.u32 v19, $0x10;
	v49 =	vld.idx.msk [tilespmem:v49+s3+$0x0], $0xffff  }
0x7f: {  	v22 =	vand.u32 $0xFFFF0000, v22;
	v6 =	vor.u32 v0, v32;
	v29 =	vshll.u32 v39, $0x5;
	v54 =	vld.idx.msk [tilespmem:v54+s3+$0x0], $0xffff  }
0x80: {  	v32 =	vor.u32 v5, v32;
	v30 =	vshll.u32 v40, $0x5;
	v61 =	vor.u32 v0, v29;
	v59 =	vld.idx.msk [tilespmem:v62+s3+$0x0], $0xffff  }
0x81: {  	v36 =	vld.idx.msk [tilespmem:v63+s3+$0x0], $0xffff;
	v43 =	vand.u32 $0xFFFF0000, v43;
	v45 =	vshrl.u32 v45, $0x10;
	v26 =	vand.u32 $0xFFFF0000, v26  }
0x82: {  	v28 =	vshrl.u32 v28, $0x10;
	v63 =	vor.u32 v3, v44;
	v43 =	vor.u32 v43, v45;
	v45 =	vld.idx.msk [tilespmem:v47+s3+$0x0], $0xffff  }
0x83: {  	v26 =	vor.u32 v26, v28;
	v28 =	vor.u32 v4, v44;
	v44 =	vld.idx.msk [tilespmem:v50+s3+$0x0], $0xffff;
	[tilespmem:v57+s18+$0x0] =	vst.idx.msk $0xffff, v43  }
0x84: {  	v62 =	vor.u32 v0, v31;
	v38 =	vand.u32 $0xFFFF0000, v38;
	v48 =	vand.u32 $0xFFFF0000, v48;
	v58 =	vld.idx.msk [tilespmem:v58+s3+$0x0], $0xffff  }
0x85: {  	v47 =	vor.u32 v0, v30;
	v50 =	vor.u32 v5, v56;
	v43 =	vor.u32 v0, v33;
	v41 =	vld.idx.msk [tilespmem:v41+s3+$0x0], $0xffff  }
0x86: {  	v57 =	vor.u32 v0, v27;
	[tilespmem:v60+s18+$0x0] =	vst.idx.msk $0xffff, v26;
	v60 =	vshrl.u32 v49, $0x10;
	v49 =	vor.u32 v3, v42  }
0x87: {  	v59 =	vand.u32 $0xFFFF0000, v59;
	v26 =	vshrl.u32 v36, $0x10;
	v56 =	vshrl.u32 v45, $0x10;
	v45 =	vld.idx.msk [tilespmem:v51+s3+$0x0], $0xffff  }
0x88: {  	v42 =	vor.u32 v4, v42;
	v36 =	vor.u32 v3, v39;
	v26 =	vor.u32 v59, v26;
	v51 =	vld.idx.msk [tilespmem:v52+s3+$0x0], $0xffff  }
0x89: {  	v52 =	vld.idx.msk [tilespmem:v55+s3+$0x0], $0xffff;
	[tilespmem:v61+s18+$0x0] =	vst.idx.msk $0xffff, v26;
	v26 =	vor.u32 v4, v39;
	v38 =	vor.u32 v38, v56  }
0x8a: {  	v28 =	vld.idx.msk [tilespmem:v28+s3+$0x0], $0xffff;
	v39 =	vor.u32 v3, v40;
	v58 =	vand.u32 $0xFFFF0000, v58;
	v41 =	vshrl.u32 v41, $0x10  }
0x8b: {  	v40 =	vor.u32 v4, v40;
	[tilespmem:v47+s18+$0x0] =	vst.idx.msk $0xffff, v38;
	v47 =	vld.idx.msk [tilespmem:v53+s3+$0x0], $0xffff;
	v59 =	vor.u32 v58, v41  }
0x8c: {  	v27 =	vor.u32 v5, v27;
	v61 =	vor.u32 v48, v60;
	[tilespmem:v50+s18+$0x0] =	vst.idx.msk $0xffff, v59;
	v50 =	vld.idx.msk [tilespmem:v63+s3+$0x0], $0xffff  }
0x8d: {  	v56 =	vor.u32 v3, v34;
	v38 =	vor.u32 v3, v37;
	v53 =	vor.u32 v4, v37;
	v58 =	vld.idx.msk [tilespmem:v36+s3+$0x0], $0xffff  }
0x8e: {  	v21 =	vshrl.u32 v21, $0x10;
	[tilespmem:v62+s18+$0x0] =	vst.idx.msk $0xffff, v61;
	v63 =	vand.u32 $0xFFFF0000, v44;
	v44 =	vor.u32 v3, v46;
	v60 =	vld.idx.msk [tilespmem:v26+s3+$0x0], $0xffff  }
0x8f: {  	v36 =	vor.u32 v25, v23;
	v48 =	vshrl.u32 v45, $0x10;
	v45 =	vor.u32 v4, v46;
	v39 =	vld.idx.msk [tilespmem:v39+s3+$0x0], $0xffff  }
0x90: {  	v55 =	vand.u32 $0xFFFF0000, v51;
	v37 =	vor.u32 v63, v48;
	v40 =	vld.idx.msk [tilespmem:v40+s3+$0x0], $0xffff;
	v63 =	vor.u32 v5, v35  }
0x91: {  	v35 =	vor.u32 v5, v30;
	v30 =	vor.u32 v5, v31;
	[tilespmem:v43+s18+$0x0] =	vst.idx.msk $0xffff, v37;
	v59 =	vshrl.u32 v47, $0x10  }
0x92: {  	s1 =	sadd.s32 $0x8, s1;
	v37 =	vor.u32 v4, v34;
	v34 =	vor.u32 v20, v24;
	v20 =	vld.idx.msk [tilespmem:v38+s3+$0x0], $0xffff;
	v26 =	vor.u32 v55, v59  }
0x93: {  	p2 =	slt.u32 s1, $0x78;
	v61 =	vand.u32 $0xFFFF0000, v54;
	v24 =	vld.idx.msk [tilespmem:v53+s3+$0x0], $0xffff;
	v38 =	vor.u32 v5, v29;
	[tilespmem:v57+s18+$0x0] =	vst.idx.msk $0xffff, v26;
	v26 =	vshrl.u32 v52, $0x10  }
.Ltmp4:
0x94: {  	v29 =	vor.u32 v5, v33;
	v25 =	vld.idx.msk [tilespmem:v49+s3+$0x0], $0xffff;
	v62 =	vand.u32 $0xFFFF0000, v50;
	v26 =	vor.u32 v61, v26;
	(pc) =	sbr.rel @p2 .LBB2_3-.Ltmp4, $4  }
0x95: {  	v23 =	vld.idx.msk [tilespmem:v42+s3+$0x0], $0xffff;
	[tilespmem:v6+s18+$0x0] =	vst.idx.msk $0xffff, v26;
	v26 =	vor.u32 v18, v19;
	v18 =	vand.u32 $0xFFFF0000, v58;
	v19 =	vshrl.u32 v60, $0x10  }
0x96: {  	v6 =	vshrl.u32 v28, $0x10;
	v28 =	vor.u32 v22, v21;
	v31 =	vor.u32 v18, v19;
	v18 =	vld.idx.msk [tilespmem:v44+s3+$0x0], $0xffff  }
0x97: {  	v21 =	vand.u32 $0xFFFF0000, v39;
	v22 =	vshrl.u32 v40, $0x10;
	v6 =	vor.u32 v62, v6;
	v19 =	vld.idx.msk [tilespmem:v45+s3+$0x0], $0xffff  }
0x98: {  	v16 =	vadd.s32 $0x8, v16;
	v33 =	vor.u32 v21, v22;
	v20 =	vand.u32 $0xFFFF0000, v20;
	v22 =	vld.idx.msk [tilespmem:v56+s3+$0x0], $0xffff;
	[tilespmem:v63+s18+$0x0] =	vst.idx.msk $0xffff, v6  }
0x99: {  	_ =	sdelay $0x3  }
0x9a: {  	[tilespmem:v38+s18+$0x0] =	vst.idx.msk $0xffff, v31  }
0x9b: {  	[tilespmem:v35+s18+$0x0] =	vst.idx.msk $0xffff, v33  }
0x9c: {  	v6 =	vld.idx.msk [tilespmem:v37+s3+$0x0], $0xffff;
	[tilespmem:v13+s18+$0x0] =	vst.idx.msk $0xffff, v34  }
0x9d: {  	[tilespmem:v14+s18+$0x0] =	vst.idx.msk $0xffff, v36  }
0x9e: {  	[tilespmem:v17+s18+$0x0] =	vst.idx.msk $0xffff, v26;
	v58 =	vshrl.u32 v24, $0x10  }
0x9f: {  	[tilespmem:v15+s18+$0x0] =	vst.idx.msk $0xffff, v28;
	v59 =	vand.u32 $0xFFFF0000, v25;
	v60 =	vshrl.u32 v23, $0x10;
	v13 =	vor.u32 v20, v58  }
0xa0: {  	s0 =	sadd.s32 s4, s31;
	v16 =	vand.u32 $0xFFFF0000, v18;
	v14 =	vor.u32 v59, v60;
	[tilespmem:v30+s18+$0x0] =	vst.idx.msk $0xffff, v13;
	v61 =	vshrl.u32 v19, $0x10  }
0xa1: {  	s0 =	sshll.u32 s0, $0x9;
	[tilespmem:v29+s18+$0x0] =	vst.idx.msk $0xffff, v14;
	v62 =	vand.u32 $0xFFFF0000, v22;
	v63 =	vor.u32 v16, v61;
	v6 =	vshrl.u32 v6, $0x10  }
0xa2: {  	s0 =	sand.u32 $0x1FFFFE00, s0;
	[tilespmem:v27+s18+$0x0] =	vst.idx.msk $0xffff, v63;
	v6 =	vor.u32 v62, v6  }
0xa3: {  	s0 =	sadd.s32 s5, s0;
	[tilespmem:v32+s18+$0x0] =	vst.idx.msk $0xffff, v6  }
0xa4: {  	[hbm4b:s0+s3] =	stream.linear.scatter [tilespmem:s18], [sflag:$0x4], $0x1000, $0x38;
	[tilespmem:$0xB000] =	vst v63  }
0xa5: {  	s0 =	sadd.s32 $0x3, s31  }
0xa6: {  	p2 =	sge.u32 s0, s6  }
0xa7: {  	s0 =	sadd.s32 @!p2 s4, s0  }
0xa8: {  	s0 =	sshll.u32 @!p2 s0, $0x7  }
0xa9: {  	s1 =	simm.s32 @!p2 $0x400;
	s0 =	sand.u32 @!p2 $0x1FFFFF80, s0  }
0xaa: {  	s10 =	simm.s32 @!p2 $0x7A1400;
	s11 =	simm.s32 @!p2 $0x0;
	s0 =	sadd.s32 @!p2 s2, s0  }
0xab: {  	[tilespmem:s11], [sflag:$0x1] =	stream.strided.gather @!p2 [hbm4b:s0+s1], $0x2000, s10, s1, $0x38;
	[tilespmem:$0xB000] =	vst v63  }
0xac: {  	s1 =	sadd.s32 $0x1, s31  }
0xad: {  	p2 =	sge.u32 s1, s6  }
.Ltmp5:
0xae: {  	_ = 	snop;
	(pc) =	sbr.rel @p2 .LBB2_8-.Ltmp5, $2  }
0xaf: {  	_ =	sdelay $0x2  }
0xb0: {  	v55 =	vmov v7;
	v53 =	vld [tilespmem:$0x1FFF0]  }
0xb1: {  	v7 =	vld [tilespmem:$0x1FFE0];
	_ =	sdelay $0x1  }
0xb2: {  	v6 =	vimm.s32 $0x0;
	_ =	swait.ge [sflag:s19], $0x2000  }
0xb3: {  	v12 =	vld [tilespmem:$0x1FFA0];
	v20 =	vadd.s32 v0, v6;
	v22 =	vadd.s32 v55, v6  }
0xb4: {  	v52 =	vld [tilespmem:$0x1FFB0];
	v20 =	vand.u32 $0x7F, v20;
	v22 =	vand.u32 $0x7F, v22  }
0xb5: {  	[sflag:s19] =	ssyncset.done $0x0;
	v54 =	vld [tilespmem:$0x1FFC0];
	v38 =	vor.u32 v1, v22;
	v14 =	vadd.s32 v53, v6;
	v13 =	vadd.s32 v7, v6  }
0xb6: {  	s0 =	simm.s32 @!p1 $0x5;
	v56 =	vld [tilespmem:$0x1FFD0];
	[sflag:s19] =	ssyncadd.s32 $0xFFFFE000;
	v23 =	vand.u32 $0x7F, v14;
	v14 =	vor.u32 v1, v20;
	v13 =	vand.u32 $0x7F, v13  }
0xb7: {  	_ =	swait.ge @!p1 [sflag:s0], $0x1000;
	v41 =	vor.u32 v2, v22;
	v42 =	vshll.u32 v20, $0x5;
	v18 =	vor.u32 v1, v13  }
0xb8: {  	v51 =	vor.u32 v3, v20;
	[sflag:s0] =	ssyncset.done @!p1 $0x0;
	v15 =	vadd.s32 v12, v6;
	v21 =	vor.u32 v2, v13  }
0xb9: {  	[sflag:s0] =	ssyncadd.s32 @!p1 $0xFFFFF000;
	v16 =	vadd.s32 v52, v6;
	v24 =	vand.u32 $0x7F, v15;
	v15 =	vor.u32 v2, v20  }
0xba: {  	v17 =	vadd.s32 v54, v6;
	v25 =	vand.u32 $0x7F, v16;
	v16 =	vor.u32 v1, v23;
	v38 =	vld.idx.msk [tilespmem:v38+s15+$0x0], $0xffff  }
0xbb: {  	v19 =	vadd.s32 v56, v6;
	v26 =	vand.u32 $0x7F, v17;
	v17 =	vor.u32 v2, v23;
	v35 =	vld.idx.msk [tilespmem:v14+s15+$0x0], $0xffff  }
0xbc: {  	v45 =	vshll.u32 v23, $0x5;
	v57 =	vor.u32 v3, v23;
	v29 =	vor.u32 v1, v25;
	v18 =	vld.idx.msk [tilespmem:v18+s15+$0x0], $0xffff  }
0xbd: {  	v19 =	vand.u32 $0x7F, v19;
	v32 =	vshll.u32 v13, $0x5;
	v30 =	vor.u32 v2, v25;
	v21 =	vld.idx.msk [tilespmem:v21+s15+$0x0], $0xffff  }
0xbe: {  	v40 =	vor.u32 v3, v13;
	v44 =	vor.u32 v4, v13;
	v31 =	vor.u32 v1, v26;
	v39 =	vld.idx.msk [tilespmem:v15+s15+$0x0], $0xffff  }
0xbf: {  	v61 =	vor.u32 v0, v45;
	v20 =	vor.u32 v4, v20;
	v27 =	vor.u32 v1, v24;
	v43 =	vld.idx.msk [tilespmem:v16+s15+$0x0], $0xffff  }
0xc0: {  	v23 =	vor.u32 v4, v23;
	v28 =	vor.u32 v2, v24;
	v33 =	vor.u32 v2, v26;
	v46 =	vld.idx.msk [tilespmem:v17+s15+$0x0], $0xffff  }
0xc1: {  	v34 =	vor.u32 v1, v19;
	v36 =	vor.u32 v0, v32;
	v37 =	vor.u32 v2, v19;
	v29 =	vld.idx.msk [tilespmem:v29+s15+$0x0], $0xffff  }
0xc2: {  	v47 =	vshll.u32 v24, $0x5;
	v13 =	vshll.u32 v25, $0x5;
	v32 =	vor.u32 v5, v32;
	v30 =	vld.idx.msk [tilespmem:v30+s15+$0x0], $0xffff  }
0xc3: {  	v58 =	vor.u32 v3, v24;
	v24 =	vor.u32 v4, v24;
	v59 =	vor.u32 v3, v25;
	v31 =	vld.idx.msk [tilespmem:v31+s15+$0x0], $0xffff  }
0xc4: {  	v25 =	vor.u32 v4, v25;
	v49 =	vor.u32 v0, v13;
	v15 =	vshrl.u32 v21, $0x10;
	v21 =	vld.idx.msk [tilespmem:v27+s15+$0x0], $0xffff  }
0xc5: {  	v48 =	vor.u32 v0, v47;
	v14 =	vand.u32 $0xFFFF0000, v18;
	v27 =	vld.idx.msk [tilespmem:v28+s15+$0x0], $0xffff;
	v28 =	vor.u32 v0, v42  }
0xc6: {  	v13 =	vor.u32 v5, v13;
	v16 =	vshll.u32 v22, $0x5;
	v33 =	vld.idx.msk [tilespmem:v33+s15+$0x0], $0xffff;
	v17 =	vor.u32 v14, v15  }
0xc7: {  	v37 =	vld.idx.msk [tilespmem:v37+s15+$0x0], $0xffff;
	v35 =	vand.u32 $0xFFFF0000, v35;
	v29 =	vand.u32 $0xFFFF0000, v29;
	v30 =	vshrl.u32 v30, $0x10;
	[tilespmem:v36+s20+$0x0] =	vst.idx.msk $0xffff, v17  }
0xc8: {  	v39 =	vshrl.u32 v39, $0x10;
	v62 =	vand.u32 $0xFFFF0000, v43;
	v29 =	vor.u32 v29, v30;
	v40 =	vld.idx.msk [tilespmem:v40+s15+$0x0], $0xffff  }
0xc9: {  	v63 =	vshrl.u32 v46, $0x10;
	v14 =	vshll.u32 v26, $0x5;
	v35 =	vor.u32 v35, v39;
	v44 =	vld.idx.msk [tilespmem:v44+s15+$0x0], $0xffff;
	[tilespmem:v49+s20+$0x0] =	vst.idx.msk $0xffff, v29  }
0xca: {  	v15 =	vshll.u32 v19, $0x5;
	[tilespmem:v28+s20+$0x0] =	vst.idx.msk $0xffff, v35;
	v21 =	vand.u32 $0xFFFF0000, v21;
	v27 =	vshrl.u32 v27, $0x10;
	v35 =	vld.idx.msk [tilespmem:v59+s15+$0x0], $0xffff  }
0xcb: {  	v39 =	vor.u32 v3, v26;
	v28 =	vor.u32 v62, v63;
	v27 =	vor.u32 v21, v27;
	v21 =	vld.idx.msk [tilespmem:v34+s15+$0x0], $0xffff  }
0xcc: {  	v26 =	vor.u32 v4, v26;
	v50 =	vor.u32 v0, v14;
	[tilespmem:v61+s20+$0x0] =	vst.idx.msk $0xffff, v28;
	v61 =	vld.idx.msk [tilespmem:v41+s15+$0x0], $0xffff  }
0xcd: {  	v18 =	vor.u32 v0, v15;
	v17 =	vor.u32 v0, v16;
	v30 =	vand.u32 $0xFFFF0000, v31;
	v62 =	vld.idx.msk [tilespmem:v51+s15+$0x0], $0xffff  }
0xce: {  	v31 =	vshrl.u32 v33, $0x10;
	v33 =	vor.u32 v3, v19;
	v14 =	vor.u32 v5, v14;
	v63 =	vld.idx.msk [tilespmem:v20+s15+$0x0], $0xffff  }
0xcf: {  	v30 =	vor.u32 v30, v31;
	v20 =	vor.u32 v4, v19;
	v19 =	vor.u32 v4, v22;
	v51 =	vld.idx.msk [tilespmem:v57+s15+$0x0], $0xffff  }
0xd0: {  	v41 =	vor.u32 v5, v47;
	v23 =	vld.idx.msk [tilespmem:v23+s15+$0x0], $0xffff;
	[tilespmem:v48+s20+$0x0] =	vst.idx.msk $0xffff, v27;
	v28 =	vand.u32 $0xFFFF0000, v40;
	v60 =	vshrl.u32 v44, $0x10  }
0xd1: {  	v37 =	vshrl.u32 v37, $0x10;
	[tilespmem:v50+s20+$0x0] =	vst.idx.msk $0xffff, v30;
	v34 =	vld.idx.msk [tilespmem:v58+s15+$0x0], $0xffff;
	v28 =	vor.u32 v28, v60;
	v35 =	vand.u32 $0xFFFF0000, v35  }
0xd2: {  	v26 =	vld.idx.msk [tilespmem:v26+s15+$0x0], $0xffff;
	v31 =	vand.u32 $0xFFFF0000, v21;
	v21 =	vor.u32 v3, v22;
	v22 =	vand.u32 $0xFFFF0000, v38  }
0xd3: {  	v57 =	vand.u32 $0xFFFF0000, v62;
	v38 =	vor.u32 v5, v45;
	v27 =	vor.u32 v31, v37  }
0xd4: {  	v31 =	vshrl.u32 v61, $0x10;
	v37 =	vor.u32 v5, v42;
	v29 =	vand.u32 $0xFFFF0000, v51  }
0xd5: {  	v23 =	vshrl.u32 v23, $0x10;
	v31 =	vor.u32 v22, v31;
	v22 =	vadd.s32 $0x8, v6  }
0xd6: {  	v6 =	vld.idx.msk [tilespmem:v24+s15+$0x0], $0xffff;
	v24 =	vshrl.u32 v63, $0x10;
	v23 =	vor.u32 v29, v23;
	v58 =	vadd.s32 v7, v22  }
0xd7: {  	v29 =	vand.u32 $0xFFFF0000, v34;
	v26 =	vshrl.u32 v26, $0x10;
	v36 =	vand.u32 $0x7F, v58  }
0xd8: {  	v24 =	vor.u32 v57, v24;
	v60 =	vadd.s32 v0, v22;
	v59 =	vor.u32 v1, v36  }
0xd9: {  	v25 =	vld.idx.msk [tilespmem:v25+s15+$0x0], $0xffff;
	v62 =	vadd.s32 v53, v22;
	v30 =	vand.u32 $0x7F, v60;
	v61 =	vor.u32 v2, v36  }
0xda: {  	v39 =	vld.idx.msk [tilespmem:v39+s15+$0x0], $0xffff;
	v51 =	vadd.s32 v12, v22;
	v57 =	vadd.s32 v52, v22;
	v42 =	vor.u32 v1, v30  }
0xdb: {  	[tilespmem:v17+s20+$0x0] =	vst.idx.msk $0xffff, v31;
	v44 =	vand.u32 $0x7F, v51;
	v58 =	vadd.s32 v54, v22;
	v63 =	vor.u32 v2, v30  }
0xdc: {  	[tilespmem:v32+s20+$0x0] =	vst.idx.msk $0xffff, v28;
	v46 =	vand.u32 $0x7F, v57;
	v49 =	vor.u32 v1, v44;
	v50 =	vshll.u32 v36, $0x5;
	v21 =	vld.idx.msk [tilespmem:v21+s15+$0x0], $0xffff  }
0xdd: {  	v10 =	vmovc v52;
	v60 =	vor.u32 v2, v44;
	v48 =	vand.u32 $0x7F, v58;
	v57 =	vor.u32 v2, v46;
	v40 =	vld.idx.msk [tilespmem:v59+s15+$0x0], $0xffff  }
0xde: {  	v11 =	vmovc v54;
	v28 =	vshll.u32 v44, $0x5;
	v32 =	vshll.u32 v46, $0x5;
	[tilespmem:v38+s20+$0x0] =	vst.idx.msk $0xffff, v23;
	v6 =	vshrl.u32 v6, $0x10;
	v43 =	vld.idx.msk [tilespmem:v61+s15+$0x0], $0xffff  }
0xdf: {  	v8 =	vmovc v56;
	v58 =	vor.u32 v2, v48;
	v6 =	vor.u32 v29, v6;
	v29 =	vand.u32 $0x7F, v62;
	v42 =	vld.idx.msk [tilespmem:v42+s15+$0x0], $0xffff  }
0xe0: {  	v38 =	vor.u32 v0, v32;
	v62 =	vadd.s32 v55, v22;
	v45 =	vor.u32 v1, v29;
	v34 =	vld.idx.msk [tilespmem:v63+s15+$0x0], $0xffff  }
0xe1: {  	v47 =	vor.u32 v2, v29;
	v54 =	vand.u32 $0x7F, v62;
	v62 =	vshll.u32 v29, $0x5;
	[tilespmem:v41+s20+$0x0] =	vst.idx.msk $0xffff, v6;
	v49 =	vld.idx.msk [tilespmem:v49+s15+$0x0], $0xffff  }
0xe2: {  	v6 =	vor.u32 v3, v30;
	v59 =	vadd.s32 v56, v22;
	v61 =	vor.u32 v0, v50;
	v52 =	vld.idx.msk [tilespmem:v60+s15+$0x0], $0xffff  }
0xe3: {  	v63 =	vor.u32 v3, v36;
	v36 =	vor.u32 v4, v36;
	v60 =	vor.u32 v2, v54;
	v57 =	vld.idx.msk [tilespmem:v57+s15+$0x0], $0xffff  }
0xe4: {  	[tilespmem:v37+s20+$0x0] =	vst.idx.msk $0xffff, v24;
	v56 =	vor.u32 v1, v46;
	v24 =	vor.u32 v0, v62;
	v51 =	vand.u32 $0x7F, v59  }
0xe5: {  	v7 =	vmovc v53;
	v21 =	vand.u32 $0xFFFF0000, v21;
	v59 =	vor.u32 v1, v54;
	v53 =	vor.u32 v2, v51;
	v45 =	vld.idx.msk [tilespmem:v45+s15+$0x0], $0xffff  }
0xe6: {  	[tilespmem:v18+s20+$0x0] =	vst.idx.msk $0xffff, v27;
	v47 =	vld.idx.msk [tilespmem:v47+s15+$0x0], $0xffff;
	v40 =	vand.u32 $0xFFFF0000, v40;
	v43 =	vshrl.u32 v43, $0x10;
	v18 =	vand.u32 $0xFFFF0000, v42  }
0xe7: {  	v33 =	vld.idx.msk [tilespmem:v33+s15+$0x0], $0xffff;
	v34 =	vshrl.u32 v34, $0x10;
	v49 =	vand.u32 $0xFFFF0000, v49;
	v52 =	vshrl.u32 v52, $0x10  }
0xe8: {  	v42 =	vshrl.u32 v57, $0x10;
	v57 =	vld.idx.msk [tilespmem:v60+s15+$0x0], $0xffff;
	v60 =	vor.u32 v3, v44;
	v40 =	vor.u32 v40, v43  }
0xe9: {  	v56 =	vld.idx.msk [tilespmem:v56+s15+$0x0], $0xffff;
	v43 =	vor.u32 v1, v48;
	v17 =	vor.u32 v18, v34;
	v23 =	vor.u32 v49, v52  }
0xea: {  	v27 =	vshll.u32 v51, $0x5;
	v49 =	vld.idx.msk [tilespmem:v59+s15+$0x0], $0xffff;
	[tilespmem:v61+s20+$0x0] =	vst.idx.msk $0xffff, v40;
	v40 =	vor.u32 v1, v51;
	v61 =	vshll.u32 v30, $0x5  }
0xeb: {  	v9 =	vmovc v12;
	v12 =	vmovc v55;
	v37 =	vld.idx.msk [tilespmem:v53+s15+$0x0], $0xffff;
	v30 =	vor.u32 v4, v30;
	v18 =	vand.u32 $0xFFFF0000, v45;
	v31 =	vshrl.u32 v47, $0x10  }
0xec: {  	v53 =	vor.u32 v0, v27;
	v55 =	vld.idx.msk [tilespmem:v63+s15+$0x0], $0xffff;
	v18 =	vor.u32 v18, v31;
	v31 =	vor.u32 v0, v61  }
0xed: {  	v27 =	vor.u32 v5, v27;
	v36 =	vld.idx.msk [tilespmem:v36+s15+$0x0], $0xffff;
	v63 =	vshll.u32 v48, $0x5;
	v47 =	vor.u32 v0, v28  }
0xee: {  	v45 =	vld.idx.msk [tilespmem:v58+s15+$0x0], $0xffff;
	v58 =	vor.u32 v3, v29;
	v29 =	vor.u32 v4, v29;
	v56 =	vand.u32 $0xFFFF0000, v56  }
0xef: {  	v52 =	vor.u32 v0, v63;
	v61 =	vor.u32 v5, v61;
	v34 =	vld.idx.msk [tilespmem:v43+s15+$0x0], $0xffff;
	v41 =	vor.u32 v56, v42  }
0xf0: {  	[tilespmem:v24+s20+$0x0] =	vst.idx.msk $0xffff, v18;
	v18 =	vld.idx.msk [tilespmem:v19+s15+$0x0], $0xffff;
	v19 =	vor.u32 v4, v44;
	v56 =	vor.u32 v3, v46  }
0xf1: {  	v43 =	vshll.u32 v54, $0x5;
	v44 =	vshrl.u32 v37, $0x10;
	[tilespmem:v31+s20+$0x0] =	vst.idx.msk $0xffff, v17;
	v17 =	vld.idx.msk [tilespmem:v20+s15+$0x0], $0xffff;
	v20 =	vor.u32 v5, v50  }
0xf2: {  	v40 =	vld.idx.msk [tilespmem:v40+s15+$0x0], $0xffff;
	[tilespmem:v38+s20+$0x0] =	vst.idx.msk $0xffff, v41;
	v37 =	vor.u32 v4, v54;
	v55 =	vand.u32 $0xFFFF0000, v55;
	v36 =	vshrl.u32 v36, $0x10  }
0xf3: {  	v38 =	vor.u32 v5, v62;
	v36 =	vor.u32 v55, v36;
	[tilespmem:v47+s20+$0x0] =	vst.idx.msk $0xffff, v23;
	v55 =	vld.idx.msk [tilespmem:v58+s15+$0x0], $0xffff  }
0xf4: {  	v59 =	vshrl.u32 v45, $0x10;
	v50 =	vshrl.u32 v57, $0x10;
	v57 =	vld.idx.msk [tilespmem:v60+s15+$0x0], $0xffff;
	v31 =	vand.u32 $0xFFFF0000, v34  }
0xf5: {  	v58 =	vor.u32 v4, v46;
	v6 =	vld.idx.msk [tilespmem:v6+s15+$0x0], $0xffff;
	v18 =	vshrl.u32 v18, $0x10;
	v31 =	vor.u32 v31, v59  }
0xf6: {  	v30 =	vld.idx.msk [tilespmem:v30+s15+$0x0], $0xffff;
	[tilespmem:v20+s20+$0x0] =	vst.idx.msk $0xffff, v36;
	v20 =	vshrl.u32 v25, $0x10;
	v25 =	vand.u32 $0xFFFF0000, v39;
	v17 =	vshrl.u32 v17, $0x10  }
0xf7: {  	v19 =	vld.idx.msk [tilespmem:v19+s15+$0x0], $0xffff;
	v34 =	vor.u32 v35, v20;
	v36 =	vor.u32 v25, v26;
	v20 =	vor.u32 v0, v43  }
0xf8: {  	v25 =	vld.idx.msk [tilespmem:v29+s15+$0x0], $0xffff;
	v26 =	vand.u32 $0xFFFF0000, v33;
	v29 =	vor.u32 v21, v18;
	v18 =	vor.u32 v3, v51  }
0xf9: {  	v24 =	vand.u32 $0xFFFF0000, v40;
	v26 =	vor.u32 v26, v17;
	v17 =	vor.u32 v3, v48  }
0xfa: {  	v59 =	vor.u32 v4, v48;
	v23 =	vor.u32 v24, v44;
	v24 =	vand.u32 $0xFFFF0000, v49  }
0xfb: {  	v41 =	vld.idx.msk [tilespmem:v56+s15+$0x0], $0xffff;
	v24 =	vor.u32 v24, v50;
	[tilespmem:v53+s20+$0x0] =	vst.idx.msk $0xffff, v23;
	v21 =	vor.u32 v4, v51  }
0xfc: {  	v60 =	vor.u32 v3, v54;
	v6 =	vand.u32 $0xFFFF0000, v6;
	v23 =	vshrl.u32 v30, $0x10;
	[tilespmem:v20+s20+$0x0] =	vst.idx.msk $0xffff, v24;
	v24 =	vld.idx.msk [tilespmem:v58+s15+$0x0], $0xffff  }
0xfd: {  	[tilespmem:v52+s20+$0x0] =	vst.idx.msk $0xffff, v31;
	v19 =	vshrl.u32 v19, $0x10;
	v20 =	vshrl.u32 v25, $0x10;
	v25 =	vand.u32 $0xFFFF0000, v57;
	v18 =	vld.idx.msk [tilespmem:v18+s15+$0x0], $0xffff  }
0xfe: {  	v6 =	vor.u32 v6, v23;
	v23 =	vand.u32 $0xFFFF0000, v55;
	v33 =	vor.u32 v25, v19;
	v25 =	vld.idx.msk [tilespmem:v17+s15+$0x0], $0xffff  }
0xff: {  	v35 =	vor.u32 v5, v28;
	v30 =	vor.u32 v5, v32;
	v31 =	vor.u32 v23, v20;
	v23 =	vld.idx.msk [tilespmem:v59+s15+$0x0], $0xffff  }
0x100: {  	v28 =	vor.u32 v5, v63;
	v32 =	vor.u32 v5, v43;
	v17 =	vor.u32 v5, v15;
	v19 =	vld.idx.msk [tilespmem:v21+s15+$0x0], $0xffff  }
0x101: {  	s0 =	simm.s32 $0x8;
	[tilespmem:v61+s20+$0x0] =	vst.idx.msk $0xffff, v6;
	v15 =	vor.u32 v5, v16;
	v20 =	vand.u32 $0xFFFF0000, v41;
	v21 =	vld.idx.msk [tilespmem:v60+s15+$0x0], $0xffff;
	v16 =	vadd.s32 $0x8, v22  }
.LBB2_6:
0x102: {  	v6 =	vadd.s32 v7, v16;
	v39 =	vadd.s32 v9, v16;
	v60 =	vadd.s32 v10, v16  }
0x103: {  	v41 =	vadd.s32 v11, v16;
	[tilespmem:v38+s20+$0x0] =	vst.idx.msk $0xffff, v31;
	v31 =	vadd.s32 v8, v16  }
0x104: {  	v22 =	vld [tilespmem:$0x1FFE0];
	v61 =	vadd.s32 v12, v16;
	v43 =	vadd.s32 v0, v16;
	[tilespmem:v35+s20+$0x0] =	vst.idx.msk $0xffff, v33  }
0x105: {  	[tilespmem:v13+s20+$0x0] =	vst.idx.msk $0xffff, v34;
	v13 =	vmovc v30;
	v6 =	vand.u32 $0x7F, v6;
	v43 =	vand.u32 $0x7F, v43;
	v39 =	vand.u32 $0x7F, v39  }
0x106: {  	[tilespmem:v14+s20+$0x0] =	vst.idx.msk $0xffff, v36;
	v14 =	vmovc v28;
	v41 =	vand.u32 $0x7F, v41;
	v45 =	vand.u32 $0x7F, v31;
	v28 =	vor.u32 v1, v43  }
0x107: {  	[tilespmem:v17+s20+$0x0] =	vst.idx.msk $0xffff, v26;
	v34 =	vand.u32 $0x7F, v61;
	v30 =	vor.u32 v2, v43;
	v62 =	vor.u32 v1, v6  }
0x108: {  	v63 =	vor.u32 v2, v6;
	v38 =	vor.u32 v1, v39;
	v46 =	vor.u32 v2, v39  }
0x109: {  	v49 =	vor.u32 v1, v41;
	v50 =	vor.u32 v2, v41;
	v40 =	vadd.s32 v22, v16  }
0x10a: {  	v51 =	vor.u32 v1, v45;
	v52 =	vor.u32 v2, v45;
	v22 =	vld.idx.msk [tilespmem:v37+s15+$0x0], $0xffff;
	v40 =	vand.u32 $0x7F, v40  }
0x10b: {  	v53 =	vor.u32 v1, v34;
	v54 =	vor.u32 v2, v34;
	v42 =	vor.u32 v1, v40;
	v26 =	vld.idx.msk [tilespmem:v28+s15+$0x0], $0xffff  }
0x10c: {  	v35 =	vshll.u32 v43, $0x5;
	[tilespmem:v15+s20+$0x0] =	vst.idx.msk $0xffff, v29;
	v44 =	vor.u32 v2, v40;
	v29 =	vld.idx.msk [tilespmem:v30+s15+$0x0], $0xffff  }
0x10d: {  	v17 =	vmovc v27;
	v33 =	vshll.u32 v41, $0x5;
	v27 =	vshll.u32 v45, $0x5;
	v37 =	vand.u32 $0x7F, v60;
	v58 =	vld.idx.msk [tilespmem:v62+s15+$0x0], $0xffff  }
0x10e: {  	v59 =	vor.u32 v0, v35;
	v24 =	vshrl.u32 v24, $0x10;
	v47 =	vor.u32 v1, v37;
	v36 =	vld.idx.msk [tilespmem:v63+s15+$0x0], $0xffff  }
0x10f: {  	v25 =	vand.u32 $0xFFFF0000, v25;
	v23 =	vshrl.u32 v23, $0x10;
	v48 =	vor.u32 v2, v37;
	v38 =	vld.idx.msk [tilespmem:v38+s15+$0x0], $0xffff  }
0x110: {  	v18 =	vand.u32 $0xFFFF0000, v18;
	v19 =	vshrl.u32 v19, $0x10;
	v21 =	vand.u32 $0xFFFF0000, v21;
	v42 =	vld.idx.msk [tilespmem:v42+s15+$0x0], $0xffff  }
0x111: {  	v15 =	vmovc v32;
	v32 =	vshll.u32 v34, $0x5;
	v31 =	vshll.u32 v37, $0x5;
	v62 =	vor.u32 v3, v43;
	v44 =	vld.idx.msk [tilespmem:v44+s15+$0x0], $0xffff  }
0x112: {  	v55 =	vshll.u32 v40, $0x5;
	v53 =	vld.idx.msk [tilespmem:v53+s15+$0x0], $0xffff;
	v26 =	vand.u32 $0xFFFF0000, v26;
	v29 =	vshrl.u32 v29, $0x10  }
0x113: {  	v56 =	vor.u32 v0, v55;
	v47 =	vld.idx.msk [tilespmem:v47+s15+$0x0], $0xffff;
	v26 =	vor.u32 v26, v29;
	v29 =	vor.u32 v4, v43  }
0x114: {  	v28 =	vshll.u32 v6, $0x5;
	v57 =	vor.u32 v3, v40;
	v40 =	vor.u32 v4, v40;
	v48 =	vld.idx.msk [tilespmem:v48+s15+$0x0], $0xffff  }
0x115: {  	v30 =	vshll.u32 v39, $0x5;
	v60 =	vor.u32 v0, v28;
	v43 =	vld.idx.msk [tilespmem:v49+s15+$0x0], $0xffff;
	[tilespmem:v59+s20+$0x0] =	vst.idx.msk $0xffff, v26;
	v26 =	vshrl.u32 v36, $0x10  }
0x116: {  	v36 =	vor.u32 v3, v6;
	v49 =	vld.idx.msk [tilespmem:v62+s15+$0x0], $0xffff;
	v42 =	vand.u32 $0xFFFF0000, v42;
	v44 =	vshrl.u32 v44, $0x10  }
0x117: {  	v61 =	vor.u32 v0, v31;
	v63 =	vor.u32 v0, v32;
	v42 =	vor.u32 v42, v44;
	v44 =	vld.idx.msk [tilespmem:v46+s15+$0x0], $0xffff  }
0x118: {  	v32 =	vor.u32 v5, v32;
	v22 =	vshrl.u32 v22, $0x10;
	v58 =	vand.u32 $0xFFFF0000, v58;
	v29 =	vld.idx.msk [tilespmem:v29+s15+$0x0], $0xffff;
	[tilespmem:v56+s20+$0x0] =	vst.idx.msk $0xffff, v42  }
0x119: {  	v38 =	vand.u32 $0xFFFF0000, v38;
	v59 =	vor.u32 v5, v55;
	v26 =	vor.u32 v58, v26;
	v57 =	vld.idx.msk [tilespmem:v57+s15+$0x0], $0xffff  }
0x11a: {  	v6 =	vor.u32 v4, v6;
	[tilespmem:v60+s20+$0x0] =	vst.idx.msk $0xffff, v26;
	v46 =	vor.u32 v0, v30;
	v40 =	vld.idx.msk [tilespmem:v40+s15+$0x0], $0xffff  }
0x11b: {  	v47 =	vand.u32 $0xFFFF0000, v47;
	v58 =	vshrl.u32 v48, $0x10;
	v48 =	vor.u32 v3, v41;
	v55 =	vld.idx.msk [tilespmem:v36+s15+$0x0], $0xffff  }
0x11c: {  	v41 =	vor.u32 v4, v41;
	v42 =	vor.u32 v0, v33;
	v26 =	vshrl.u32 v44, $0x10;
	v44 =	vld.idx.msk [tilespmem:v50+s15+$0x0], $0xffff  }
0x11d: {  	v56 =	vor.u32 v0, v27;
	v50 =	vld.idx.msk [tilespmem:v51+s15+$0x0], $0xffff;
	v26 =	vor.u32 v38, v26;
	v38 =	vor.u32 v3, v39  }
0x11e: {  	v27 =	vor.u32 v5, v27;
	v51 =	vld.idx.msk [tilespmem:v54+s15+$0x0], $0xffff;
	v54 =	vor.u32 v3, v34;
	v39 =	vor.u32 v4, v39  }
0x11f: {  	[tilespmem:v46+s20+$0x0] =	vst.idx.msk $0xffff, v26;
	v26 =	vor.u32 v3, v37;
	v46 =	vld.idx.msk [tilespmem:v52+s15+$0x0], $0xffff;
	v60 =	vand.u32 $0xFFFF0000, v57;
	v40 =	vshrl.u32 v40, $0x10  }
0x120: {  	v6 =	vld.idx.msk [tilespmem:v6+s15+$0x0], $0xffff;
	v52 =	vor.u32 v4, v37;
	v57 =	vor.u32 v60, v40;
	v60 =	vand.u32 $0xFFFF0000, v43  }
0x121: {  	v43 =	vor.u32 v3, v45;
	[tilespmem:v59+s20+$0x0] =	vst.idx.msk $0xffff, v57;
	v59 =	vor.u32 v47, v58;
	v62 =	vshrl.u32 v44, $0x10  }
0x122: {  	v44 =	vor.u32 v4, v45;
	v50 =	vand.u32 $0xFFFF0000, v50;
	v37 =	vor.u32 v60, v62;
	v60 =	vld.idx.msk [tilespmem:v38+s15+$0x0], $0xffff  }
0x123: {  	[tilespmem:v61+s20+$0x0] =	vst.idx.msk $0xffff, v59;
	v59 =	vand.u32 $0xFFFF0000, v53;
	v61 =	vshrl.u32 v51, $0x10;
	v62 =	vand.u32 $0xFFFF0000, v49;
	v39 =	vld.idx.msk [tilespmem:v39+s15+$0x0], $0xffff  }
0x124: {  	v36 =	vor.u32 v59, v61;
	v38 =	vor.u32 v5, v28;
	[tilespmem:v42+s20+$0x0] =	vst.idx.msk $0xffff, v37;
	v57 =	vshrl.u32 v46, $0x10  }
0x125: {  	s0 =	sadd.s32 $0x8, s0;
	v37 =	vor.u32 v4, v34;
	v34 =	vor.u32 v20, v24;
	v20 =	vld.idx.msk [tilespmem:v26+s15+$0x0], $0xffff;
	[tilespmem:v63+s20+$0x0] =	vst.idx.msk $0xffff, v36  }
0x126: {  	p2 =	slt.u32 s0, $0x78;
	v36 =	vor.u32 v25, v23;
	v26 =	vor.u32 v18, v19;
	v63 =	vor.u32 v5, v35;
	v24 =	vld.idx.msk [tilespmem:v52+s15+$0x0], $0xffff  }
.Ltmp6:
0x127: {  	v18 =	vshrl.u32 v29, $0x10;
	v29 =	vor.u32 v21, v22;
	v58 =	vor.u32 v50, v57;
	v25 =	vld.idx.msk [tilespmem:v48+s15+$0x0], $0xffff;
	(pc) =	sbr.rel @p2 .LBB2_6-.Ltmp6, $4  }
0x128: {  	v6 =	vshrl.u32 v6, $0x10;
	v21 =	vor.u32 v62, v18;
	v18 =	vand.u32 $0xFFFF0000, v55;
	v23 =	vld.idx.msk [tilespmem:v41+s15+$0x0], $0xffff;
	[tilespmem:v56+s20+$0x0] =	vst.idx.msk $0xffff, v58  }
0x129: {  	v35 =	vor.u32 v5, v30;
	v30 =	vor.u32 v5, v31;
	v31 =	vor.u32 v18, v6;
	v18 =	vld.idx.msk [tilespmem:v43+s15+$0x0], $0xffff  }
0x12a: {  	v28 =	vor.u32 v5, v33;
	v19 =	vld.idx.msk [tilespmem:v44+s15+$0x0], $0xffff;
	v6 =	vand.u32 $0xFFFF0000, v60;
	v22 =	vshrl.u32 v39, $0x10  }
0x12b: {  	v16 =	vadd.s32 $0x8, v16;
	[tilespmem:v63+s20+$0x0] =	vst.idx.msk $0xffff, v21;
	v33 =	vor.u32 v6, v22;
	v20 =	vand.u32 $0xFFFF0000, v20;
	v21 =	vld.idx.msk [tilespmem:v54+s15+$0x0], $0xffff  }
0x12c: {  	_ =	sdelay $0x3  }
0x12d: {  	[tilespmem:v38+s20+$0x0] =	vst.idx.msk $0xffff, v31  }
0x12e: {  	[tilespmem:v35+s20+$0x0] =	vst.idx.msk $0xffff, v33  }
0x12f: {  	v6 =	vld.idx.msk [tilespmem:v37+s15+$0x0], $0xffff;
	[tilespmem:v13+s20+$0x0] =	vst.idx.msk $0xffff, v34  }
0x130: {  	[tilespmem:v14+s20+$0x0] =	vst.idx.msk $0xffff, v36  }
0x131: {  	[tilespmem:v17+s20+$0x0] =	vst.idx.msk $0xffff, v26;
	v58 =	vshrl.u32 v24, $0x10  }
0x132: {  	[tilespmem:v15+s20+$0x0] =	vst.idx.msk $0xffff, v29;
	v59 =	vand.u32 $0xFFFF0000, v25;
	v60 =	vshrl.u32 v23, $0x10;
	v13 =	vor.u32 v20, v58  }
0x133: {  	s0 =	sadd.s32 s4, s1;
	v16 =	vand.u32 $0xFFFF0000, v18;
	v14 =	vor.u32 v59, v60;
	[tilespmem:v30+s20+$0x0] =	vst.idx.msk $0xffff, v13;
	v61 =	vshrl.u32 v19, $0x10  }
0x134: {  	s0 =	sshll.u32 s0, $0x9;
	[tilespmem:v28+s20+$0x0] =	vst.idx.msk $0xffff, v14;
	v62 =	vand.u32 $0xFFFF0000, v21;
	v63 =	vor.u32 v16, v61;
	v6 =	vshrl.u32 v6, $0x10  }
0x135: {  	s0 =	sand.u32 $0x1FFFFE00, s0;
	[tilespmem:v27+s20+$0x0] =	vst.idx.msk $0xffff, v63;
	v6 =	vor.u32 v62, v6  }
0x136: {  	s0 =	sadd.s32 s5, s0;
	[tilespmem:v32+s20+$0x0] =	vst.idx.msk $0xffff, v6  }
0x137: {  	[hbm4b:s0+s3] =	stream.linear.scatter [tilespmem:s20], [sflag:$0x5], $0x1000, $0x38;
	[tilespmem:$0xB000] =	vst v63  }
0x138: {  	s0 =	sadd.s32 $0x4, s31  }
0x139: {  	p2 =	sge.u32 s0, s6  }
0x13a: {  	s0 =	sadd.s32 @!p2 s4, s0  }
0x13b: {  	s0 =	sshll.u32 @!p2 s0, $0x7  }
0x13c: {  	s1 =	simm.s32 @!p2 $0x400;
	s0 =	sand.u32 @!p2 $0x1FFFFF80, s0  }
0x13d: {  	s10 =	simm.s32 @!p2 $0x7A1400;
	s11 =	simm.s32 @!p2 $0x2000;
	s0 =	sadd.s32 @!p2 s2, s0  }
0x13e: {  	v53 =	vmov v7;
	v55 =	vmov v12;
	[tilespmem:s11], [sflag:$0x2] =	stream.strided.gather @!p2 [hbm4b:s0+s1], $0x2000, s10, s1, $0x38;
	[tilespmem:$0xB000] =	vst v63  }
.LBB2_8:
0x13f: {  	s1 =	sadd.s32 $0x2, s31  }
0x140: {  	p2 =	sge.u32 s1, s6  }
.Ltmp7:
0x141: {  	v12 =	vld [tilespmem:$0x1FFE0];
	(pc) =	sbr.rel @p2 .LBB2_12-.Ltmp7, $2  }
0x142: {  	_ =	sdelay $0x2  }
0x143: {  	v7 =	vld [tilespmem:$0x1FFA0]  }
0x144: {  	v6 =	vimm.s32 $0x0  }
0x145: {  	v13 =	vadd.s32 v12, v6  }
0x146: {  	_ =	swait.ge [sflag:s21], $0x2000;
	v14 =	vadd.s32 v53, v6;
	v20 =	vadd.s32 v0, v6;
	v13 =	vand.u32 $0x7F, v13  }
0x147: {  	[sflag:s21] =	ssyncset.done $0x0;
	v8 =	vld [tilespmem:$0x1FFB0];
	v22 =	vadd.s32 v55, v6;
	v23 =	vand.u32 $0x7F, v14;
	v18 =	vor.u32 v1, v13  }
0x148: {  	s0 =	simm.s32 @!p1 $0x6;
	v9 =	vld [tilespmem:$0x1FFC0];
	[sflag:s21] =	ssyncadd.s32 $0xFFFFE000;
	v20 =	vand.u32 $0x7F, v20;
	v22 =	vand.u32 $0x7F, v22;
	v21 =	vor.u32 v2, v13  }
0x149: {  	v52 =	vld [tilespmem:$0x1FFD0];
	_ =	swait.ge @!p1 [sflag:s0], $0x1000;
	v14 =	vor.u32 v1, v20;
	v32 =	vshll.u32 v13, $0x5;
	v38 =	vor.u32 v1, v22  }
0x14a: {  	v40 =	vor.u32 v3, v13;
	v41 =	vor.u32 v2, v22;
	v42 =	vshll.u32 v20, $0x5;
	[sflag:s0] =	ssyncset.done @!p1 $0x0  }
0x14b: {  	v44 =	vor.u32 v4, v13;
	v45 =	vshll.u32 v23, $0x5;
	v15 =	vadd.s32 v7, v6;
	[sflag:s0] =	ssyncadd.s32 @!p1 $0xFFFFF000  }
0x14c: {  	v24 =	vand.u32 $0x7F, v15;
	v15 =	vor.u32 v2, v20;
	v16 =	vadd.s32 v8, v6;
	v18 =	vld.idx.msk [tilespmem:v18+s16+$0x0], $0xffff  }
0x14d: {  	v17 =	vadd.s32 v9, v6;
	v25 =	vand.u32 $0x7F, v16;
	v16 =	vor.u32 v1, v23;
	v21 =	vld.idx.msk [tilespmem:v21+s16+$0x0], $0xffff  }
0x14e: {  	v51 =	vor.u32 v3, v20;
	v26 =	vand.u32 $0x7F, v17;
	v17 =	vor.u32 v2, v23;
	v35 =	vld.idx.msk [tilespmem:v14+s16+$0x0], $0xffff  }
0x14f: {  	v58 =	vor.u32 v3, v23;
	v36 =	vor.u32 v0, v32;
	v27 =	vor.u32 v1, v24;
	v38 =	vld.idx.msk [tilespmem:v38+s16+$0x0], $0xffff  }
0x150: {  	v54 =	vor.u32 v0, v45;
	v32 =	vor.u32 v5, v32;
	v28 =	vor.u32 v2, v24;
	v62 =	vld.idx.msk [tilespmem:v41+s16+$0x0], $0xffff  }
0x151: {  	v20 =	vor.u32 v4, v20;
	v19 =	vadd.s32 v52, v6;
	v29 =	vor.u32 v1, v25;
	v39 =	vld.idx.msk [tilespmem:v15+s16+$0x0], $0xffff  }
0x152: {  	v47 =	vshll.u32 v24, $0x5;
	v59 =	vor.u32 v3, v24;
	v30 =	vor.u32 v2, v25;
	v43 =	vld.idx.msk [tilespmem:v16+s16+$0x0], $0xffff  }
0x153: {  	v24 =	vor.u32 v4, v24;
	v19 =	vand.u32 $0x7F, v19;
	v31 =	vor.u32 v1, v26;
	v46 =	vld.idx.msk [tilespmem:v17+s16+$0x0], $0xffff  }
0x154: {  	v48 =	vor.u32 v0, v47;
	v33 =	vor.u32 v2, v26;
	v15 =	vshrl.u32 v21, $0x10;
	v21 =	vld.idx.msk [tilespmem:v27+s16+$0x0], $0xffff  }
0x155: {  	v23 =	vor.u32 v4, v23;
	v34 =	vor.u32 v1, v19;
	v37 =	vor.u32 v2, v19;
	v27 =	vld.idx.msk [tilespmem:v28+s16+$0x0], $0xffff  }
0x156: {  	v13 =	vshll.u32 v25, $0x5;
	v60 =	vor.u32 v3, v25;
	v25 =	vor.u32 v4, v25;
	v29 =	vld.idx.msk [tilespmem:v29+s16+$0x0], $0xffff  }
0x157: {  	v63 =	vor.u32 v3, v26;
	v41 =	vor.u32 v5, v47;
	v49 =	vor.u32 v0, v13;
	v30 =	vld.idx.msk [tilespmem:v30+s16+$0x0], $0xffff  }
0x158: {  	v13 =	vor.u32 v5, v13;
	v14 =	vand.u32 $0xFFFF0000, v18;
	v28 =	vor.u32 v0, v42;
	v31 =	vld.idx.msk [tilespmem:v31+s16+$0x0], $0xffff  }
0x159: {  	v16 =	vshll.u32 v22, $0x5;
	v35 =	vand.u32 $0xFFFF0000, v35;
	v33 =	vld.idx.msk [tilespmem:v33+s16+$0x0], $0xffff;
	v17 =	vor.u32 v14, v15  }
0x15a: {  	v37 =	vld.idx.msk [tilespmem:v37+s16+$0x0], $0xffff;
	v14 =	vshll.u32 v26, $0x5;
	v15 =	vshll.u32 v19, $0x5;
	v26 =	vor.u32 v4, v26;
	[tilespmem:v36+s22+$0x0] =	vst.idx.msk $0xffff, v17  }
0x15b: {  	v50 =	vor.u32 v0, v14;
	v18 =	vor.u32 v0, v15;
	v39 =	vshrl.u32 v39, $0x10;
	v40 =	vld.idx.msk [tilespmem:v40+s16+$0x0], $0xffff  }
0x15c: {  	v44 =	vld.idx.msk [tilespmem:v44+s16+$0x0], $0xffff;
	v35 =	vor.u32 v35, v39;
	v21 =	vand.u32 $0xFFFF0000, v21;
	v27 =	vshrl.u32 v27, $0x10  }
0x15d: {  	v56 =	vand.u32 $0xFFFF0000, v43;
	v57 =	vshrl.u32 v46, $0x10;
	[tilespmem:v28+s22+$0x0] =	vst.idx.msk $0xffff, v35;
	v27 =	vor.u32 v21, v27;
	v21 =	vld.idx.msk [tilespmem:v34+s16+$0x0], $0xffff  }
0x15e: {  	v17 =	vor.u32 v0, v16;
	v14 =	vor.u32 v5, v14;
	v28 =	vor.u32 v56, v57;
	v51 =	vld.idx.msk [tilespmem:v51+s16+$0x0], $0xffff  }
0x15f: {  	v29 =	vand.u32 $0xFFFF0000, v29;
	v30 =	vshrl.u32 v30, $0x10;
	v37 =	vshrl.u32 v37, $0x10;
	[tilespmem:v54+s22+$0x0] =	vst.idx.msk $0xffff, v28;
	v54 =	vld.idx.msk [tilespmem:v20+s16+$0x0], $0xffff  }
0x160: {  	v29 =	vor.u32 v29, v30;
	v30 =	vand.u32 $0xFFFF0000, v31;
	v31 =	vshrl.u32 v33, $0x10;
	v56 =	vld.idx.msk [tilespmem:v58+s16+$0x0], $0xffff  }
0x161: {  	v33 =	vor.u32 v3, v19;
	v20 =	vor.u32 v4, v19;
	v23 =	vld.idx.msk [tilespmem:v23+s16+$0x0], $0xffff;
	[tilespmem:v48+s22+$0x0] =	vst.idx.msk $0xffff, v27  }
0x162: {  	v19 =	vor.u32 v4, v22;
	[tilespmem:v49+s22+$0x0] =	vst.idx.msk $0xffff, v29;
	v28 =	vand.u32 $0xFFFF0000, v40;
	v61 =	vshrl.u32 v44, $0x10;
	v34 =	vld.idx.msk [tilespmem:v59+s16+$0x0], $0xffff  }
0x163: {  	v30 =	vor.u32 v30, v31;
	v35 =	vld.idx.msk [tilespmem:v60+s16+$0x0], $0xffff;
	v28 =	vor.u32 v28, v61;
	v31 =	vand.u32 $0xFFFF0000, v21  }
0x164: {  	v21 =	vor.u32 v3, v22;
	v22 =	vand.u32 $0xFFFF0000, v38;
	v57 =	vand.u32 $0xFFFF0000, v51  }
0x165: {  	[tilespmem:v50+s22+$0x0] =	vst.idx.msk $0xffff, v30;
	v38 =	vor.u32 v5, v45;
	v27 =	vor.u32 v31, v37;
	v31 =	vshrl.u32 v62, $0x10  }
0x166: {  	v26 =	vld.idx.msk [tilespmem:v26+s16+$0x0], $0xffff;
	v37 =	vor.u32 v5, v42;
	v29 =	vand.u32 $0xFFFF0000, v56;
	v23 =	vshrl.u32 v23, $0x10  }
0x167: {  	v31 =	vor.u32 v22, v31;
	v22 =	vadd.s32 $0x8, v6;
	v6 =	vld.idx.msk [tilespmem:v24+s16+$0x0], $0xffff;
	v24 =	vshrl.u32 v54, $0x10  }
0x168: {  	v23 =	vor.u32 v29, v23;
	v29 =	vand.u32 $0xFFFF0000, v34;
	v35 =	vand.u32 $0xFFFF0000, v35  }
0x169: {  	v58 =	vadd.s32 v12, v22;
	v24 =	vor.u32 v57, v24;
	v60 =	vadd.s32 v0, v22  }
0x16a: {  	v62 =	vadd.s32 v53, v22;
	v56 =	vadd.s32 v7, v22;
	v36 =	vand.u32 $0x7F, v58  }
0x16b: {  	v25 =	vld.idx.msk [tilespmem:v25+s16+$0x0], $0xffff;
	v54 =	vadd.s32 v55, v22;
	v26 =	vshrl.u32 v26, $0x10;
	v59 =	vor.u32 v1, v36  }
0x16c: {  	v39 =	vld.idx.msk [tilespmem:v63+s16+$0x0], $0xffff;
	v30 =	vand.u32 $0x7F, v60;
	v58 =	vadd.s32 v8, v22;
	v61 =	vor.u32 v2, v36  }
0x16d: {  	[tilespmem:v32+s22+$0x0] =	vst.idx.msk $0xffff, v28;
	v44 =	vand.u32 $0x7F, v56;
	v60 =	vadd.s32 v52, v22;
	v42 =	vor.u32 v1, v30  }
0x16e: {  	[tilespmem:v17+s22+$0x0] =	vst.idx.msk $0xffff, v31;
	v54 =	vand.u32 $0x7F, v54;
	v63 =	vor.u32 v2, v30;
	v49 =	vor.u32 v1, v44  }
0x16f: {  	[tilespmem:v18+s22+$0x0] =	vst.idx.msk $0xffff, v27;
	v50 =	vshll.u32 v36, $0x5;
	v46 =	vand.u32 $0x7F, v58;
	v51 =	vand.u32 $0x7F, v60;
	v21 =	vld.idx.msk [tilespmem:v21+s16+$0x0], $0xffff  }
0x170: {  	v60 =	vor.u32 v2, v54;
	v56 =	vor.u32 v1, v46;
	v6 =	vshrl.u32 v6, $0x10;
	v40 =	vld.idx.msk [tilespmem:v59+s16+$0x0], $0xffff  }
0x171: {  	v7 =	vmovc v53;
	v53 =	vor.u32 v2, v51;
	v6 =	vor.u32 v29, v6;
	v29 =	vand.u32 $0x7F, v62;
	v43 =	vld.idx.msk [tilespmem:v61+s16+$0x0], $0xffff  }
0x172: {  	v28 =	vshll.u32 v44, $0x5;
	[tilespmem:v38+s22+$0x0] =	vst.idx.msk $0xffff, v23;
	v32 =	vshll.u32 v46, $0x5;
	v57 =	vor.u32 v1, v29;
	v42 =	vld.idx.msk [tilespmem:v42+s16+$0x0], $0xffff  }
0x173: {  	v27 =	vshll.u32 v51, $0x5;
	v38 =	vor.u32 v0, v32;
	v47 =	vor.u32 v2, v29;
	v34 =	vld.idx.msk [tilespmem:v63+s16+$0x0], $0xffff  }
0x174: {  	v62 =	vor.u32 v0, v50;
	[tilespmem:v41+s22+$0x0] =	vst.idx.msk $0xffff, v6;
	v61 =	vor.u32 v2, v44;
	v49 =	vld.idx.msk [tilespmem:v49+s16+$0x0], $0xffff  }
0x175: {  	v6 =	vor.u32 v3, v30;
	v59 =	vadd.s32 v9, v22;
	v63 =	vor.u32 v3, v36;
	v56 =	vld.idx.msk [tilespmem:v56+s16+$0x0], $0xffff  }
0x176: {  	[tilespmem:v37+s22+$0x0] =	vst.idx.msk $0xffff, v24;
	v36 =	vor.u32 v4, v36;
	v21 =	vand.u32 $0xFFFF0000, v21;
	v48 =	vand.u32 $0x7F, v59;
	v37 =	vld.idx.msk [tilespmem:v53+s16+$0x0], $0xffff  }
0x177: {  	v59 =	vor.u32 v1, v54;
	v53 =	vor.u32 v0, v27;
	v27 =	vor.u32 v5, v27;
	v45 =	vld.idx.msk [tilespmem:v57+s16+$0x0], $0xffff  }
0x178: {  	v10 =	vmovc v8;
	v11 =	vmovc v9;
	v47 =	vld.idx.msk [tilespmem:v47+s16+$0x0], $0xffff;
	v57 =	vor.u32 v2, v46;
	v40 =	vand.u32 $0xFFFF0000, v40;
	v43 =	vshrl.u32 v43, $0x10  }
0x179: {  	v8 =	vmovc v52;
	v58 =	vor.u32 v2, v48;
	v52 =	vld.idx.msk [tilespmem:v61+s16+$0x0], $0xffff;
	v61 =	vshll.u32 v30, $0x5;
	v40 =	vor.u32 v40, v43  }
0x17a: {  	v33 =	vld.idx.msk [tilespmem:v33+s16+$0x0], $0xffff;
	v18 =	vand.u32 $0xFFFF0000, v42;
	v34 =	vshrl.u32 v34, $0x10;
	v43 =	vor.u32 v1, v48;
	[tilespmem:v62+s22+$0x0] =	vst.idx.msk $0xffff, v40  }
0x17b: {  	v9 =	vmovc v12;
	v12 =	vmovc v55;
	v49 =	vand.u32 $0xFFFF0000, v49;
	v30 =	vor.u32 v4, v30;
	v62 =	vshll.u32 v29, $0x5;
	v55 =	vld.idx.msk [tilespmem:v63+s16+$0x0], $0xffff  }
0x17c: {  	v17 =	vor.u32 v18, v34;
	v56 =	vand.u32 $0xFFFF0000, v56;
	v36 =	vld.idx.msk [tilespmem:v36+s16+$0x0], $0xffff;
	v24 =	vor.u32 v0, v62  }
0x17d: {  	v40 =	vor.u32 v1, v51;
	v57 =	vld.idx.msk [tilespmem:v57+s16+$0x0], $0xffff;
	v18 =	vand.u32 $0xFFFF0000, v45;
	v31 =	vshrl.u32 v47, $0x10  }
0x17e: {  	v63 =	vshll.u32 v48, $0x5;
	v45 =	vld.idx.msk [tilespmem:v58+s16+$0x0], $0xffff;
	v18 =	vor.u32 v18, v31;
	v31 =	vor.u32 v0, v61  }
0x17f: {  	v47 =	vor.u32 v0, v28;
	v58 =	vor.u32 v3, v29;
	v52 =	vshrl.u32 v52, $0x10;
	v34 =	vld.idx.msk [tilespmem:v43+s16+$0x0], $0xffff  }
0x180: {  	v29 =	vor.u32 v4, v29;
	v61 =	vor.u32 v5, v61;
	v23 =	vor.u32 v49, v52;
	v49 =	vld.idx.msk [tilespmem:v59+s16+$0x0], $0xffff  }
0x181: {  	v43 =	vshll.u32 v54, $0x5;
	v52 =	vor.u32 v0, v63;
	v55 =	vand.u32 $0xFFFF0000, v55;
	[tilespmem:v24+s22+$0x0] =	vst.idx.msk $0xffff, v18;
	v18 =	vld.idx.msk [tilespmem:v19+s16+$0x0], $0xffff  }
0x182: {  	v36 =	vshrl.u32 v36, $0x10;
	v19 =	vor.u32 v4, v44;
	v42 =	vshrl.u32 v57, $0x10;
	v57 =	vld.idx.msk [tilespmem:v60+s16+$0x0], $0xffff  }
0x183: {  	v36 =	vor.u32 v55, v36;
	[tilespmem:v31+s22+$0x0] =	vst.idx.msk $0xffff, v17;
	v17 =	vld.idx.msk [tilespmem:v20+s16+$0x0], $0xffff;
	v20 =	vor.u32 v5, v50  }
0x184: {  	v60 =	vor.u32 v3, v44;
	v44 =	vshrl.u32 v37, $0x10;
	v55 =	vld.idx.msk [tilespmem:v58+s16+$0x0], $0xffff;
	v58 =	vor.u32 v4, v46  }
0x185: {  	v40 =	vld.idx.msk [tilespmem:v40+s16+$0x0], $0xffff;
	v37 =	vor.u32 v4, v54;
	v41 =	vor.u32 v56, v42;
	v56 =	vor.u32 v3, v46  }
0x186: {  	v59 =	vshrl.u32 v45, $0x10;
	v31 =	vand.u32 $0xFFFF0000, v34;
	v6 =	vld.idx.msk [tilespmem:v6+s16+$0x0], $0xffff;
	[tilespmem:v38+s22+$0x0] =	vst.idx.msk $0xffff, v41;
	v38 =	vor.u32 v5, v62  }
0x187: {  	[tilespmem:v47+s22+$0x0] =	vst.idx.msk $0xffff, v23;
	v30 =	vld.idx.msk [tilespmem:v30+s16+$0x0], $0xffff;
	v31 =	vor.u32 v31, v59;
	v18 =	vshrl.u32 v18, $0x10;
	v50 =	vshrl.u32 v57, $0x10  }
0x188: {  	v19 =	vld.idx.msk [tilespmem:v19+s16+$0x0], $0xffff;
	[tilespmem:v20+s22+$0x0] =	vst.idx.msk $0xffff, v36;
	v20 =	vshrl.u32 v25, $0x10;
	v25 =	vand.u32 $0xFFFF0000, v39;
	v17 =	vshrl.u32 v17, $0x10  }
0x189: {  	v57 =	vld.idx.msk [tilespmem:v60+s16+$0x0], $0xffff;
	v34 =	vor.u32 v35, v20;
	v36 =	vor.u32 v25, v26;
	v20 =	vor.u32 v0, v43  }
0x18a: {  	v25 =	vld.idx.msk [tilespmem:v29+s16+$0x0], $0xffff;
	v26 =	vand.u32 $0xFFFF0000, v33;
	v29 =	vor.u32 v21, v18;
	v18 =	vor.u32 v3, v51  }
0x18b: {  	v24 =	vand.u32 $0xFFFF0000, v40;
	v26 =	vor.u32 v26, v17;
	v17 =	vor.u32 v3, v48  }
0x18c: {  	v59 =	vor.u32 v4, v48;
	v23 =	vor.u32 v24, v44;
	v24 =	vand.u32 $0xFFFF0000, v49  }
0x18d: {  	[tilespmem:v53+s22+$0x0] =	vst.idx.msk $0xffff, v23;
	v24 =	vor.u32 v24, v50;
	v41 =	vld.idx.msk [tilespmem:v56+s16+$0x0], $0xffff;
	v21 =	vor.u32 v4, v51  }
0x18e: {  	v60 =	vor.u32 v3, v54;
	v6 =	vand.u32 $0xFFFF0000, v6;
	v23 =	vshrl.u32 v30, $0x10;
	[tilespmem:v20+s22+$0x0] =	vst.idx.msk $0xffff, v24;
	v24 =	vld.idx.msk [tilespmem:v58+s16+$0x0], $0xffff  }
0x18f: {  	[tilespmem:v52+s22+$0x0] =	vst.idx.msk $0xffff, v31;
	v19 =	vshrl.u32 v19, $0x10;
	v20 =	vshrl.u32 v25, $0x10;
	v25 =	vand.u32 $0xFFFF0000, v57;
	v18 =	vld.idx.msk [tilespmem:v18+s16+$0x0], $0xffff  }
0x190: {  	v6 =	vor.u32 v6, v23;
	v23 =	vand.u32 $0xFFFF0000, v55;
	v33 =	vor.u32 v25, v19;
	v25 =	vld.idx.msk [tilespmem:v17+s16+$0x0], $0xffff  }
0x191: {  	v35 =	vor.u32 v5, v28;
	v30 =	vor.u32 v5, v32;
	v31 =	vor.u32 v23, v20;
	v23 =	vld.idx.msk [tilespmem:v59+s16+$0x0], $0xffff  }
0x192: {  	v28 =	vor.u32 v5, v63;
	v32 =	vor.u32 v5, v43;
	v17 =	vor.u32 v5, v15;
	v19 =	vld.idx.msk [tilespmem:v21+s16+$0x0], $0xffff  }
0x193: {  	s0 =	simm.s32 $0x8;
	[tilespmem:v61+s22+$0x0] =	vst.idx.msk $0xffff, v6;
	v15 =	vor.u32 v5, v16;
	v20 =	vand.u32 $0xFFFF0000, v41;
	v21 =	vld.idx.msk [tilespmem:v60+s16+$0x0], $0xffff;
	v16 =	vadd.s32 $0x8, v22  }
.LBB2_10:
0x194: {  	v6 =	vadd.s32 v7, v16  }
0x195: {  	v40 =	vadd.s32 v9, v16;
	v60 =	vadd.s32 v10, v16;
	v41 =	vadd.s32 v11, v16  }
0x196: {  	[tilespmem:v38+s22+$0x0] =	vst.idx.msk $0xffff, v31;
	v31 =	vadd.s32 v8, v16;
	v61 =	vadd.s32 v12, v16  }
0x197: {  	v22 =	vld [tilespmem:$0x1FFA0];
	v43 =	vadd.s32 v0, v16;
	[tilespmem:v35+s22+$0x0] =	vst.idx.msk $0xffff, v33;
	v40 =	vand.u32 $0x7F, v40;
	v6 =	vand.u32 $0x7F, v6  }
0x198: {  	[tilespmem:v13+s22+$0x0] =	vst.idx.msk $0xffff, v34;
	v43 =	vand.u32 $0x7F, v43;
	v41 =	vand.u32 $0x7F, v41;
	v42 =	vor.u32 v1, v40  }
0x199: {  	v13 =	vmovc v30;
	[tilespmem:v14+s22+$0x0] =	vst.idx.msk $0xffff, v36;
	v45 =	vand.u32 $0x7F, v31;
	v34 =	vand.u32 $0x7F, v61;
	v44 =	vor.u32 v2, v40  }
0x19a: {  	v14 =	vmovc v28;
	v28 =	vor.u32 v1, v43;
	v30 =	vor.u32 v2, v43;
	v62 =	vor.u32 v1, v6  }
0x19b: {  	v63 =	vor.u32 v2, v6;
	v49 =	vor.u32 v1, v41;
	v50 =	vor.u32 v2, v41  }
0x19c: {  	v51 =	vor.u32 v1, v45;
	v52 =	vor.u32 v2, v45;
	v39 =	vadd.s32 v22, v16;
	v22 =	vld.idx.msk [tilespmem:v37+s16+$0x0], $0xffff  }
0x19d: {  	v53 =	vor.u32 v1, v34;
	v54 =	vor.u32 v2, v34;
	v55 =	vshll.u32 v40, $0x5;
	v42 =	vld.idx.msk [tilespmem:v42+s16+$0x0], $0xffff  }
0x19e: {  	[tilespmem:v17+s22+$0x0] =	vst.idx.msk $0xffff, v26;
	v35 =	vshll.u32 v43, $0x5;
	v57 =	vor.u32 v3, v40;
	v37 =	vand.u32 $0x7F, v60;
	v44 =	vld.idx.msk [tilespmem:v44+s16+$0x0], $0xffff  }
0x19f: {  	v17 =	vmovc v27;
	v33 =	vshll.u32 v41, $0x5;
	v40 =	vor.u32 v4, v40;
	v47 =	vor.u32 v1, v37;
	v26 =	vld.idx.msk [tilespmem:v28+s16+$0x0], $0xffff  }
0x1a0: {  	v27 =	vshll.u32 v45, $0x5;
	[tilespmem:v15+s22+$0x0] =	vst.idx.msk $0xffff, v29;
	v39 =	vand.u32 $0x7F, v39;
	v48 =	vor.u32 v2, v37;
	v29 =	vld.idx.msk [tilespmem:v30+s16+$0x0], $0xffff  }
0x1a1: {  	v56 =	vor.u32 v0, v55;
	v59 =	vor.u32 v0, v35;
	v38 =	vor.u32 v1, v39;
	v58 =	vld.idx.msk [tilespmem:v62+s16+$0x0], $0xffff  }
0x1a2: {  	v24 =	vshrl.u32 v24, $0x10;
	v25 =	vand.u32 $0xFFFF0000, v25;
	v46 =	vor.u32 v2, v39;
	v36 =	vld.idx.msk [tilespmem:v63+s16+$0x0], $0xffff  }
0x1a3: {  	v23 =	vshrl.u32 v23, $0x10;
	v18 =	vand.u32 $0xFFFF0000, v18;
	v19 =	vshrl.u32 v19, $0x10;
	v53 =	vld.idx.msk [tilespmem:v53+s16+$0x0], $0xffff  }
0x1a4: {  	v21 =	vand.u32 $0xFFFF0000, v21;
	v15 =	vmovc v32;
	v32 =	vshll.u32 v34, $0x5;
	v31 =	vshll.u32 v37, $0x5;
	v47 =	vld.idx.msk [tilespmem:v47+s16+$0x0], $0xffff  }
0x1a5: {  	v28 =	vshll.u32 v6, $0x5;
	v30 =	vshll.u32 v39, $0x5;
	v62 =	vor.u32 v3, v43;
	v48 =	vld.idx.msk [tilespmem:v48+s16+$0x0], $0xffff  }
0x1a6: {  	v60 =	vor.u32 v0, v28;
	v42 =	vand.u32 $0xFFFF0000, v42;
	v44 =	vshrl.u32 v44, $0x10;
	v38 =	vld.idx.msk [tilespmem:v38+s16+$0x0], $0xffff  }
0x1a7: {  	v26 =	vand.u32 $0xFFFF0000, v26;
	v29 =	vshrl.u32 v29, $0x10;
	v42 =	vor.u32 v42, v44;
	v44 =	vld.idx.msk [tilespmem:v46+s16+$0x0], $0xffff  }
0x1a8: {  	v26 =	vor.u32 v26, v29;
	v29 =	vor.u32 v4, v43;
	v43 =	vld.idx.msk [tilespmem:v49+s16+$0x0], $0xffff;
	[tilespmem:v56+s22+$0x0] =	vst.idx.msk $0xffff, v42  }
0x1a9: {  	v61 =	vor.u32 v0, v31;
	v63 =	vor.u32 v0, v32;
	v32 =	vor.u32 v5, v32;
	v57 =	vld.idx.msk [tilespmem:v57+s16+$0x0], $0xffff  }
0x1aa: {  	v58 =	vand.u32 $0xFFFF0000, v58;
	v46 =	vor.u32 v0, v30;
	[tilespmem:v59+s22+$0x0] =	vst.idx.msk $0xffff, v26;
	v26 =	vshrl.u32 v36, $0x10;
	v40 =	vld.idx.msk [tilespmem:v40+s16+$0x0], $0xffff  }
0x1ab: {  	v42 =	vor.u32 v0, v33;
	v36 =	vor.u32 v3, v6;
	v26 =	vor.u32 v58, v26;
	v49 =	vld.idx.msk [tilespmem:v62+s16+$0x0], $0xffff  }
0x1ac: {  	v22 =	vshrl.u32 v22, $0x10;
	v56 =	vor.u32 v0, v27;
	[tilespmem:v60+s22+$0x0] =	vst.idx.msk $0xffff, v26;
	v26 =	vshrl.u32 v44, $0x10;
	v44 =	vld.idx.msk [tilespmem:v50+s16+$0x0], $0xffff  }
0x1ad: {  	v59 =	vor.u32 v5, v55;
	v6 =	vor.u32 v4, v6;
	v27 =	vor.u32 v5, v27;
	v50 =	vld.idx.msk [tilespmem:v51+s16+$0x0], $0xffff  }
0x1ae: {  	v47 =	vand.u32 $0xFFFF0000, v47;
	v58 =	vshrl.u32 v48, $0x10;
	v38 =	vand.u32 $0xFFFF0000, v38;
	v51 =	vld.idx.msk [tilespmem:v54+s16+$0x0], $0xffff  }
0x1af: {  	v48 =	vor.u32 v3, v41;
	v29 =	vld.idx.msk [tilespmem:v29+s16+$0x0], $0xffff;
	v26 =	vor.u32 v38, v26;
	v38 =	vor.u32 v3, v39  }
0x1b0: {  	v41 =	vor.u32 v4, v41;
	v54 =	vor.u32 v3, v34;
	v39 =	vor.u32 v4, v39;
	v55 =	vld.idx.msk [tilespmem:v36+s16+$0x0], $0xffff  }
0x1b1: {  	[tilespmem:v46+s22+$0x0] =	vst.idx.msk $0xffff, v26;
	v26 =	vor.u32 v3, v37;
	v46 =	vld.idx.msk [tilespmem:v52+s16+$0x0], $0xffff;
	v60 =	vand.u32 $0xFFFF0000, v57;
	v40 =	vshrl.u32 v40, $0x10  }
0x1b2: {  	v6 =	vld.idx.msk [tilespmem:v6+s16+$0x0], $0xffff;
	v52 =	vor.u32 v4, v37;
	v57 =	vor.u32 v60, v40;
	v60 =	vand.u32 $0xFFFF0000, v43  }
0x1b3: {  	v43 =	vor.u32 v3, v45;
	[tilespmem:v59+s22+$0x0] =	vst.idx.msk $0xffff, v57;
	v59 =	vor.u32 v47, v58;
	v62 =	vshrl.u32 v44, $0x10  }
0x1b4: {  	v44 =	vor.u32 v4, v45;
	v50 =	vand.u32 $0xFFFF0000, v50;
	v37 =	vor.u32 v60, v62;
	v60 =	vld.idx.msk [tilespmem:v38+s16+$0x0], $0xffff  }
0x1b5: {  	[tilespmem:v61+s22+$0x0] =	vst.idx.msk $0xffff, v59;
	v59 =	vand.u32 $0xFFFF0000, v53;
	v61 =	vshrl.u32 v51, $0x10;
	v62 =	vand.u32 $0xFFFF0000, v49;
	v39 =	vld.idx.msk [tilespmem:v39+s16+$0x0], $0xffff  }
0x1b6: {  	v36 =	vor.u32 v59, v61;
	v38 =	vor.u32 v5, v28;
	[tilespmem:v42+s22+$0x0] =	vst.idx.msk $0xffff, v37;
	v57 =	vshrl.u32 v46, $0x10  }
0x1b7: {  	s0 =	sadd.s32 $0x8, s0;
	v37 =	vor.u32 v4, v34;
	v34 =	vor.u32 v20, v24;
	v20 =	vld.idx.msk [tilespmem:v26+s16+$0x0], $0xffff;
	[tilespmem:v63+s22+$0x0] =	vst.idx.msk $0xffff, v36  }
0x1b8: {  	p1 =	slt.u32 s0, $0x78;
	v36 =	vor.u32 v25, v23;
	v26 =	vor.u32 v18, v19;
	v63 =	vor.u32 v5, v35;
	v24 =	vld.idx.msk [tilespmem:v52+s16+$0x0], $0xffff  }
.Ltmp8:
0x1b9: {  	v18 =	vshrl.u32 v29, $0x10;
	v29 =	vor.u32 v21, v22;
	v58 =	vor.u32 v50, v57;
	v25 =	vld.idx.msk [tilespmem:v48+s16+$0x0], $0xffff;
	(pc) =	sbr.rel @p1 .LBB2_10-.Ltmp8, $4  }
0x1ba: {  	v6 =	vshrl.u32 v6, $0x10;
	v21 =	vor.u32 v62, v18;
	v18 =	vand.u32 $0xFFFF0000, v55;
	v23 =	vld.idx.msk [tilespmem:v41+s16+$0x0], $0xffff;
	[tilespmem:v56+s22+$0x0] =	vst.idx.msk $0xffff, v58  }
0x1bb: {  	v35 =	vor.u32 v5, v30;
	v30 =	vor.u32 v5, v31;
	v31 =	vor.u32 v18, v6;
	v18 =	vld.idx.msk [tilespmem:v43+s16+$0x0], $0xffff  }
0x1bc: {  	v28 =	vor.u32 v5, v33;
	v19 =	vld.idx.msk [tilespmem:v44+s16+$0x0], $0xffff;
	v6 =	vand.u32 $0xFFFF0000, v60;
	v22 =	vshrl.u32 v39, $0x10  }
0x1bd: {  	v16 =	vadd.s32 $0x8, v16;
	[tilespmem:v63+s22+$0x0] =	vst.idx.msk $0xffff, v21;
	v33 =	vor.u32 v6, v22;
	v20 =	vand.u32 $0xFFFF0000, v20;
	v21 =	vld.idx.msk [tilespmem:v54+s16+$0x0], $0xffff  }
0x1be: {  	_ =	sdelay $0x3  }
0x1bf: {  	[tilespmem:v38+s22+$0x0] =	vst.idx.msk $0xffff, v31  }
0x1c0: {  	[tilespmem:v35+s22+$0x0] =	vst.idx.msk $0xffff, v33  }
0x1c1: {  	v6 =	vld.idx.msk [tilespmem:v37+s16+$0x0], $0xffff;
	[tilespmem:v13+s22+$0x0] =	vst.idx.msk $0xffff, v34  }
0x1c2: {  	[tilespmem:v14+s22+$0x0] =	vst.idx.msk $0xffff, v36  }
0x1c3: {  	[tilespmem:v17+s22+$0x0] =	vst.idx.msk $0xffff, v26;
	v13 =	vshrl.u32 v24, $0x10  }
0x1c4: {  	[tilespmem:v15+s22+$0x0] =	vst.idx.msk $0xffff, v29;
	v14 =	vand.u32 $0xFFFF0000, v25;
	v15 =	vshrl.u32 v23, $0x10;
	v13 =	vor.u32 v20, v13  }
0x1c5: {  	s0 =	sadd.s32 s4, s1;
	v16 =	vand.u32 $0xFFFF0000, v18;
	v14 =	vor.u32 v14, v15;
	[tilespmem:v30+s22+$0x0] =	vst.idx.msk $0xffff, v13;
	v63 =	vshrl.u32 v19, $0x10  }
0x1c6: {  	s0 =	sshll.u32 s0, $0x9;
	[tilespmem:v28+s22+$0x0] =	vst.idx.msk $0xffff, v14;
	v13 =	vand.u32 $0xFFFF0000, v21;
	v15 =	vor.u32 v16, v63;
	v6 =	vshrl.u32 v6, $0x10  }
0x1c7: {  	s0 =	sand.u32 $0x1FFFFE00, s0;
	[tilespmem:v27+s22+$0x0] =	vst.idx.msk $0xffff, v15;
	v6 =	vor.u32 v13, v6  }
0x1c8: {  	s0 =	sadd.s32 s5, s0;
	[tilespmem:v32+s22+$0x0] =	vst.idx.msk $0xffff, v6  }
0x1c9: {  	[hbm4b:s0+s3] =	stream.linear.scatter [tilespmem:s22], [sflag:$0x6], $0x1000, $0x38;
	[tilespmem:$0xB000] =	vst v63  }
0x1ca: {  	s0 =	sadd.s32 $0x5, s31  }
0x1cb: {  	p1 =	sge.u32 s0, s6  }
.Ltmp9:
0x1cc: {  	s0 =	sadd.s32 @!p1 s4, s0;
	(pc) =	sbr.rel .LBB2_12-.Ltmp9, $4  }
0x1cd: {  	s0 =	sshll.u32 @!p1 s0, $0x7  }
0x1ce: {  	s1 =	simm.s32 @!p1 $0x400;
	s0 =	sand.u32 @!p1 $0x1FFFFF80, s0  }
0x1cf: {  	s10 =	simm.s32 @!p1 $0x7A1400;
	s11 =	simm.s32 @!p1 $0x4000;
	s0 =	sadd.s32 @!p1 s2, s0  }
0x1d0: {  	v53 =	vmov v7;
	v55 =	vmov v12;
	v12 =	vmov v9;
	v7 =	vld [tilespmem:$0x1FFA0];
	[tilespmem:s11], [sflag:$0x3] =	stream.strided.gather @!p1 [hbm4b:s0+s1], $0x2000, s10, s1, $0x38  }
.LBB2_13:
0x1d1: {  	_ =	swait.ge [sflag:s23], $0x1000  }
0x1d2: {  	[sflag:s23] =	ssyncset.done $0x0  }
0x1d3: {  	[sflag:s23] =	ssyncadd.s32 $0xFFFFF000  }
0x1d4: {  	_ =	swait.ge [sflag:s24], $0x1000  }
.Ltmp10:
0x1d5: {  	[sflag:s24] =	ssyncset.done $0x0;
	(pc) =	sbr.rel @p0 .LBB2_17-.Ltmp10, $4  }
0x1d6: {  	[sflag:s24] =	ssyncadd.s32 $0xFFFFF000  }
0x1d7: {  	_ =	swait.ge [sflag:s25], $0x1000  }
0x1d8: {  	[sflag:s25] =	ssyncset.done $0x0  }
0x1d9: {  	[sflag:s25] =	ssyncadd.s32 $0xFFFFF000  }
0x1da: {  	v6 =	vimm.s32 $0x0  }
0x1db: {  	v13 =	vadd.s32 v12, v6  }
0x1dc: {  	v14 =	vadd.s32 v53, v6;
	v15 =	vadd.s32 v7, v6;
	v13 =	vand.u32 $0x3F, v13  }
0x1dd: {  	s0 =	rddreg [dreg:$0x3];
	v16 =	vadd.s32 v9, v6;
	v20 =	vadd.s32 v0, v6;
	v18 =	vor.u32 v1, v13  }
0x1de: {  	v17 =	vadd.s32 v10, v6;
	[tilespmem:s26], [sflag:$0x7] =	stream.strided.gather [hbm4b:s0+s13], $0x2000, s14, s13, $0x38;
	v20 =	vand.u32 $0x3F, v20;
	v21 =	vor.u32 v2, v13;
	[tilespmem:$0xB000] =	vst v63  }
0x1df: {  	v19 =	vadd.s32 v11, v6;
	_ =	swait.ge [sflag:s28], $0x2000;
	v23 =	vand.u32 $0x3F, v14;
	v14 =	vor.u32 v1, v20  }
0x1e0: {  	v22 =	vadd.s32 v55, v6;
	v24 =	vand.u32 $0x3F, v15;
	[sflag:s28] =	ssyncset.done $0x0;
	v15 =	vor.u32 v2, v20  }
0x1e1: {  	v25 =	vand.u32 $0x3F, v16;
	v26 =	vand.u32 $0x3F, v17;
	v16 =	vor.u32 v1, v23;
	[sflag:s28] =	ssyncadd.s32 $0xFFFFE000  }
0x1e2: {  	v19 =	vand.u32 $0x3F, v19;
	v27 =	vand.u32 $0x3F, v22;
	v17 =	vor.u32 v2, v23;
	v18 =	vld.idx.msk [tilespmem:v18+s26+$0x0], $0xffff  }
0x1e3: {  	v22 =	vor.u32 v1, v24;
	v28 =	vor.u32 v2, v24;
	v29 =	vor.u32 v1, v25;
	v21 =	vld.idx.msk [tilespmem:v21+s26+$0x0], $0xffff  }
0x1e4: {  	v30 =	vor.u32 v2, v25;
	v31 =	vor.u32 v1, v26;
	v32 =	vshll.u32 v13, $0x5;
	v35 =	vld.idx.msk [tilespmem:v14+s26+$0x0], $0xffff  }
0x1e5: {  	v33 =	vor.u32 v2, v26;
	v34 =	vor.u32 v1, v19;
	v37 =	vor.u32 v2, v19;
	v39 =	vld.idx.msk [tilespmem:v15+s26+$0x0], $0xffff  }
0x1e6: {  	v38 =	vor.u32 v1, v27;
	v40 =	vor.u32 v3, v13;
	v41 =	vor.u32 v2, v27;
	v43 =	vld.idx.msk [tilespmem:v16+s26+$0x0], $0xffff  }
0x1e7: {  	v42 =	vshll.u32 v20, $0x5;
	v44 =	vor.u32 v4, v13;
	v45 =	vshll.u32 v23, $0x5;
	v46 =	vld.idx.msk [tilespmem:v17+s26+$0x0], $0xffff  }
0x1e8: {  	v47 =	vshll.u32 v24, $0x5;
	v13 =	vshll.u32 v25, $0x5;
	v51 =	vor.u32 v3, v20;
	v29 =	vld.idx.msk [tilespmem:v29+s26+$0x0], $0xffff  }
0x1e9: {  	v20 =	vor.u32 v4, v20;
	v58 =	vor.u32 v3, v23;
	v23 =	vor.u32 v4, v23;
	v30 =	vld.idx.msk [tilespmem:v30+s26+$0x0], $0xffff  }
0x1ea: {  	v59 =	vor.u32 v3, v24;
	v24 =	vor.u32 v4, v24;
	v60 =	vor.u32 v3, v25;
	v31 =	vld.idx.msk [tilespmem:v31+s26+$0x0], $0xffff  }
0x1eb: {  	v25 =	vor.u32 v4, v25;
	v63 =	vor.u32 v3, v26;
	v36 =	vor.u32 v0, v32;
	v33 =	vld.idx.msk [tilespmem:v33+s26+$0x0], $0xffff  }
0x1ec: {  	v54 =	vor.u32 v0, v45;
	v48 =	vor.u32 v0, v47;
	v49 =	vor.u32 v0, v13;
	v37 =	vld.idx.msk [tilespmem:v37+s26+$0x0], $0xffff  }
0x1ed: {  	v32 =	vor.u32 v5, v32;
	v13 =	vor.u32 v5, v13;
	v15 =	vshrl.u32 v21, $0x10;
	v21 =	vld.idx.msk [tilespmem:v22+s26+$0x0], $0xffff  }
0x1ee: {  	v16 =	vshll.u32 v27, $0x5;
	v14 =	vand.u32 $0xFFFF0000, v18;
	v22 =	vld.idx.msk [tilespmem:v28+s26+$0x0], $0xffff;
	v28 =	vor.u32 v0, v42  }
0x1ef: {  	v62 =	vld.idx.msk [tilespmem:v41+s26+$0x0], $0xffff;
	v41 =	vor.u32 v5, v47;
	v35 =	vand.u32 $0xFFFF0000, v35;
	v17 =	vor.u32 v14, v15  }
0x1f0: {  	v38 =	vld.idx.msk [tilespmem:v38+s26+$0x0], $0xffff;
	v39 =	vshrl.u32 v39, $0x10;
	v29 =	vand.u32 $0xFFFF0000, v29;
	v30 =	vshrl.u32 v30, $0x10;
	[tilespmem:v36+s18+$0x0] =	vst.idx.msk $0xffff, v17  }
0x1f1: {  	v56 =	vand.u32 $0xFFFF0000, v43;
	v57 =	vshrl.u32 v46, $0x10;
	v29 =	vor.u32 v29, v30;
	v40 =	vld.idx.msk [tilespmem:v40+s26+$0x0], $0xffff  }
0x1f2: {  	v14 =	vshll.u32 v26, $0x5;
	v15 =	vshll.u32 v19, $0x5;
	v35 =	vor.u32 v35, v39;
	[tilespmem:v49+s18+$0x0] =	vst.idx.msk $0xffff, v29;
	v44 =	vld.idx.msk [tilespmem:v44+s26+$0x0], $0xffff  }
0x1f3: {  	v30 =	vand.u32 $0xFFFF0000, v31;
	[tilespmem:v28+s18+$0x0] =	vst.idx.msk $0xffff, v35;
	v21 =	vand.u32 $0xFFFF0000, v21;
	v22 =	vshrl.u32 v22, $0x10;
	v35 =	vld.idx.msk [tilespmem:v60+s26+$0x0], $0xffff  }
0x1f4: {  	v26 =	vor.u32 v4, v26;
	v50 =	vor.u32 v0, v14;
	v21 =	vor.u32 v21, v22;
	v22 =	vld.idx.msk [tilespmem:v34+s26+$0x0], $0xffff  }
0x1f5: {  	v31 =	vshrl.u32 v33, $0x10;
	v33 =	vor.u32 v3, v19;
	v28 =	vor.u32 v56, v57;
	v52 =	vld.idx.msk [tilespmem:v51+s26+$0x0], $0xffff  }
0x1f6: {  	v18 =	vor.u32 v0, v15;
	v17 =	vor.u32 v0, v16;
	[tilespmem:v54+s18+$0x0] =	vst.idx.msk $0xffff, v28;
	v54 =	vld.idx.msk [tilespmem:v20+s26+$0x0], $0xffff  }
0x1f7: {  	v30 =	vor.u32 v30, v31;
	v14 =	vor.u32 v5, v14;
	v20 =	vor.u32 v4, v19;
	v56 =	vld.idx.msk [tilespmem:v58+s26+$0x0], $0xffff  }
0x1f8: {  	v37 =	vshrl.u32 v37, $0x10;
	v19 =	vor.u32 v4, v27;
	v23 =	vld.idx.msk [tilespmem:v23+s26+$0x0], $0xffff;
	[tilespmem:v48+s18+$0x0] =	vst.idx.msk $0xffff, v21;
	v21 =	vand.u32 $0xFFFF0000, v38  }
0x1f9: {  	v38 =	vor.u32 v5, v45;
	[tilespmem:v50+s18+$0x0] =	vst.idx.msk $0xffff, v30;
	v28 =	vand.u32 $0xFFFF0000, v40;
	v61 =	vshrl.u32 v44, $0x10;
	v34 =	vld.idx.msk [tilespmem:v59+s26+$0x0], $0xffff  }
0x1fa: {  	v26 =	vld.idx.msk [tilespmem:v26+s26+$0x0], $0xffff;
	v28 =	vor.u32 v28, v61;
	v35 =	vand.u32 $0xFFFF0000, v35;
	v31 =	vand.u32 $0xFFFF0000, v22  }
0x1fb: {  	v22 =	vor.u32 v3, v27;
	v57 =	vand.u32 $0xFFFF0000, v52;
	v27 =	vor.u32 v31, v37  }
0x1fc: {  	v31 =	vshrl.u32 v62, $0x10;
	v37 =	vor.u32 v5, v42;
	v29 =	vand.u32 $0xFFFF0000, v56  }
0x1fd: {  	v23 =	vshrl.u32 v23, $0x10;
	v31 =	vor.u32 v21, v31;
	v21 =	vadd.s32 $0x8, v6  }
0x1fe: {  	v6 =	vld.idx.msk [tilespmem:v24+s26+$0x0], $0xffff;
	v24 =	vshrl.u32 v54, $0x10;
	v23 =	vor.u32 v29, v23;
	v29 =	vand.u32 $0xFFFF0000, v34  }
0x1ff: {  	v26 =	vshrl.u32 v26, $0x10;
	v58 =	vadd.s32 v12, v21;
	v24 =	vor.u32 v57, v24  }
0x200: {  	v60 =	vadd.s32 v0, v21;
	v62 =	vadd.s32 v53, v21;
	v36 =	vand.u32 $0x3F, v58  }
0x201: {  	v56 =	vadd.s32 v7, v21;
	v54 =	vadd.s32 v55, v21;
	v59 =	vor.u32 v1, v36  }
0x202: {  	v25 =	vld.idx.msk [tilespmem:v25+s26+$0x0], $0xffff;
	v30 =	vand.u32 $0x3F, v60;
	v58 =	vadd.s32 v9, v21;
	v61 =	vor.u32 v2, v36  }
0x203: {  	v39 =	vld.idx.msk [tilespmem:v63+s26+$0x0], $0xffff;
	v44 =	vand.u32 $0x3F, v56;
	v54 =	vand.u32 $0x3F, v54;
	v63 =	vor.u32 v2, v30  }
0x204: {  	[tilespmem:v17+s18+$0x0] =	vst.idx.msk $0xffff, v31;
	v42 =	vor.u32 v1, v30;
	v60 =	vor.u32 v1, v44;
	v50 =	vshll.u32 v36, $0x5  }
0x205: {  	[tilespmem:v32+s18+$0x0] =	vst.idx.msk $0xffff, v28;
	v52 =	vor.u32 v2, v44;
	v46 =	vand.u32 $0x3F, v58;
	v28 =	vshll.u32 v44, $0x5;
	v22 =	vld.idx.msk [tilespmem:v22+s26+$0x0], $0xffff  }
0x206: {  	[tilespmem:v38+s18+$0x0] =	vst.idx.msk $0xffff, v23;
	v56 =	vor.u32 v1, v46;
	v32 =	vshll.u32 v46, $0x5;
	v6 =	vshrl.u32 v6, $0x10;
	v40 =	vld.idx.msk [tilespmem:v59+s26+$0x0], $0xffff  }
0x207: {  	v38 =	vor.u32 v0, v32;
	v6 =	vor.u32 v29, v6;
	v29 =	vand.u32 $0x3F, v62;
	v43 =	vld.idx.msk [tilespmem:v61+s26+$0x0], $0xffff  }
0x208: {  	v62 =	vor.u32 v0, v50;
	v57 =	vor.u32 v1, v29;
	v47 =	vor.u32 v2, v29;
	v34 =	vld.idx.msk [tilespmem:v63+s26+$0x0], $0xffff  }
0x209: {  	[tilespmem:v41+s18+$0x0] =	vst.idx.msk $0xffff, v6;
	v6 =	vor.u32 v3, v30;
	v59 =	vadd.s32 v10, v21;
	v49 =	vld.idx.msk [tilespmem:v60+s26+$0x0], $0xffff  }
0x20a: {  	v61 =	vadd.s32 v11, v21;
	v63 =	vor.u32 v3, v36;
	v36 =	vor.u32 v4, v36;
	v52 =	vld.idx.msk [tilespmem:v52+s26+$0x0], $0xffff  }
0x20b: {  	v42 =	vld.idx.msk [tilespmem:v42+s26+$0x0], $0xffff;
	v60 =	vor.u32 v2, v54;
	v48 =	vand.u32 $0x3F, v59;
	v59 =	vor.u32 v1, v54  }
0x20c: {  	v9 =	vmovc v7;
	v7 =	vmovc v53;
	v22 =	vand.u32 $0xFFFF0000, v22;
	v51 =	vand.u32 $0x3F, v61;
	v61 =	vshll.u32 v30, $0x5;
	v56 =	vld.idx.msk [tilespmem:v56+s26+$0x0], $0xffff  }
0x20d: {  	v30 =	vor.u32 v4, v30;
	v58 =	vor.u32 v2, v48;
	v53 =	vor.u32 v2, v51;
	v45 =	vld.idx.msk [tilespmem:v57+s26+$0x0], $0xffff  }
0x20e: {  	[tilespmem:v18+s18+$0x0] =	vst.idx.msk $0xffff, v27;
	v47 =	vld.idx.msk [tilespmem:v47+s26+$0x0], $0xffff;
	v57 =	vor.u32 v2, v46;
	v40 =	vand.u32 $0xFFFF0000, v40;
	v43 =	vshrl.u32 v43, $0x10  }
0x20f: {  	v8 =	vmovc v12;
	v12 =	vmovc v55;
	v33 =	vld.idx.msk [tilespmem:v33+s26+$0x0], $0xffff;
	v49 =	vand.u32 $0xFFFF0000, v49;
	v52 =	vshrl.u32 v52, $0x10;
	v40 =	vor.u32 v40, v43  }
0x210: {  	v27 =	vshll.u32 v51, $0x5;
	v18 =	vand.u32 $0xFFFF0000, v42;
	v23 =	vor.u32 v49, v52;
	v49 =	vld.idx.msk [tilespmem:v59+s26+$0x0], $0xffff;
	[tilespmem:v62+s18+$0x0] =	vst.idx.msk $0xffff, v40  }
0x211: {  	[tilespmem:v37+s18+$0x0] =	vst.idx.msk $0xffff, v24;
	v34 =	vshrl.u32 v34, $0x10;
	v43 =	vor.u32 v1, v48;
	v62 =	vshll.u32 v29, $0x5;
	v55 =	vld.idx.msk [tilespmem:v63+s26+$0x0], $0xffff  }
0x212: {  	v17 =	vor.u32 v18, v34;
	v56 =	vand.u32 $0xFFFF0000, v56;
	v36 =	vld.idx.msk [tilespmem:v36+s26+$0x0], $0xffff;
	v24 =	vor.u32 v0, v62  }
0x213: {  	v40 =	vor.u32 v1, v51;
	v57 =	vld.idx.msk [tilespmem:v57+s26+$0x0], $0xffff;
	v18 =	vand.u32 $0xFFFF0000, v45;
	v31 =	vshrl.u32 v47, $0x10  }
0x214: {  	v37 =	vld.idx.msk [tilespmem:v53+s26+$0x0], $0xffff;
	v53 =	vor.u32 v0, v27;
	v18 =	vor.u32 v18, v31;
	v31 =	vor.u32 v0, v61  }
0x215: {  	v27 =	vor.u32 v5, v27;
	v63 =	vshll.u32 v48, $0x5;
	v45 =	vld.idx.msk [tilespmem:v58+s26+$0x0], $0xffff;
	v58 =	vor.u32 v3, v29  }
0x216: {  	v47 =	vor.u32 v0, v28;
	v29 =	vor.u32 v4, v29;
	v52 =	vor.u32 v0, v63;
	v34 =	vld.idx.msk [tilespmem:v43+s26+$0x0], $0xffff  }
0x217: {  	v61 =	vor.u32 v5, v61;
	v43 =	vshll.u32 v54, $0x5;
	v55 =	vand.u32 $0xFFFF0000, v55;
	[tilespmem:v24+s18+$0x0] =	vst.idx.msk $0xffff, v18;
	v18 =	vld.idx.msk [tilespmem:v19+s26+$0x0], $0xffff  }
0x218: {  	v36 =	vshrl.u32 v36, $0x10;
	v19 =	vor.u32 v4, v44;
	v42 =	vshrl.u32 v57, $0x10;
	v57 =	vld.idx.msk [tilespmem:v60+s26+$0x0], $0xffff  }
0x219: {  	v36 =	vor.u32 v55, v36;
	[tilespmem:v31+s18+$0x0] =	vst.idx.msk $0xffff, v17;
	v17 =	vld.idx.msk [tilespmem:v20+s26+$0x0], $0xffff;
	v20 =	vor.u32 v5, v50  }
0x21a: {  	v60 =	vor.u32 v3, v44;
	v44 =	vshrl.u32 v37, $0x10;
	v55 =	vld.idx.msk [tilespmem:v58+s26+$0x0], $0xffff;
	v58 =	vor.u32 v4, v46  }
0x21b: {  	v40 =	vld.idx.msk [tilespmem:v40+s26+$0x0], $0xffff;
	v37 =	vor.u32 v4, v54;
	v41 =	vor.u32 v56, v42;
	v56 =	vor.u32 v3, v46  }
0x21c: {  	v59 =	vshrl.u32 v45, $0x10;
	v31 =	vand.u32 $0xFFFF0000, v34;
	v6 =	vld.idx.msk [tilespmem:v6+s26+$0x0], $0xffff;
	[tilespmem:v38+s18+$0x0] =	vst.idx.msk $0xffff, v41;
	v38 =	vor.u32 v5, v62  }
0x21d: {  	[tilespmem:v47+s18+$0x0] =	vst.idx.msk $0xffff, v23;
	v30 =	vld.idx.msk [tilespmem:v30+s26+$0x0], $0xffff;
	v31 =	vor.u32 v31, v59;
	v18 =	vshrl.u32 v18, $0x10;
	v50 =	vshrl.u32 v57, $0x10  }
0x21e: {  	v19 =	vld.idx.msk [tilespmem:v19+s26+$0x0], $0xffff;
	[tilespmem:v20+s18+$0x0] =	vst.idx.msk $0xffff, v36;
	v20 =	vshrl.u32 v25, $0x10;
	v25 =	vand.u32 $0xFFFF0000, v39;
	v17 =	vshrl.u32 v17, $0x10  }
0x21f: {  	v57 =	vld.idx.msk [tilespmem:v60+s26+$0x0], $0xffff;
	v34 =	vor.u32 v35, v20;
	v36 =	vor.u32 v25, v26;
	v20 =	vor.u32 v0, v43  }
0x220: {  	v25 =	vld.idx.msk [tilespmem:v29+s26+$0x0], $0xffff;
	v26 =	vand.u32 $0xFFFF0000, v33;
	v29 =	vor.u32 v22, v18;
	v18 =	vor.u32 v3, v51  }
0x221: {  	v24 =	vand.u32 $0xFFFF0000, v40;
	v26 =	vor.u32 v26, v17;
	v17 =	vor.u32 v3, v48  }
0x222: {  	v59 =	vor.u32 v4, v48;
	v23 =	vor.u32 v24, v44;
	v24 =	vand.u32 $0xFFFF0000, v49  }
0x223: {  	[tilespmem:v53+s18+$0x0] =	vst.idx.msk $0xffff, v23;
	v24 =	vor.u32 v24, v50;
	v41 =	vld.idx.msk [tilespmem:v56+s26+$0x0], $0xffff;
	v22 =	vor.u32 v4, v51  }
0x224: {  	v60 =	vor.u32 v3, v54;
	v6 =	vand.u32 $0xFFFF0000, v6;
	v23 =	vshrl.u32 v30, $0x10;
	[tilespmem:v20+s18+$0x0] =	vst.idx.msk $0xffff, v24;
	v24 =	vld.idx.msk [tilespmem:v58+s26+$0x0], $0xffff  }
0x225: {  	[tilespmem:v52+s18+$0x0] =	vst.idx.msk $0xffff, v31;
	v19 =	vshrl.u32 v19, $0x10;
	v20 =	vshrl.u32 v25, $0x10;
	v25 =	vand.u32 $0xFFFF0000, v57;
	v18 =	vld.idx.msk [tilespmem:v18+s26+$0x0], $0xffff  }
0x226: {  	v6 =	vor.u32 v6, v23;
	v23 =	vand.u32 $0xFFFF0000, v55;
	v33 =	vor.u32 v25, v19;
	v25 =	vld.idx.msk [tilespmem:v17+s26+$0x0], $0xffff  }
0x227: {  	v35 =	vor.u32 v5, v28;
	v30 =	vor.u32 v5, v32;
	v31 =	vor.u32 v23, v20;
	v23 =	vld.idx.msk [tilespmem:v59+s26+$0x0], $0xffff  }
0x228: {  	v28 =	vor.u32 v5, v63;
	v32 =	vor.u32 v5, v43;
	v17 =	vor.u32 v5, v15;
	v19 =	vld.idx.msk [tilespmem:v22+s26+$0x0], $0xffff  }
0x229: {  	s0 =	simm.s32 $0x8;
	[tilespmem:v61+s18+$0x0] =	vst.idx.msk $0xffff, v6;
	v15 =	vor.u32 v5, v16;
	v20 =	vand.u32 $0xFFFF0000, v41;
	v22 =	vld.idx.msk [tilespmem:v60+s26+$0x0], $0xffff;
	v16 =	vadd.s32 $0x8, v21  }
.LBB2_15:
0x22a: {  	v6 =	vadd.s32 v7, v16  }
0x22b: {  	v39 =	vadd.s32 v9, v16;
	v40 =	vadd.s32 v8, v16;
	v41 =	vadd.s32 v10, v16  }
0x22c: {  	[tilespmem:v38+s18+$0x0] =	vst.idx.msk $0xffff, v31;
	v31 =	vadd.s32 v11, v16;
	v61 =	vadd.s32 v12, v16  }
0x22d: {  	v43 =	vadd.s32 v0, v16;
	[tilespmem:v35+s18+$0x0] =	vst.idx.msk $0xffff, v33;
	v40 =	vand.u32 $0x3F, v40;
	v6 =	vand.u32 $0x3F, v6  }
0x22e: {  	[tilespmem:v13+s18+$0x0] =	vst.idx.msk $0xffff, v34;
	v13 =	vmovc v30;
	v43 =	vand.u32 $0x3F, v43;
	v39 =	vand.u32 $0x3F, v39;
	v42 =	vor.u32 v1, v40  }
0x22f: {  	v60 =	vld [tilespmem:$0x1FFB0];
	[tilespmem:v14+s18+$0x0] =	vst.idx.msk $0xffff, v36;
	v14 =	vmovc v28;
	v41 =	vand.u32 $0x3F, v41;
	v45 =	vand.u32 $0x3F, v31;
	v44 =	vor.u32 v2, v40  }
0x230: {  	[tilespmem:v17+s18+$0x0] =	vst.idx.msk $0xffff, v26;
	v34 =	vand.u32 $0x3F, v61;
	v28 =	vor.u32 v1, v43;
	v30 =	vor.u32 v2, v43  }
0x231: {  	v62 =	vor.u32 v1, v6;
	v63 =	vor.u32 v2, v6;
	v38 =	vor.u32 v1, v39  }
0x232: {  	v21 =	vld.idx.msk [tilespmem:v37+s26+$0x0], $0xffff;
	v46 =	vor.u32 v2, v39;
	v49 =	vor.u32 v1, v41;
	v50 =	vor.u32 v2, v41  }
0x233: {  	v51 =	vor.u32 v1, v45;
	v52 =	vor.u32 v2, v45;
	v53 =	vor.u32 v1, v34;
	v42 =	vld.idx.msk [tilespmem:v42+s26+$0x0], $0xffff  }
0x234: {  	v54 =	vor.u32 v2, v34;
	v55 =	vshll.u32 v40, $0x5;
	v37 =	vadd.s32 v60, v16;
	v44 =	vld.idx.msk [tilespmem:v44+s26+$0x0], $0xffff  }
0x235: {  	[tilespmem:v15+s18+$0x0] =	vst.idx.msk $0xffff, v29;
	v35 =	vshll.u32 v43, $0x5;
	v57 =	vor.u32 v3, v40;
	v37 =	vand.u32 $0x3F, v37;
	v26 =	vld.idx.msk [tilespmem:v28+s26+$0x0], $0xffff  }
0x236: {  	v17 =	vmovc v27;
	v33 =	vshll.u32 v41, $0x5;
	v27 =	vshll.u32 v45, $0x5;
	v47 =	vor.u32 v1, v37;
	v29 =	vld.idx.msk [tilespmem:v30+s26+$0x0], $0xffff  }
0x237: {  	v15 =	vmovc v32;
	v40 =	vor.u32 v4, v40;
	v32 =	vshll.u32 v34, $0x5;
	v48 =	vor.u32 v2, v37;
	v58 =	vld.idx.msk [tilespmem:v62+s26+$0x0], $0xffff  }
0x238: {  	v56 =	vor.u32 v0, v55;
	v59 =	vor.u32 v0, v35;
	v24 =	vshrl.u32 v24, $0x10;
	v36 =	vld.idx.msk [tilespmem:v63+s26+$0x0], $0xffff  }
0x239: {  	v25 =	vand.u32 $0xFFFF0000, v25;
	v23 =	vshrl.u32 v23, $0x10;
	v18 =	vand.u32 $0xFFFF0000, v18;
	v38 =	vld.idx.msk [tilespmem:v38+s26+$0x0], $0xffff  }
0x23a: {  	v19 =	vshrl.u32 v19, $0x10;
	v22 =	vand.u32 $0xFFFF0000, v22;
	v21 =	vshrl.u32 v21, $0x10;
	v53 =	vld.idx.msk [tilespmem:v53+s26+$0x0], $0xffff  }
0x23b: {  	v28 =	vshll.u32 v6, $0x5;
	v30 =	vshll.u32 v39, $0x5;
	v62 =	vor.u32 v3, v43;
	v47 =	vld.idx.msk [tilespmem:v47+s26+$0x0], $0xffff  }
0x23c: {  	v60 =	vor.u32 v0, v28;
	v42 =	vand.u32 $0xFFFF0000, v42;
	v44 =	vshrl.u32 v44, $0x10;
	v48 =	vld.idx.msk [tilespmem:v48+s26+$0x0], $0xffff  }
0x23d: {  	v26 =	vand.u32 $0xFFFF0000, v26;
	v29 =	vshrl.u32 v29, $0x10;
	v42 =	vor.u32 v42, v44;
	v44 =	vld.idx.msk [tilespmem:v46+s26+$0x0], $0xffff  }
0x23e: {  	v26 =	vor.u32 v26, v29;
	v29 =	vor.u32 v4, v43;
	v43 =	vld.idx.msk [tilespmem:v49+s26+$0x0], $0xffff;
	[tilespmem:v56+s18+$0x0] =	vst.idx.msk $0xffff, v42  }
0x23f: {  	v31 =	vshll.u32 v37, $0x5;
	v63 =	vor.u32 v0, v32;
	v32 =	vor.u32 v5, v32;
	v57 =	vld.idx.msk [tilespmem:v57+s26+$0x0], $0xffff  }
0x240: {  	v61 =	vor.u32 v0, v31;
	v58 =	vand.u32 $0xFFFF0000, v58;
	[tilespmem:v59+s18+$0x0] =	vst.idx.msk $0xffff, v26;
	v26 =	vshrl.u32 v36, $0x10;
	v40 =	vld.idx.msk [tilespmem:v40+s26+$0x0], $0xffff  }
0x241: {  	v46 =	vor.u32 v0, v30;
	v36 =	vor.u32 v3, v6;
	v26 =	vor.u32 v58, v26;
	v49 =	vld.idx.msk [tilespmem:v62+s26+$0x0], $0xffff  }
0x242: {  	v38 =	vand.u32 $0xFFFF0000, v38;
	v42 =	vor.u32 v0, v33;
	[tilespmem:v60+s18+$0x0] =	vst.idx.msk $0xffff, v26;
	v26 =	vshrl.u32 v44, $0x10;
	v44 =	vld.idx.msk [tilespmem:v50+s26+$0x0], $0xffff  }
0x243: {  	v56 =	vor.u32 v0, v27;
	v59 =	vor.u32 v5, v55;
	v6 =	vor.u32 v4, v6;
	v50 =	vld.idx.msk [tilespmem:v51+s26+$0x0], $0xffff  }
0x244: {  	v27 =	vor.u32 v5, v27;
	v47 =	vand.u32 $0xFFFF0000, v47;
	v58 =	vshrl.u32 v48, $0x10;
	v51 =	vld.idx.msk [tilespmem:v54+s26+$0x0], $0xffff  }
0x245: {  	v48 =	vor.u32 v3, v41;
	v29 =	vld.idx.msk [tilespmem:v29+s26+$0x0], $0xffff;
	v26 =	vor.u32 v38, v26;
	v38 =	vor.u32 v3, v39  }
0x246: {  	v41 =	vor.u32 v4, v41;
	v54 =	vor.u32 v3, v34;
	v39 =	vor.u32 v4, v39;
	v55 =	vld.idx.msk [tilespmem:v36+s26+$0x0], $0xffff  }
0x247: {  	[tilespmem:v46+s18+$0x0] =	vst.idx.msk $0xffff, v26;
	v26 =	vor.u32 v3, v37;
	v46 =	vld.idx.msk [tilespmem:v52+s26+$0x0], $0xffff;
	v60 =	vand.u32 $0xFFFF0000, v57;
	v40 =	vshrl.u32 v40, $0x10  }
0x248: {  	v6 =	vld.idx.msk [tilespmem:v6+s26+$0x0], $0xffff;
	v52 =	vor.u32 v4, v37;
	v57 =	vor.u32 v60, v40;
	v60 =	vand.u32 $0xFFFF0000, v43  }
0x249: {  	v43 =	vor.u32 v3, v45;
	[tilespmem:v59+s18+$0x0] =	vst.idx.msk $0xffff, v57;
	v59 =	vor.u32 v47, v58;
	v62 =	vshrl.u32 v44, $0x10  }
0x24a: {  	v44 =	vor.u32 v4, v45;
	v50 =	vand.u32 $0xFFFF0000, v50;
	v37 =	vor.u32 v60, v62;
	v60 =	vld.idx.msk [tilespmem:v38+s26+$0x0], $0xffff  }
0x24b: {  	[tilespmem:v61+s18+$0x0] =	vst.idx.msk $0xffff, v59;
	v59 =	vand.u32 $0xFFFF0000, v53;
	v61 =	vshrl.u32 v51, $0x10;
	v62 =	vand.u32 $0xFFFF0000, v49;
	v39 =	vld.idx.msk [tilespmem:v39+s26+$0x0], $0xffff  }
0x24c: {  	v36 =	vor.u32 v59, v61;
	v38 =	vor.u32 v5, v28;
	[tilespmem:v42+s18+$0x0] =	vst.idx.msk $0xffff, v37;
	v57 =	vshrl.u32 v46, $0x10  }
0x24d: {  	s0 =	sadd.s32 $0x8, s0;
	v37 =	vor.u32 v4, v34;
	v34 =	vor.u32 v20, v24;
	v20 =	vld.idx.msk [tilespmem:v26+s26+$0x0], $0xffff;
	[tilespmem:v63+s18+$0x0] =	vst.idx.msk $0xffff, v36  }
0x24e: {  	p1 =	slt.u32 s0, $0x38;
	v36 =	vor.u32 v25, v23;
	v26 =	vor.u32 v18, v19;
	v63 =	vor.u32 v5, v35;
	v24 =	vld.idx.msk [tilespmem:v52+s26+$0x0], $0xffff  }
.Ltmp11:
0x24f: {  	v18 =	vshrl.u32 v29, $0x10;
	v29 =	vor.u32 v22, v21;
	v58 =	vor.u32 v50, v57;
	v25 =	vld.idx.msk [tilespmem:v48+s26+$0x0], $0xffff;
	(pc) =	sbr.rel @p1 .LBB2_15-.Ltmp11, $4  }
0x250: {  	v6 =	vshrl.u32 v6, $0x10;
	v21 =	vor.u32 v62, v18;
	v18 =	vand.u32 $0xFFFF0000, v55;
	v23 =	vld.idx.msk [tilespmem:v41+s26+$0x0], $0xffff;
	[tilespmem:v56+s18+$0x0] =	vst.idx.msk $0xffff, v58  }
0x251: {  	v35 =	vor.u32 v5, v30;
	v30 =	vor.u32 v5, v31;
	v31 =	vor.u32 v18, v6;
	v18 =	vld.idx.msk [tilespmem:v43+s26+$0x0], $0xffff  }
0x252: {  	v28 =	vor.u32 v5, v33;
	v19 =	vld.idx.msk [tilespmem:v44+s26+$0x0], $0xffff;
	v6 =	vand.u32 $0xFFFF0000, v60;
	v22 =	vshrl.u32 v39, $0x10  }
0x253: {  	v16 =	vadd.s32 $0x8, v16;
	[tilespmem:v63+s18+$0x0] =	vst.idx.msk $0xffff, v21;
	v33 =	vor.u32 v6, v22;
	v20 =	vand.u32 $0xFFFF0000, v20;
	v22 =	vld.idx.msk [tilespmem:v54+s26+$0x0], $0xffff  }
0x254: {  	_ =	sdelay $0x3  }
0x255: {  	[tilespmem:v38+s18+$0x0] =	vst.idx.msk $0xffff, v31  }
0x256: {  	[tilespmem:v35+s18+$0x0] =	vst.idx.msk $0xffff, v33  }
0x257: {  	v6 =	vld.idx.msk [tilespmem:v37+s26+$0x0], $0xffff;
	[tilespmem:v13+s18+$0x0] =	vst.idx.msk $0xffff, v34  }
0x258: {  	[tilespmem:v14+s18+$0x0] =	vst.idx.msk $0xffff, v36  }
0x259: {  	[tilespmem:v17+s18+$0x0] =	vst.idx.msk $0xffff, v26;
	v13 =	vshrl.u32 v24, $0x10  }
0x25a: {  	[tilespmem:v15+s18+$0x0] =	vst.idx.msk $0xffff, v29;
	v14 =	vand.u32 $0xFFFF0000, v25;
	v15 =	vshrl.u32 v23, $0x10;
	v13 =	vor.u32 v20, v13  }
0x25b: {  	v16 =	vand.u32 $0xFFFF0000, v18;
	v14 =	vor.u32 v14, v15;
	[tilespmem:v30+s18+$0x0] =	vst.idx.msk $0xffff, v13;
	v63 =	vshrl.u32 v19, $0x10  }
0x25c: {  	[tilespmem:v28+s18+$0x0] =	vst.idx.msk $0xffff, v14;
	v13 =	vand.u32 $0xFFFF0000, v22;
	v15 =	vor.u32 v16, v63;
	v6 =	vshrl.u32 v6, $0x10  }
0x25d: {  	[tilespmem:v27+s18+$0x0] =	vst.idx.msk $0xffff, v15;
	v6 =	vor.u32 v13, v6  }
0x25e: {  	[tilespmem:v32+s18+$0x0] =	vst.idx.msk $0xffff, v6  }
0x25f: {  	s0 =	rddreg [dreg:$0x4]  }
0x260: {  	[hbm4b:s0+s3] =	stream.linear.scatter [tilespmem:s18], [sflag:$0x7], $0x800, $0x38;
	[tilespmem:$0xB000] =	vst v63  }
0x261: {  	_ =	swait.ge [sflag:s28], $0x800  }
.Ltmp12:
0x262: {  	v53 =	vmov v7;
	v7 =	vmov v9;
	v9 =	vld [tilespmem:$0x1FFB0];
	(pc) =	sbr.rel .LBB2_17-.Ltmp12, $3  }
0x263: {  	_ =	sdelay $0x1  }
0x264: {  	[sflag:s28] =	ssyncset.done $0x0  }
0x265: {  	v55 =	vmov v12;
	v12 =	vmov v8;
	[sflag:s28] =	ssyncadd.s32 $0xFFFFF800  }
.LBB2_18:
0x266: {  	_ =	sfence.sel $0x180000  }
0x267: {  	[bflag:$0x0] =	sbarrier.arrive $0xFFFF  }
0x268: {  	_ =	strace $0x90000047  }
0x269: {  	s0 =	stileid.u32;
	[bflag:$0x2] =	sbarrier.arrive $0xFFFF  }
0x26a: {  	p0 =	sne.s32 s0, $0x0;
	s0 =	rddreg [dreg:$0x2]  }
0x26b: {  	s0 =	sadd.s32 @!p0 $0x100000, s0  }
0x26c: {  	[sflag:s0] =	ssyncadd.tile.s32 @!p0 $0x1;
	_ =	shalt  }
.Lfunc_end2:
_tile_overlayer_lowered:
.L_overlay_start_2:
0x26d: {  	(tag) =	ssettag $0x2  }
0x26e: {  	s0 =	rddreg [dreg:$0x0];
	s2 =	stileid.u32  }
0x26f: {  	s1 =	rddreg [dreg:$0x1];
	p0 =	sne.s32 s2, $0x0  }
0x270: {  	s3 =	rddreg [dreg:$0x2];
	[bflag:$0x3] =	sbarrier.arrive $0xFFFF;
	s2 =	simm.s32 @!p0 $0x1C07  }
0x271: {  	[timem:s3], [sflag:s2] =	dma.local @!p0 [hbm:s0], s1  }
0x272: {  	s0 =	simm.s32 @!p0 $0x7  }
0x273: {  	_ =	swait.ge @!p0 [sflag:s0], s1  }
0x274: {  	s1 =	ssub.s32 @!p0 $0x0, s1;
	[sflag:s0] =	ssyncset.done @!p0 $0x0  }
0x275: {  	[sflag:s0] =	ssyncadd.s32 @!p0 s1  }
0x276: {  	[bflag:$0x3] =	sbarrier.arrive $0xFFFF  }
0x277: {  	_ =	shalt  }

// kernel: kernel.8.cloned.1.call-start
scs
__scs_entry_jumppad:
0x0: {  	(pc) =	sbr.rel $0x88, $3  }
0x1: {  	(tag) =	ssettag $0x0;
	lr =	simm.s32 $0x1  }
0x2: {  	[smem:$0x3F9B] =	sst lr;
	_ =	strace $0xD0000000  }
0x3: {  	_ = 	snop  }
0x4: {  	_ = 	snop  }
0x5: {  	_ = 	snop  }
0x6: {  	_ = 	snop  }
0x7: {  	_ = 	snop  }
__scs_overlays_trampoline_lowered:
0x8: {  	[smem:$0x3FAA] =	sst s0  }
0x9: {  	[smem:$0x3FAB] =	sst s1  }
0xa: {  	[smem:$0x3FAC] =	sst s2  }
0xb: {  	[smem:$0x3FAD] =	sst s3  }
0xc: {  	[smem:$0x3FAE] =	sst s4  }
0xd: {  	[smem:$0x3FAF] =	sst s5  }
0xe: {  	[smem:$0x3FB0] =	sst s6  }
0xf: {  	[smem:$0x3FB1] =	sst s7  }
0x10: {  	[smem:$0x3FB2] =	sst s8  }
0x11: {  	[smem:$0x3FB3] =	sst s9;
	s0 =	simm.s32 @!p0 $0x0  }
0x12: {  	s1 =	sld [smem:$0x3F99];
	s0 =	simm.s32 @p0 $0x1  }
0x13: {  	[smem:$0x3FB4] =	sst s0;
	s0 =	simm.s32 @!p1 $0x0  }
0x14: {  	s2 =	sld [smem:$0x3F98];
	s0 =	simm.s32 @p1 $0x1  }
0x15: {  	[smem:$0x3FB5] =	sst s0;
	s0 =	simm.s32 @!p2 $0x0  }
0x16: {  	s3 =	sld [smem:$0x3FDB];
	s0 =	simm.s32 @p2 $0x1  }
0x17: {  	s4 =	simm.s32 $0x1BF5;
	[smem:$0x3FB7] =	sst s0  }
0x18: {  	s0 =	sld [smem:$0x3F9A];
	_ =	swait.ge [sflag:s4], $0x0  }
0x19: {  	s7 =	sld [smem:$0x3F9B]  }
0x1a: {  	s8 =	sadd.s32 $0xFFFFE003, lr  }
0x1b: {  	s9 =	sadd.s32 $0xFFFFFEF7, lr;
	s5 =	simm.s32 $0xFFFFFFFF;
	p2 =	slt.u32 s8, $0xFFFFF086  }
0x1c: {  	p1 =	slt.u32 s9, $0xF7A;
	s5 =	simm.s32 @!p2 $0x0  }
0x1d: {  	s5 =	simm.s32 @p1 $0x1;
	p0 =	seq.s32 s7, s2  }
0x1e: {  	s7 =	smul.u32 @!p0 $0xF7A, s2;
	p2 =	seq.s32 @!p0 s5, $0x0  }
0x1f: {  	s9 =	smul.u32 $0xF7A, s1;
	s8 =	simm.s32 @!p0 $0x1BF5;
	p2 =	por !p2, p0  }
0x20: {  	[sflag:s8] =	ssyncset.s32 @!p0 $0xFFFFF086;
	s6 =	sadd.s32 @!p0 s3, s7;
	s7 =	simm.s32 @!p0 $0x108  }
0x21: {  	s3 =	sadd.s32 s3, s9;
	s6 =	sadd.s32 @!p0 $0x88, s6;
	s7 =	simm.s32 @p2 $0x1082  }
0x22: {  	[simem:s7], [sflag:s8] =	dma.local @!p0 [hbm:s6], $0xF7A  }
0x23: {  	s9 =	sor.u32 $0xD0000000, s2;
	s6 =	simm.s32 $0x108;
	_ =	swait.ge @!p0 [sflag:s8], $0x0  }
0x24: {  	s3 =	sadd.s32 $0x88, s3;
	s6 =	simm.s32 @!p1 $0x1082;
	[sflag:s4] =	ssyncset.s32 $0xFFFFF086  }
0x25: {  	[simem:s6], [sflag:s4] =	dma.local [hbm:s3], $0xF7A  }
0x26: {  	[smem:$0x3F9B] =	sst s1;
	(tag) =	ssettag s2;
	_ =	strace s9  }
0x27: {  	s1 =	sld [smem:$0x3FAB]  }
0x28: {  	s2 =	sld [smem:$0x3FAC]  }
0x29: {  	s4 =	sld [smem:$0x3FAE]  }
0x2a: {  	p0 =	seq.s32 s5, $0x0;
	s5 =	sld [smem:$0x3FAF]  }
0x2b: {  	s6 =	sld [smem:$0x3FB0]  }
0x2c: {  	s7 =	sld [smem:$0x3FB1]  }
0x2d: {  	s3 =	simm.s32 $0x108;
	s8 =	sld [smem:$0x3FB2]  }
0x2e: {  	s3 =	simm.s32 @!p0 $0x1082;
	s9 =	sld [smem:$0x3FB3]  }
0x2f: {  	lr =	sadd.s32 s0, s3;
	s0 =	sld [smem:$0x3FAA]  }
0x30: {  	s3 =	sld [smem:$0x3FAD]  }
0x31: {  	[smem:$0x3FB6] =	sst s10  }
0x32: {  	s10 =	sld [smem:$0x3FB4];
	_ =	sdelay $0x3  }
0x33: {  	p0 =	seq.s32 s10, $0x1;
	s10 =	sld [smem:$0x3FB6];
	_ =	sdelay $0x3  }
0x34: {  	[smem:$0x3FB6] =	sst s10  }
0x35: {  	s10 =	sld [smem:$0x3FB5];
	_ =	sdelay $0x3  }
0x36: {  	p1 =	seq.s32 s10, $0x1;
	s10 =	sld [smem:$0x3FB6];
	_ =	sdelay $0x3  }
0x37: {  	[smem:$0x3FB6] =	sst s10  }
0x38: {  	s10 =	sld [smem:$0x3FB7]  }
0x39: {  	_ = 	snop;
	(pc) =	sbr.ind lr, $3  }
0x3a: {  	_ = 	snop  }
0x3b: {  	_ = 	snop  }
0x3c: {  	p2 =	seq.s32 s10, $0x1;
	s10 =	sld [smem:$0x3FB6]  }
0x3d: {  	_ =	shalt  }
0x3e: {  	_ =	shalt  }
0x3f: {  	_ =	shalt  }
0x40: {  	_ =	shalt  }
0x41: {  	_ =	shalt  }
0x42: {  	_ =	shalt  }
0x43: {  	_ =	shalt  }
0x44: {  	_ =	shalt  }
0x45: {  	_ =	shalt  }
0x46: {  	_ =	shalt  }
0x47: {  	_ =	shalt  }
0x48: {  	_ =	shalt  }
0x49: {  	_ =	shalt  }
0x4a: {  	_ =	shalt  }
0x4b: {  	_ =	shalt  }
0x4c: {  	_ =	shalt  }
0x4d: {  	_ =	shalt  }
0x4e: {  	_ =	shalt  }
0x4f: {  	_ =	shalt  }
0x50: {  	_ =	shalt  }
0x51: {  	_ =	shalt  }
0x52: {  	_ =	shalt  }
0x53: {  	_ =	shalt  }
0x54: {  	_ =	shalt  }
0x55: {  	_ =	shalt  }
0x56: {  	_ =	shalt  }
0x57: {  	_ =	shalt  }
0x58: {  	_ =	shalt  }
0x59: {  	_ =	shalt  }
0x5a: {  	_ =	shalt  }
0x5b: {  	_ =	shalt  }
0x5c: {  	_ =	shalt  }
0x5d: {  	_ =	shalt  }
0x5e: {  	_ =	shalt  }
0x5f: {  	_ =	shalt  }
0x60: {  	_ =	shalt  }
0x61: {  	_ =	shalt  }
0x62: {  	_ =	shalt  }
0x63: {  	_ =	shalt  }
0x64: {  	_ =	shalt  }
0x65: {  	_ =	shalt  }
0x66: {  	_ =	shalt  }
0x67: {  	_ =	shalt  }
0x68: {  	_ =	shalt  }
0x69: {  	_ =	shalt  }
0x6a: {  	_ =	shalt  }
0x6b: {  	_ =	shalt  }
0x6c: {  	_ =	shalt  }
0x6d: {  	_ =	shalt  }
0x6e: {  	_ =	shalt  }
0x6f: {  	_ =	shalt  }
0x70: {  	_ =	shalt  }
0x71: {  	_ =	shalt  }
0x72: {  	_ =	shalt  }
0x73: {  	_ =	shalt  }
0x74: {  	_ =	shalt  }
0x75: {  	_ =	shalt  }
0x76: {  	_ =	shalt  }
0x77: {  	_ =	shalt  }
0x78: {  	_ =	shalt  }
0x79: {  	_ =	shalt  }
0x7a: {  	_ =	shalt  }
0x7b: {  	_ =	shalt  }
0x7c: {  	_ =	shalt  }
0x7d: {  	_ =	shalt  }
0x7e: {  	_ =	shalt  }
0x7f: {  	_ =	shalt  }
0x80: {  	_ =	shalt  }
0x81: {  	_ =	shalt  }
0x82: {  	_ =	shalt  }
0x83: {  	_ =	shalt  }
0x84: {  	_ =	shalt  }
0x85: {  	_ =	shalt  }
0x86: {  	_ =	shalt  }
0x87: {  	_ =	shalt  }
.Lfunc_end0:
.L_simem_size_0:
called_computation.1_lowered:
.L_overlay_start_0:
0x88: {  	s2 =	sld [smem:$0x3FD9]  }
0x89: {  	s3 =	sld [smem:$0x3FFE];
	_ =	sdelay $0x1  }
0x8a: {  	s1 =	srdreg.scid  }
0x8b: {  	s0 =	sand.u32 $0x1, s1  }
0x8c: {  	s16 =	sshll.u32 s0, $0xA;
	s2 =	sadd.s32 s3, s2  }
0x8d: {  	s2 =	sadd.s32 s2, s16  }
0x8e: {  	[smem:$0x3FC2] =	sst s2  }
0x8f: {  	_ = 	snop  }
0x90: {  	(tm) =	ssettm $0x1  }
0x91: {  	s17 =	sld [smem:$0x3FFB];
	_ =	sdelay $0x3  }
0x92: {  	_ =	strace s17  }
0x93: {  	s2 =	sld [smem:$0x3FFC];
	_ =	sdelay $0x3  }
0x94: {  	_ =	strace s2  }
0x95: {  	s2 =	sld [smem:$0x3FFD];
	_ =	sdelay $0x3  }
0x96: {  	_ =	strace s2  }
0x97: {  	_ =	strace $0x8FFFFFFF  }
0x98: {  	s18 =	sld [smem:$0x3FDB];
	_ =	sdelay $0x1  }
0x99: {  	s19 =	simm.s32 $_scs_section_size  }
0x9a: {  	s4 =	simm.s32 $_size__tile_overlayer_lowered;
	s5 =	simm.s32 $_tile_overlayer_lowered  }
0x9b: {  	s22 =	simm.s32 $0x1BFF;
	s21 =	sshll.u32 s5, $0x1;
	s2 =	sadd.s32 s19, s18  }
0x9c: {  	s6 =	simm.s32 $0x0;
	s20 =	sshll.u32 s4, $0x1;
	s4 =	sadd.s32 s21, s2  }
0x9d: {  	[timem:s6], [sflag:s22] =	dma.local [hbm:s4], s20  }
0x9e: {  	_ =	swait.ge [sflag:s22], s20  }
0x9f: {  	s3 =	ssub.s32 $0x0, s20;
	[sflag:s22] =	ssyncset.done $0x0  }
0xa0: {  	[sflag:s22] =	ssyncadd.s32 s3;
	_ =	sdelay $0x1  }
0xa1: {  	s23 =	simm.s32 $0x1B8B  }
0xa2: {  	_ =	swait.ge [sflag:s23], $0x1  }
0xa3: {  	[sflag:s23] =	ssyncset.done $0x0  }
0xa4: {  	s25 =	simm.s32 $0x1B8E;
	s24 =	sld [smem:$0x3FFE];
	[sflag:s23] =	ssyncadd.s32 $0xFFFFFFFF  }
0xa5: {  	s26 =	simm.s32 $execute0_lowered;
	[smem:$0x3FD2] =	sst s25  }
0xa6: {  	s4 =	sshll.u32 s26, $0x1;
	_ =	strace $0x80000049;
	[dreg:$0x1] =	wrdreg $0xFFFFFFFF  }
0xa7: {  	s28 =	simm.s32 $_size_execute0_lowered;
	s2 =	sadd.s32 s2, s4;
	[dreg:$0x0] =	wrdreg $0x0  }
0xa8: {  	s4 =	sshll.u32 s28, $0x1;
	[dreg:$0x2] =	wrdreg s2  }
0xa9: {  	[dreg:$0x3] =	wrdreg s4  }
0xaa: {  	[dreg:$0x4] =	wrdreg $0xC0  }
0xab: {  	_ =	task [dreg:s6], $0x5FFFF  }
0xac: {  	[dreg:$0x1] =	wrdreg $0xFFFFFFFF  }
0xad: {  	[dreg:$0x0] =	wrdreg $0x60  }
0xae: {  	[dreg:$0x2] =	wrdreg s24  }
0xaf: {  	[dreg:$0x3] =	wrdreg $0x9  }
0xb0: {  	_ =	task.clear_ibuf [dreg:s6], $0x4FFFF;
	_ =	strace $0x90000049  }
0xb1: {  	s29 =	simm.s32 $0x9;
	_ =	strace $0x8000004B  }
0xb2: {  	_ =	swait.ge [sflag:s29], $0x1  }
0xb3: {  	[sflag:s29] =	ssyncadd.s32 $0xFFFFFFFF  }
0xb4: {  	_ =	strace $0x9000004B  }
0xb5: {  	_ =	sfence  }
0xb6: {  	s30 =	sld [smem:$0x0];
	_ =	sdelay $0x2  }
0xb7: {  	s31 =	sshll.u32 s1, $0xD;
	s1 =	sshrl.u32 s1, $0x2  }
0xb8: {  	s3 =	sand.u32 $0x4000, s31;
	s1 =	sadd.s32 s1, s30  }
0xb9: {  	s0 =	sor.u32 s3, s0;
	s1 =	sshll.u32 s1, $0x11  }
0xba: {  	s0 =	sor.u32 s1, s0  }
0xbb: {  	s0 =	sadd.s32 $0x8F2B, s0  }
0xbc: {  	[sflag:s0] =	ssyncadd.remote.s32 $0x1  }
0xbd: {  	_ =	sfence.sel $0xFFFF  }
0xbe: {  	[dreg:$0x0] =	wrdreg $0xFFFFFFFF;
	(pc) =	sbr.abs _section_cstart, $3  }
0xbf: {  	[dreg:$0x1] =	wrdreg $0xFFFFFFFF  }
0xc0: {  	_ =	task.clear_ibuf [dreg:s6], $0x2FFFF;
	_ =	strace $0x9FFFFFFF  }
0xc1: {  	(tm) =	ssettm $0x7FFFFFFF  }
tec
execute0_lowered:
.L_overlay_start_1:
0x0: {  	(tag) =	ssettag $0x1  }
0x1: {  	s4 =	rddreg [dreg:$0x0];
	s2 =	srdreg.scid  }
0x2: {  	s0 =	rddreg [dreg:$0x1];
	s1 =	stileid.u32;
	s9 =	simm.s32 $0x5  }
0x3: {  	s10 =	simm.s32 $0x6400;
	s11 =	simm.s32 $0x7400;
	s12 =	simm.s32 $0x100  }
0x4: {  	s13 =	simm.s32 $0x8400;
	s14 =	simm.s32 $0x180;
	s15 =	simm.s32 $0x9400  }
0x5: {  	s16 =	simm.s32 $0x1;
	s17 =	simm.s32 $0x2;
	s18 =	simm.s32 $0x3  }
0x6: {  	s19 =	simm.s32 $0x4;
	s20 =	simm.s32 $0xA400;
	s21 =	simm.s32 $0x0  }
0x7: {  	s3 =	sand.u32 $0x1, s2;
	s2 =	simm.s32 $0x0;
	s6 =	sshll.u32 s1, $0x7  }
0x8: {  	s5 =	sshll.u32 s3, $0xB;
	[smem:$0x7FF] =	sst s2;
	s7 =	ssub.s32 $0x2, s3  }
.Ltmp0:
0x9: {  	s3 =	sadd.s32 $0x1200, s4;
	s5 =	sor.u32 s6, s5;
	(pc) =	sbr.rel .LBB2_1-.Ltmp0, $4  }
0xa: {  	_ =	strace $0x8000004A;
	s8 =	sshrl.u32 s7, $0x1;
	s6 =	sshrl.u32 s5, $0x3  }
0xb: {  	s5 =	sshll.u32 s5, $0x3;
	s7 =	ssub.s32 s7, s8;
	s6 =	sadd.s32 s6, s4  }
0xc: {  	s8 =	simm.s32 $0x1000;
	s5 =	sadd.s32 s5, s4;
	s4 =	sadd.s32 $0x3D1C00, s6  }
0xd: {  	v0 =	vimm.f32 $0.0e+00;
	s5 =	sadd.s32 $0x3EAC00, s5;
	s6 =	smax.u32 s7, $0x1;
	s7 =	simm.s32 $0x80  }
.LBB2_14:
0xe: {  	s21 =	sadd.s32 $0x1, s21  }
0xf: {  	p0 =	sne.s32 s21, s6  }
.Ltmp1:
0x10: {  	_ = 	snop;
	(pc) =	sbr.rel @!p0 .LBB2_15-.Ltmp1, $4  }
0x11: {  	[hbm4b:s5+s2] =	stream.linear.scatter [tilespmem:s20], [sflag:$0x5], $0x2000, $0x38;
	[tilespmem:$0xC400] =	vst v63  }
0x12: {  	_ =	swait.ge [sflag:s9], $0x2000  }
0x13: {  	[sflag:s9] =	ssyncset.done $0x0  }
0x14: {  	[sflag:s9] =	ssyncadd.s32 $0xFFFFE000  }
.LBB2_1:
0x15: {  	[tilespmem:s2], [sflag:$0x5] =	stream.strided.gather [hbm4b:s4+s7], $0x6400, s8, s7, $0x38;
	[tilespmem:$0xC400] =	vst v63  }
0x16: {  	_ =	swait.ge [sflag:s9], $0x6400  }
0x17: {  	[sflag:s9] =	ssyncset.done $0x0  }
0x18: {  	s22 =	simm.s32 $0xA480;
	[sflag:s9] =	ssyncadd.s32 $0xFFFF9C00  }
0x19: {  	[tilespmem:s22+$0xFFFFFF80] =	vst v0  }
0x1a: {  	[tilespmem:s22+$0x70] =	vst v0  }
0x1b: {  	[tilespmem:s22+$0x60] =	vst v0  }
0x1c: {  	[tilespmem:s22+$0x50] =	vst v0  }
0x1d: {  	[tilespmem:s22+$0x40] =	vst v0  }
0x1e: {  	[tilespmem:s22+$0x30] =	vst v0  }
0x1f: {  	[tilespmem:s22+$0x20] =	vst v0  }
0x20: {  	[tilespmem:s22+$0x10] =	vst v0  }
0x21: {  	[tilespmem:s22+$0x0] =	vst v0  }
0x22: {  	[tilespmem:s22+$0xFFFFFFF0] =	vst v0  }
0x23: {  	[tilespmem:s22+$0xFFFFFFE0] =	vst v0  }
0x24: {  	[tilespmem:s22+$0xFFFFFFD0] =	vst v0  }
0x25: {  	[tilespmem:s22+$0xFFFFFFC0] =	vst v0  }
0x26: {  	[tilespmem:s22+$0xFFFFFFB0] =	vst v0  }
0x27: {  	s23 =	simm.s32 $0x0;
	[tilespmem:s22+$0xFFFFFFA0] =	vst v0  }
.LBB2_2:
0x28: {  	s23 =	sadd.s32 $0x4, s23;
	[tilespmem:s22+$0xFFFFFF90] =	vst v0;
	s22 =	sadd.s32 $0x100, s22  }
0x29: {  	[tilespmem:s22+$0xFFFFFF80] =	vst v0;
	p0 =	slt.u32 s23, $0x7C  }
0x2a: {  	[tilespmem:s22+$0x70] =	vst v0  }
0x2b: {  	[tilespmem:s22+$0x60] =	vst v0  }
0x2c: {  	[tilespmem:s22+$0x50] =	vst v0  }
0x2d: {  	[tilespmem:s22+$0x40] =	vst v0  }
0x2e: {  	[tilespmem:s22+$0x30] =	vst v0  }
0x2f: {  	[tilespmem:s22+$0x20] =	vst v0  }
0x30: {  	[tilespmem:s22+$0x10] =	vst v0  }
0x31: {  	[tilespmem:s22+$0x0] =	vst v0  }
0x32: {  	[tilespmem:s22+$0xFFFFFFF0] =	vst v0  }
.Ltmp2:
0x33: {  	[tilespmem:s22+$0xFFFFFFE0] =	vst v0;
	(pc) =	sbr.rel @p0 .LBB2_2-.Ltmp2, $4  }
0x34: {  	[tilespmem:s22+$0xFFFFFFD0] =	vst v0  }
0x35: {  	[tilespmem:s22+$0xFFFFFFC0] =	vst v0  }
0x36: {  	[tilespmem:s22+$0xFFFFFFB0] =	vst v0  }
0x37: {  	[tilespmem:s22+$0xFFFFFFA0] =	vst v0  }
0x38: {  	[tilespmem:s22+$0xFFFFFF90] =	vst v0;
	s22 =	simm.s32 $0x0  }
0x39: {  	[tilespmem:s10], [sflag:$0x1] =	stream.indirect.gather [hbm4b:s3+s7], $0x20, s22, s7, $0xb8;
	[tilespmem:$0xC400] =	vst v63  }
0x3a: {  	_ = 	snop  }
0x3b: {  	[tilespmem:s11], [sflag:$0x2] =	stream.indirect.gather [hbm4b:s3+s7], $0x20, s7, s7, $0xb8;
	[tilespmem:$0xC400] =	vst v63  }
0x3c: {  	_ = 	snop  }
0x3d: {  	[tilespmem:s13], [sflag:$0x3] =	stream.indirect.gather [hbm4b:s3+s7], $0x20, s12, s7, $0xb8;
	[tilespmem:$0xC400] =	vst v63  }
0x3e: {  	_ = 	snop  }
0x3f: {  	[tilespmem:s15], [sflag:$0x4] =	stream.indirect.gather [hbm4b:s3+s7], $0x20, s14, s7, $0xb8;
	[tilespmem:$0xC400] =	vst v63  }
.LBB2_4:
0x40: {  	_ =	swait.ge [sflag:s16], $0x1000  }
0x41: {  	[sflag:s16] =	ssyncset.done $0x0  }
0x42: {  	s24 =	simm.s32 $0x6480;
	[sflag:s16] =	ssyncadd.s32 $0xFFFFF000  }
0x43: {  	v1 =	vld [tilespmem:s24+$0x60]  }
0x44: {  	v2 =	vld [tilespmem:s24+$0xFFFFFFA0]  }
0x45: {  	v3 =	vld [tilespmem:s24+$0xFFFFFFC0]  }
0x46: {  	v4 =	vld [tilespmem:s24+$0xFFFFFFE0]  }
0x47: {  	v5 =	vld [tilespmem:s24+$0x0]  }
0x48: {  	v6 =	vld [tilespmem:s24+$0x20]  }
0x49: {  	v55 =	vld [tilespmem:s24+$0x40]  }
0x4a: {  	s23 =	simm.s32 $0xA5F0;
	v9 =	vld [tilespmem:s24+$0xFFFFFF80];
	v7 =	vand.u32 $0xFFFF0000, v1  }
0x4b: {  	v1 =	vshll.u32 v1, $0x10;
	[tilespmem:s23+$0xFFFFFFD0] =	vst.add.f32.msk $0xffff, v7  }
0x4c: {  	v8 =	vand.u32 $0xFFFF0000, v2;
	[tilespmem:s23+$0xFFFFFFE0] =	vst.add.f32.msk $0xffff, v1  }
0x4d: {  	v2 =	vshll.u32 v2, $0x10;
	[tilespmem:s23+$0xFFFFFE50] =	vst.add.f32.msk $0xffff, v8  }
0x4e: {  	v56 =	vand.u32 $0xFFFF0000, v3;
	[tilespmem:s23+$0xFFFFFE60] =	vst.add.f32.msk $0xffff, v2  }
0x4f: {  	v3 =	vshll.u32 v3, $0x10;
	[tilespmem:s23+$0xFFFFFE90] =	vst.add.f32.msk $0xffff, v56  }
0x50: {  	[tilespmem:s23+$0xFFFFFEA0] =	vst.add.f32.msk $0xffff, v3  }
0x51: {  	v3 =	vshll.u32 v9, $0x10;
	v1 =	vld [tilespmem:s24+$0x70]  }
0x52: {  	[tilespmem:s23+$0xFFFFFE20] =	vst.add.f32.msk $0xffff, v3  }
0x53: {  	v3 =	vshll.u32 v4, $0x10;
	v57 =	vld [tilespmem:s24+$0xFFFFFFD0]  }
0x54: {  	[tilespmem:s23+$0xFFFFFEE0] =	vst.add.f32.msk $0xffff, v3;
	v3 =	vshll.u32 v5, $0x10  }
0x55: {  	[tilespmem:s23+$0xFFFFFF20] =	vst.add.f32.msk $0xffff, v3;
	v3 =	vshll.u32 v6, $0x10  }
0x56: {  	[tilespmem:s23+$0xFFFFFF60] =	vst.add.f32.msk $0xffff, v3;
	v3 =	vshll.u32 v55, $0x10  }
0x57: {  	[tilespmem:s23+$0xFFFFFFA0] =	vst.add.f32.msk $0xffff, v3  }
0x58: {  	v3 =	vld [tilespmem:s24+$0xFFFFFFB0];
	v2 =	vshll.u32 v1, $0x10  }
0x59: {  	v1 =	vand.u32 $0xFFFF0000, v1;
	[tilespmem:s23+$0x0] =	vst.add.f32.msk $0xffff, v2  }
0x5a: {  	v2 =	vand.u32 $0xFFFF0000, v9;
	[tilespmem:s23+$0xFFFFFFF0] =	vst.add.f32.msk $0xffff, v1  }
0x5b: {  	[tilespmem:s23+$0xFFFFFE10] =	vst.add.f32.msk $0xffff, v2;
	v2 =	vand.u32 $0xFFFF0000, v4  }
0x5c: {  	[tilespmem:s23+$0xFFFFFED0] =	vst.add.f32.msk $0xffff, v2;
	v2 =	vand.u32 $0xFFFF0000, v5  }
0x5d: {  	[tilespmem:s23+$0xFFFFFF10] =	vst.add.f32.msk $0xffff, v2;
	v2 =	vand.u32 $0xFFFF0000, v6  }
0x5e: {  	[tilespmem:s23+$0xFFFFFF50] =	vst.add.f32.msk $0xffff, v2;
	v2 =	vand.u32 $0xFFFF0000, v55  }
0x5f: {  	[tilespmem:s23+$0xFFFFFF90] =	vst.add.f32.msk $0xffff, v2  }
0x60: {  	v2 =	vld [tilespmem:s24+$0xFFFFFF90]  }
0x61: {  	v58 =	vld [tilespmem:s24+$0xFFFFFFF0]  }
0x62: {  	v63 =	vand.u32 $0xFFFF0000, v3;
	v59 =	vld [tilespmem:s24+$0x10]  }
0x63: {  	[tilespmem:s23+$0xFFFFFE70] =	vst.add.f32.msk $0xffff, v63  }
0x64: {  	v60 =	vld [tilespmem:s24+$0x30]  }
0x65: {  	v62 =	vld [tilespmem:s24+$0x50];
	v61 =	vand.u32 $0xFFFF0000, v2  }
0x66: {  	v2 =	vshll.u32 v2, $0x10;
	[tilespmem:s23+$0xFFFFFE30] =	vst.add.f32.msk $0xffff, v61  }
0x67: {  	[tilespmem:s23+$0xFFFFFE40] =	vst.add.f32.msk $0xffff, v2;
	v2 =	vshll.u32 v3, $0x10  }
0x68: {  	v3 =	vand.u32 $0xFFFF0000, v57;
	[tilespmem:s23+$0xFFFFFE80] =	vst.add.f32.msk $0xffff, v2  }
0x69: {  	v2 =	vshll.u32 v57, $0x10;
	[tilespmem:s23+$0xFFFFFEB0] =	vst.add.f32.msk $0xffff, v3  }
0x6a: {  	v3 =	vand.u32 $0xFFFF0000, v58;
	[tilespmem:s23+$0xFFFFFEC0] =	vst.add.f32.msk $0xffff, v2  }
0x6b: {  	v2 =	vshll.u32 v58, $0x10;
	[tilespmem:s23+$0xFFFFFEF0] =	vst.add.f32.msk $0xffff, v3  }
0x6c: {  	v3 =	vand.u32 $0xFFFF0000, v59;
	[tilespmem:s23+$0xFFFFFF00] =	vst.add.f32.msk $0xffff, v2  }
0x6d: {  	v2 =	vshll.u32 v59, $0x10;
	[tilespmem:s23+$0xFFFFFF30] =	vst.add.f32.msk $0xffff, v3  }
0x6e: {  	v3 =	vand.u32 $0xFFFF0000, v60;
	[tilespmem:s23+$0xFFFFFF40] =	vst.add.f32.msk $0xffff, v2  }
0x6f: {  	v2 =	vshll.u32 v60, $0x10;
	[tilespmem:s23+$0xFFFFFF70] =	vst.add.f32.msk $0xffff, v3  }
0x70: {  	v3 =	vand.u32 $0xFFFF0000, v62;
	[tilespmem:s23+$0xFFFFFF80] =	vst.add.f32.msk $0xffff, v2  }
0x71: {  	v2 =	vshll.u32 v62, $0x10;
	[tilespmem:s23+$0xFFFFFFB0] =	vst.add.f32.msk $0xffff, v3  }
0x72: {  	s25 =	simm.s32 $0x6580;
	s24 =	simm.s32 $0x0;
	[tilespmem:s23+$0xFFFFFFC0] =	vst.add.f32.msk $0xffff, v2  }
.LBB2_5:
0x73: {  	v1 =	vld [tilespmem:s25+$0x60]  }
0x74: {  	s24 =	sadd.s32 $0x8, s24;
	v2 =	vld [tilespmem:s25+$0xFFFFFFA0]  }
0x75: {  	p0 =	slt.u32 s24, $0x78;
	v3 =	vld [tilespmem:s25+$0xFFFFFFC0]  }
0x76: {  	v4 =	vld [tilespmem:s25+$0xFFFFFFE0]  }
0x77: {  	v5 =	vld [tilespmem:s25+$0x0]  }
0x78: {  	s23 =	sadd.s32 $0x200, s23;
	v6 =	vld [tilespmem:s25+$0x20];
	v7 =	vand.u32 $0xFFFF0000, v1  }
0x79: {  	v1 =	vshll.u32 v1, $0x10;
	v8 =	vand.u32 $0xFFFF0000, v2;
	v2 =	vshll.u32 v2, $0x10;
	[tilespmem:s23+$0xFFFFFFD0] =	vst.add.f32.msk $0xffff, v7  }
0x7a: {  	v7 =	vand.u32 $0xFFFF0000, v3;
	v3 =	vshll.u32 v3, $0x10;
	[tilespmem:s23+$0xFFFFFFE0] =	vst.add.f32.msk $0xffff, v1  }
0x7b: {  	v1 =	vand.u32 $0xFFFF0000, v4;
	v4 =	vshll.u32 v4, $0x10;
	v9 =	vld [tilespmem:s25+$0x70]  }
0x7c: {  	v10 =	vand.u32 $0xFFFF0000, v5;
	v5 =	vshll.u32 v5, $0x10;
	v11 =	vld [tilespmem:s25+$0x40]  }
0x7d: {  	v12 =	vld [tilespmem:s25+$0xFFFFFF80];
	v13 =	vand.u32 $0xFFFF0000, v6;
	v6 =	vshll.u32 v6, $0x10  }
0x7e: {  	[tilespmem:s23+$0xFFFFFE50] =	vst.add.f32.msk $0xffff, v8  }
0x7f: {  	[tilespmem:s23+$0xFFFFFE60] =	vst.add.f32.msk $0xffff, v2  }
0x80: {  	[tilespmem:s23+$0xFFFFFE90] =	vst.add.f32.msk $0xffff, v7;
	v2 =	vand.u32 $0xFFFF0000, v9;
	v7 =	vshll.u32 v9, $0x10  }
0x81: {  	v8 =	vand.u32 $0xFFFF0000, v11;
	v9 =	vshll.u32 v11, $0x10;
	[tilespmem:s23+$0x0] =	vst.add.f32.msk $0xffff, v7  }
0x82: {  	v7 =	vand.u32 $0xFFFF0000, v12;
	v11 =	vshll.u32 v12, $0x10;
	[tilespmem:s23+$0xFFFFFEA0] =	vst.add.f32.msk $0xffff, v3  }
0x83: {  	[tilespmem:s23+$0xFFFFFE10] =	vst.add.f32.msk $0xffff, v7  }
0x84: {  	[tilespmem:s23+$0xFFFFFE20] =	vst.add.f32.msk $0xffff, v11  }
0x85: {  	[tilespmem:s23+$0xFFFFFED0] =	vst.add.f32.msk $0xffff, v1  }
0x86: {  	[tilespmem:s23+$0xFFFFFEE0] =	vst.add.f32.msk $0xffff, v4  }
0x87: {  	[tilespmem:s23+$0xFFFFFF10] =	vst.add.f32.msk $0xffff, v10  }
0x88: {  	[tilespmem:s23+$0xFFFFFF20] =	vst.add.f32.msk $0xffff, v5  }
0x89: {  	[tilespmem:s23+$0xFFFFFF50] =	vst.add.f32.msk $0xffff, v13  }
0x8a: {  	[tilespmem:s23+$0xFFFFFF60] =	vst.add.f32.msk $0xffff, v6  }
0x8b: {  	[tilespmem:s23+$0xFFFFFF90] =	vst.add.f32.msk $0xffff, v8  }
0x8c: {  	[tilespmem:s23+$0xFFFFFFA0] =	vst.add.f32.msk $0xffff, v9  }
0x8d: {  	v1 =	vld [tilespmem:s25+$0xFFFFFF90]  }
0x8e: {  	v3 =	vld [tilespmem:s25+$0xFFFFFFB0]  }
0x8f: {  	v4 =	vld [tilespmem:s25+$0xFFFFFFD0]  }
0x90: {  	v5 =	vld [tilespmem:s25+$0xFFFFFFF0]  }
0x91: {  	v6 =	vld [tilespmem:s25+$0x10]  }
0x92: {  	v7 =	vand.u32 $0xFFFF0000, v1;
	v1 =	vshll.u32 v1, $0x10;
	v8 =	vld [tilespmem:s25+$0x30]  }
0x93: {  	v9 =	vand.u32 $0xFFFF0000, v3;
	v3 =	vshll.u32 v3, $0x10;
	v10 =	vld [tilespmem:s25+$0x50]  }
0x94: {  	[tilespmem:s23+$0xFFFFFE30] =	vst.add.f32.msk $0xffff, v7;
	v7 =	vand.u32 $0xFFFF0000, v4;
	v4 =	vshll.u32 v4, $0x10  }
0x95: {  	[tilespmem:s23+$0xFFFFFE40] =	vst.add.f32.msk $0xffff, v1;
	v1 =	vand.u32 $0xFFFF0000, v5;
	v5 =	vshll.u32 v5, $0x10  }
0x96: {  	[tilespmem:s23+$0xFFFFFE70] =	vst.add.f32.msk $0xffff, v9;
	v9 =	vand.u32 $0xFFFF0000, v6;
	v6 =	vshll.u32 v6, $0x10  }
0x97: {  	[tilespmem:s23+$0xFFFFFE80] =	vst.add.f32.msk $0xffff, v3;
	v3 =	vand.u32 $0xFFFF0000, v8;
	v8 =	vshll.u32 v8, $0x10  }
0x98: {  	[tilespmem:s23+$0xFFFFFEB0] =	vst.add.f32.msk $0xffff, v7;
	v7 =	vand.u32 $0xFFFF0000, v10;
	v10 =	vshll.u32 v10, $0x10  }
0x99: {  	[tilespmem:s23+$0xFFFFFEC0] =	vst.add.f32.msk $0xffff, v4  }
0x9a: {  	[tilespmem:s23+$0xFFFFFEF0] =	vst.add.f32.msk $0xffff, v1  }
0x9b: {  	[tilespmem:s23+$0xFFFFFF00] =	vst.add.f32.msk $0xffff, v5  }
0x9c: {  	[tilespmem:s23+$0xFFFFFF30] =	vst.add.f32.msk $0xffff, v9  }
0x9d: {  	[tilespmem:s23+$0xFFFFFF40] =	vst.add.f32.msk $0xffff, v6  }
.Ltmp3:
0x9e: {  	[tilespmem:s23+$0xFFFFFF70] =	vst.add.f32.msk $0xffff, v3;
	(pc) =	sbr.rel @p0 .LBB2_5-.Ltmp3, $4  }
0x9f: {  	[tilespmem:s23+$0xFFFFFF80] =	vst.add.f32.msk $0xffff, v8  }
0xa0: {  	[tilespmem:s23+$0xFFFFFFB0] =	vst.add.f32.msk $0xffff, v7  }
0xa1: {  	[tilespmem:s23+$0xFFFFFFC0] =	vst.add.f32.msk $0xffff, v10  }
0xa2: {  	s25 =	sadd.s32 $0x100, s25;
	[tilespmem:s23+$0xFFFFFFF0] =	vst.add.f32.msk $0xffff, v2  }
0xa3: {  	s23 =	sshll.u32 s22, $0xB;
	p0 =	seq.s32 s22, $0x31  }
0xa4: {  	s24 =	sshrl.u32 @!p0 s23, $0x2  }
0xa5: {  	s26 =	simm.s32 @!p0 $0x80;
	s28 =	simm.s32 @!p0 $0x6400;
	s25 =	sadd.s32 @!p0 $0x200, s24  }
0xa6: {  	[tilespmem:s28], [sflag:$0x1] =	stream.indirect.gather @!p0 [hbm4b:s3+s26], $0x20, s25, s26, $0xb8;
	[tilespmem:$0xC400] =	vst v63  }
0xa7: {  	_ =	swait.ge [sflag:s17], $0x1000  }
0xa8: {  	[sflag:s17] =	ssyncset.done $0x0  }
0xa9: {  	s31 =	simm.s32 $0x7480;
	[sflag:s17] =	ssyncadd.s32 $0xFFFFF000  }
0xaa: {  	v1 =	vld [tilespmem:s31+$0x60]  }
0xab: {  	v2 =	vld [tilespmem:s31+$0xFFFFFFA0]  }
0xac: {  	v3 =	vld [tilespmem:s31+$0xFFFFFFC0]  }
0xad: {  	v4 =	vld [tilespmem:s31+$0xFFFFFFE0]  }
0xae: {  	v5 =	vld [tilespmem:s31+$0x0]  }
0xaf: {  	v6 =	vld [tilespmem:s31+$0x20]  }
0xb0: {  	v55 =	vld [tilespmem:s31+$0x40]  }
0xb1: {  	s25 =	simm.s32 $0xA5F0;
	v9 =	vld [tilespmem:s31+$0xFFFFFF80];
	v7 =	vand.u32 $0xFFFF0000, v1  }
0xb2: {  	v1 =	vshll.u32 v1, $0x10;
	[tilespmem:s25+$0xFFFFFFD0] =	vst.add.f32.msk $0xffff, v7  }
0xb3: {  	v8 =	vand.u32 $0xFFFF0000, v2;
	[tilespmem:s25+$0xFFFFFFE0] =	vst.add.f32.msk $0xffff, v1  }
0xb4: {  	v2 =	vshll.u32 v2, $0x10;
	[tilespmem:s25+$0xFFFFFE50] =	vst.add.f32.msk $0xffff, v8  }
0xb5: {  	v56 =	vand.u32 $0xFFFF0000, v3;
	[tilespmem:s25+$0xFFFFFE60] =	vst.add.f32.msk $0xffff, v2  }
0xb6: {  	v3 =	vshll.u32 v3, $0x10;
	[tilespmem:s25+$0xFFFFFE90] =	vst.add.f32.msk $0xffff, v56  }
0xb7: {  	[tilespmem:s25+$0xFFFFFEA0] =	vst.add.f32.msk $0xffff, v3  }
0xb8: {  	v3 =	vshll.u32 v9, $0x10;
	v1 =	vld [tilespmem:s31+$0x70]  }
0xb9: {  	[tilespmem:s25+$0xFFFFFE20] =	vst.add.f32.msk $0xffff, v3  }
0xba: {  	v3 =	vshll.u32 v4, $0x10;
	v57 =	vld [tilespmem:s31+$0xFFFFFFD0]  }
0xbb: {  	[tilespmem:s25+$0xFFFFFEE0] =	vst.add.f32.msk $0xffff, v3;
	v3 =	vshll.u32 v5, $0x10  }
0xbc: {  	[tilespmem:s25+$0xFFFFFF20] =	vst.add.f32.msk $0xffff, v3;
	v3 =	vshll.u32 v6, $0x10  }
0xbd: {  	[tilespmem:s25+$0xFFFFFF60] =	vst.add.f32.msk $0xffff, v3;
	v3 =	vshll.u32 v55, $0x10  }
0xbe: {  	[tilespmem:s25+$0xFFFFFFA0] =	vst.add.f32.msk $0xffff, v3  }
0xbf: {  	v3 =	vld [tilespmem:s31+$0xFFFFFFB0];
	v2 =	vshll.u32 v1, $0x10  }
0xc0: {  	v1 =	vand.u32 $0xFFFF0000, v1;
	[tilespmem:s25+$0x0] =	vst.add.f32.msk $0xffff, v2  }
0xc1: {  	v2 =	vand.u32 $0xFFFF0000, v9;
	[tilespmem:s25+$0xFFFFFFF0] =	vst.add.f32.msk $0xffff, v1  }
0xc2: {  	[tilespmem:s25+$0xFFFFFE10] =	vst.add.f32.msk $0xffff, v2;
	v2 =	vand.u32 $0xFFFF0000, v4  }
0xc3: {  	[tilespmem:s25+$0xFFFFFED0] =	vst.add.f32.msk $0xffff, v2;
	v2 =	vand.u32 $0xFFFF0000, v5  }
0xc4: {  	[tilespmem:s25+$0xFFFFFF10] =	vst.add.f32.msk $0xffff, v2;
	v2 =	vand.u32 $0xFFFF0000, v6  }
0xc5: {  	[tilespmem:s25+$0xFFFFFF50] =	vst.add.f32.msk $0xffff, v2;
	v2 =	vand.u32 $0xFFFF0000, v55  }
0xc6: {  	[tilespmem:s25+$0xFFFFFF90] =	vst.add.f32.msk $0xffff, v2  }
0xc7: {  	v2 =	vld [tilespmem:s31+$0xFFFFFF90]  }
0xc8: {  	v58 =	vld [tilespmem:s31+$0xFFFFFFF0]  }
0xc9: {  	v63 =	vand.u32 $0xFFFF0000, v3;
	v59 =	vld [tilespmem:s31+$0x10]  }
0xca: {  	[tilespmem:s25+$0xFFFFFE70] =	vst.add.f32.msk $0xffff, v63  }
0xcb: {  	v60 =	vld [tilespmem:s31+$0x30]  }
0xcc: {  	v62 =	vld [tilespmem:s31+$0x50];
	v61 =	vand.u32 $0xFFFF0000, v2  }
0xcd: {  	v2 =	vshll.u32 v2, $0x10;
	[tilespmem:s25+$0xFFFFFE30] =	vst.add.f32.msk $0xffff, v61  }
0xce: {  	[tilespmem:s25+$0xFFFFFE40] =	vst.add.f32.msk $0xffff, v2;
	v2 =	vshll.u32 v3, $0x10  }
0xcf: {  	v3 =	vand.u32 $0xFFFF0000, v57;
	[tilespmem:s25+$0xFFFFFE80] =	vst.add.f32.msk $0xffff, v2  }
0xd0: {  	v2 =	vshll.u32 v57, $0x10;
	[tilespmem:s25+$0xFFFFFEB0] =	vst.add.f32.msk $0xffff, v3  }
0xd1: {  	v3 =	vand.u32 $0xFFFF0000, v58;
	[tilespmem:s25+$0xFFFFFEC0] =	vst.add.f32.msk $0xffff, v2  }
0xd2: {  	v2 =	vshll.u32 v58, $0x10;
	[tilespmem:s25+$0xFFFFFEF0] =	vst.add.f32.msk $0xffff, v3  }
0xd3: {  	v3 =	vand.u32 $0xFFFF0000, v59;
	[tilespmem:s25+$0xFFFFFF00] =	vst.add.f32.msk $0xffff, v2  }
0xd4: {  	v2 =	vshll.u32 v59, $0x10;
	[tilespmem:s25+$0xFFFFFF30] =	vst.add.f32.msk $0xffff, v3  }
0xd5: {  	v3 =	vand.u32 $0xFFFF0000, v60;
	[tilespmem:s25+$0xFFFFFF40] =	vst.add.f32.msk $0xffff, v2  }
0xd6: {  	v2 =	vshll.u32 v60, $0x10;
	[tilespmem:s25+$0xFFFFFF70] =	vst.add.f32.msk $0xffff, v3  }
0xd7: {  	v3 =	vand.u32 $0xFFFF0000, v62;
	[tilespmem:s25+$0xFFFFFF80] =	vst.add.f32.msk $0xffff, v2  }
0xd8: {  	v2 =	vshll.u32 v62, $0x10;
	[tilespmem:s25+$0xFFFFFFB0] =	vst.add.f32.msk $0xffff, v3  }
0xd9: {  	s26 =	simm.s32 $0x0;
	s28 =	simm.s32 $0x7580;
	[tilespmem:s25+$0xFFFFFFC0] =	vst.add.f32.msk $0xffff, v2  }
.LBB2_7:
0xda: {  	v1 =	vld [tilespmem:s28+$0x60]  }
0xdb: {  	s26 =	sadd.s32 $0x8, s26;
	v2 =	vld [tilespmem:s28+$0xFFFFFFA0]  }
0xdc: {  	p1 =	slt.u32 s26, $0x78;
	v3 =	vld [tilespmem:s28+$0xFFFFFFC0]  }
0xdd: {  	v4 =	vld [tilespmem:s28+$0xFFFFFFE0]  }
0xde: {  	v5 =	vld [tilespmem:s28+$0x0]  }
0xdf: {  	s25 =	sadd.s32 $0x200, s25;
	v6 =	vld [tilespmem:s28+$0x20];
	v7 =	vand.u32 $0xFFFF0000, v1  }
0xe0: {  	v1 =	vshll.u32 v1, $0x10;
	v8 =	vand.u32 $0xFFFF0000, v2;
	v2 =	vshll.u32 v2, $0x10;
	[tilespmem:s25+$0xFFFFFFD0] =	vst.add.f32.msk $0xffff, v7  }
0xe1: {  	v7 =	vand.u32 $0xFFFF0000, v3;
	v3 =	vshll.u32 v3, $0x10;
	[tilespmem:s25+$0xFFFFFFE0] =	vst.add.f32.msk $0xffff, v1  }
0xe2: {  	v1 =	vand.u32 $0xFFFF0000, v4;
	v4 =	vshll.u32 v4, $0x10;
	v9 =	vld [tilespmem:s28+$0x70]  }
0xe3: {  	v10 =	vand.u32 $0xFFFF0000, v5;
	v5 =	vshll.u32 v5, $0x10;
	v11 =	vld [tilespmem:s28+$0x40]  }
0xe4: {  	v12 =	vld [tilespmem:s28+$0xFFFFFF80];
	v13 =	vand.u32 $0xFFFF0000, v6;
	v6 =	vshll.u32 v6, $0x10  }
0xe5: {  	[tilespmem:s25+$0xFFFFFE50] =	vst.add.f32.msk $0xffff, v8  }
0xe6: {  	[tilespmem:s25+$0xFFFFFE60] =	vst.add.f32.msk $0xffff, v2  }
0xe7: {  	[tilespmem:s25+$0xFFFFFE90] =	vst.add.f32.msk $0xffff, v7;
	v2 =	vand.u32 $0xFFFF0000, v9;
	v7 =	vshll.u32 v9, $0x10  }
0xe8: {  	v8 =	vand.u32 $0xFFFF0000, v11;
	v9 =	vshll.u32 v11, $0x10;
	[tilespmem:s25+$0x0] =	vst.add.f32.msk $0xffff, v7  }
0xe9: {  	v7 =	vand.u32 $0xFFFF0000, v12;
	v11 =	vshll.u32 v12, $0x10;
	[tilespmem:s25+$0xFFFFFEA0] =	vst.add.f32.msk $0xffff, v3  }
0xea: {  	[tilespmem:s25+$0xFFFFFE10] =	vst.add.f32.msk $0xffff, v7  }
0xeb: {  	[tilespmem:s25+$0xFFFFFE20] =	vst.add.f32.msk $0xffff, v11  }
0xec: {  	[tilespmem:s25+$0xFFFFFED0] =	vst.add.f32.msk $0xffff, v1  }
0xed: {  	[tilespmem:s25+$0xFFFFFEE0] =	vst.add.f32.msk $0xffff, v4  }
0xee: {  	[tilespmem:s25+$0xFFFFFF10] =	vst.add.f32.msk $0xffff, v10  }
0xef: {  	[tilespmem:s25+$0xFFFFFF20] =	vst.add.f32.msk $0xffff, v5  }
0xf0: {  	[tilespmem:s25+$0xFFFFFF50] =	vst.add.f32.msk $0xffff, v13  }
0xf1: {  	[tilespmem:s25+$0xFFFFFF60] =	vst.add.f32.msk $0xffff, v6  }
0xf2: {  	[tilespmem:s25+$0xFFFFFF90] =	vst.add.f32.msk $0xffff, v8  }
0xf3: {  	[tilespmem:s25+$0xFFFFFFA0] =	vst.add.f32.msk $0xffff, v9  }
0xf4: {  	v1 =	vld [tilespmem:s28+$0xFFFFFF90]  }
0xf5: {  	v3 =	vld [tilespmem:s28+$0xFFFFFFB0]  }
0xf6: {  	v4 =	vld [tilespmem:s28+$0xFFFFFFD0]  }
0xf7: {  	v5 =	vld [tilespmem:s28+$0xFFFFFFF0]  }
0xf8: {  	v6 =	vld [tilespmem:s28+$0x10]  }
0xf9: {  	v7 =	vand.u32 $0xFFFF0000, v1;
	v1 =	vshll.u32 v1, $0x10;
	v8 =	vld [tilespmem:s28+$0x30]  }
0xfa: {  	v9 =	vand.u32 $0xFFFF0000, v3;
	v3 =	vshll.u32 v3, $0x10;
	v10 =	vld [tilespmem:s28+$0x50]  }
0xfb: {  	[tilespmem:s25+$0xFFFFFE30] =	vst.add.f32.msk $0xffff, v7;
	v7 =	vand.u32 $0xFFFF0000, v4;
	v4 =	vshll.u32 v4, $0x10  }
0xfc: {  	[tilespmem:s25+$0xFFFFFE40] =	vst.add.f32.msk $0xffff, v1;
	v1 =	vand.u32 $0xFFFF0000, v5;
	v5 =	vshll.u32 v5, $0x10  }
0xfd: {  	[tilespmem:s25+$0xFFFFFE70] =	vst.add.f32.msk $0xffff, v9;
	v9 =	vand.u32 $0xFFFF0000, v6;
	v6 =	vshll.u32 v6, $0x10  }
0xfe: {  	[tilespmem:s25+$0xFFFFFE80] =	vst.add.f32.msk $0xffff, v3;
	v3 =	vand.u32 $0xFFFF0000, v8;
	v8 =	vshll.u32 v8, $0x10  }
0xff: {  	[tilespmem:s25+$0xFFFFFEB0] =	vst.add.f32.msk $0xffff, v7;
	v7 =	vand.u32 $0xFFFF0000, v10;
	v10 =	vshll.u32 v10, $0x10  }
0x100: {  	[tilespmem:s25+$0xFFFFFEC0] =	vst.add.f32.msk $0xffff, v4  }
0x101: {  	[tilespmem:s25+$0xFFFFFEF0] =	vst.add.f32.msk $0xffff, v1  }
0x102: {  	[tilespmem:s25+$0xFFFFFF00] =	vst.add.f32.msk $0xffff, v5  }
0x103: {  	[tilespmem:s25+$0xFFFFFF30] =	vst.add.f32.msk $0xffff, v9  }
0x104: {  	[tilespmem:s25+$0xFFFFFF40] =	vst.add.f32.msk $0xffff, v6  }
.Ltmp4:
0x105: {  	[tilespmem:s25+$0xFFFFFF70] =	vst.add.f32.msk $0xffff, v3;
	(pc) =	sbr.rel @p1 .LBB2_7-.Ltmp4, $4  }
0x106: {  	[tilespmem:s25+$0xFFFFFF80] =	vst.add.f32.msk $0xffff, v8  }
0x107: {  	[tilespmem:s25+$0xFFFFFFB0] =	vst.add.f32.msk $0xffff, v7  }
0x108: {  	[tilespmem:s25+$0xFFFFFFC0] =	vst.add.f32.msk $0xffff, v10  }
0x109: {  	s28 =	sadd.s32 $0x100, s28;
	[tilespmem:s25+$0xFFFFFFF0] =	vst.add.f32.msk $0xffff, v2  }
0x10a: {  	s25 =	sadd.s32 @!p0 $0x280, s24;
	s26 =	simm.s32 @!p0 $0x80;
	s28 =	simm.s32 @!p0 $0x7400  }
0x10b: {  	[tilespmem:s28], [sflag:$0x2] =	stream.indirect.gather @!p0 [hbm4b:s3+s26], $0x20, s25, s26, $0xb8;
	[tilespmem:$0xC400] =	vst v63  }
0x10c: {  	_ =	swait.ge [sflag:s18], $0x1000  }
0x10d: {  	[sflag:s18] =	ssyncset.done $0x0  }
0x10e: {  	s31 =	simm.s32 $0x8480;
	[sflag:s18] =	ssyncadd.s32 $0xFFFFF000  }
0x10f: {  	v1 =	vld [tilespmem:s31+$0x60]  }
0x110: {  	v2 =	vld [tilespmem:s31+$0xFFFFFFA0]  }
0x111: {  	v3 =	vld [tilespmem:s31+$0xFFFFFFC0]  }
0x112: {  	v4 =	vld [tilespmem:s31+$0xFFFFFFE0]  }
0x113: {  	v5 =	vld [tilespmem:s31+$0x0]  }
0x114: {  	v6 =	vld [tilespmem:s31+$0x20]  }
0x115: {  	v55 =	vld [tilespmem:s31+$0x40]  }
0x116: {  	s25 =	simm.s32 $0xA5F0;
	v9 =	vld [tilespmem:s31+$0xFFFFFF80];
	v7 =	vand.u32 $0xFFFF0000, v1  }
0x117: {  	v1 =	vshll.u32 v1, $0x10;
	[tilespmem:s25+$0xFFFFFFD0] =	vst.add.f32.msk $0xffff, v7  }
0x118: {  	v8 =	vand.u32 $0xFFFF0000, v2;
	[tilespmem:s25+$0xFFFFFFE0] =	vst.add.f32.msk $0xffff, v1  }
0x119: {  	v2 =	vshll.u32 v2, $0x10;
	[tilespmem:s25+$0xFFFFFE50] =	vst.add.f32.msk $0xffff, v8  }
0x11a: {  	v56 =	vand.u32 $0xFFFF0000, v3;
	[tilespmem:s25+$0xFFFFFE60] =	vst.add.f32.msk $0xffff, v2  }
0x11b: {  	v3 =	vshll.u32 v3, $0x10;
	[tilespmem:s25+$0xFFFFFE90] =	vst.add.f32.msk $0xffff, v56  }
0x11c: {  	[tilespmem:s25+$0xFFFFFEA0] =	vst.add.f32.msk $0xffff, v3  }
0x11d: {  	v3 =	vshll.u32 v9, $0x10;
	v1 =	vld [tilespmem:s31+$0x70]  }
0x11e: {  	[tilespmem:s25+$0xFFFFFE20] =	vst.add.f32.msk $0xffff, v3  }
0x11f: {  	v3 =	vshll.u32 v4, $0x10;
	v57 =	vld [tilespmem:s31+$0xFFFFFFD0]  }
0x120: {  	[tilespmem:s25+$0xFFFFFEE0] =	vst.add.f32.msk $0xffff, v3;
	v3 =	vshll.u32 v5, $0x10  }
0x121: {  	[tilespmem:s25+$0xFFFFFF20] =	vst.add.f32.msk $0xffff, v3;
	v3 =	vshll.u32 v6, $0x10  }
0x122: {  	[tilespmem:s25+$0xFFFFFF60] =	vst.add.f32.msk $0xffff, v3;
	v3 =	vshll.u32 v55, $0x10  }
0x123: {  	[tilespmem:s25+$0xFFFFFFA0] =	vst.add.f32.msk $0xffff, v3  }
0x124: {  	v3 =	vld [tilespmem:s31+$0xFFFFFFB0];
	v2 =	vshll.u32 v1, $0x10  }
0x125: {  	v1 =	vand.u32 $0xFFFF0000, v1;
	[tilespmem:s25+$0x0] =	vst.add.f32.msk $0xffff, v2  }
0x126: {  	v2 =	vand.u32 $0xFFFF0000, v9;
	[tilespmem:s25+$0xFFFFFFF0] =	vst.add.f32.msk $0xffff, v1  }
0x127: {  	[tilespmem:s25+$0xFFFFFE10] =	vst.add.f32.msk $0xffff, v2;
	v2 =	vand.u32 $0xFFFF0000, v4  }
0x128: {  	[tilespmem:s25+$0xFFFFFED0] =	vst.add.f32.msk $0xffff, v2;
	v2 =	vand.u32 $0xFFFF0000, v5  }
0x129: {  	[tilespmem:s25+$0xFFFFFF10] =	vst.add.f32.msk $0xffff, v2;
	v2 =	vand.u32 $0xFFFF0000, v6  }
0x12a: {  	[tilespmem:s25+$0xFFFFFF50] =	vst.add.f32.msk $0xffff, v2;
	v2 =	vand.u32 $0xFFFF0000, v55  }
0x12b: {  	[tilespmem:s25+$0xFFFFFF90] =	vst.add.f32.msk $0xffff, v2  }
0x12c: {  	v2 =	vld [tilespmem:s31+$0xFFFFFF90]  }
0x12d: {  	v58 =	vld [tilespmem:s31+$0xFFFFFFF0]  }
0x12e: {  	v63 =	vand.u32 $0xFFFF0000, v3;
	v59 =	vld [tilespmem:s31+$0x10]  }
0x12f: {  	[tilespmem:s25+$0xFFFFFE70] =	vst.add.f32.msk $0xffff, v63  }
0x130: {  	v60 =	vld [tilespmem:s31+$0x30]  }
0x131: {  	v62 =	vld [tilespmem:s31+$0x50];
	v61 =	vand.u32 $0xFFFF0000, v2  }
0x132: {  	v2 =	vshll.u32 v2, $0x10;
	[tilespmem:s25+$0xFFFFFE30] =	vst.add.f32.msk $0xffff, v61  }
0x133: {  	[tilespmem:s25+$0xFFFFFE40] =	vst.add.f32.msk $0xffff, v2;
	v2 =	vshll.u32 v3, $0x10  }
0x134: {  	v3 =	vand.u32 $0xFFFF0000, v57;
	[tilespmem:s25+$0xFFFFFE80] =	vst.add.f32.msk $0xffff, v2  }
0x135: {  	v2 =	vshll.u32 v57, $0x10;
	[tilespmem:s25+$0xFFFFFEB0] =	vst.add.f32.msk $0xffff, v3  }
0x136: {  	v3 =	vand.u32 $0xFFFF0000, v58;
	[tilespmem:s25+$0xFFFFFEC0] =	vst.add.f32.msk $0xffff, v2  }
0x137: {  	v2 =	vshll.u32 v58, $0x10;
	[tilespmem:s25+$0xFFFFFEF0] =	vst.add.f32.msk $0xffff, v3  }
0x138: {  	v3 =	vand.u32 $0xFFFF0000, v59;
	[tilespmem:s25+$0xFFFFFF00] =	vst.add.f32.msk $0xffff, v2  }
0x139: {  	v2 =	vshll.u32 v59, $0x10;
	[tilespmem:s25+$0xFFFFFF30] =	vst.add.f32.msk $0xffff, v3  }
0x13a: {  	v3 =	vand.u32 $0xFFFF0000, v60;
	[tilespmem:s25+$0xFFFFFF40] =	vst.add.f32.msk $0xffff, v2  }
0x13b: {  	v2 =	vshll.u32 v60, $0x10;
	[tilespmem:s25+$0xFFFFFF70] =	vst.add.f32.msk $0xffff, v3  }
0x13c: {  	v3 =	vand.u32 $0xFFFF0000, v62;
	[tilespmem:s25+$0xFFFFFF80] =	vst.add.f32.msk $0xffff, v2  }
0x13d: {  	v2 =	vshll.u32 v62, $0x10;
	[tilespmem:s25+$0xFFFFFFB0] =	vst.add.f32.msk $0xffff, v3  }
0x13e: {  	s26 =	simm.s32 $0x0;
	s28 =	simm.s32 $0x8580;
	[tilespmem:s25+$0xFFFFFFC0] =	vst.add.f32.msk $0xffff, v2  }
.LBB2_9:
0x13f: {  	v1 =	vld [tilespmem:s28+$0x60]  }
0x140: {  	s26 =	sadd.s32 $0x8, s26;
	v2 =	vld [tilespmem:s28+$0xFFFFFFA0]  }
0x141: {  	p1 =	slt.u32 s26, $0x78;
	v3 =	vld [tilespmem:s28+$0xFFFFFFC0]  }
0x142: {  	v4 =	vld [tilespmem:s28+$0xFFFFFFE0]  }
0x143: {  	v5 =	vld [tilespmem:s28+$0x0]  }
0x144: {  	s25 =	sadd.s32 $0x200, s25;
	v6 =	vld [tilespmem:s28+$0x20];
	v7 =	vand.u32 $0xFFFF0000, v1  }
0x145: {  	v1 =	vshll.u32 v1, $0x10;
	v8 =	vand.u32 $0xFFFF0000, v2;
	v2 =	vshll.u32 v2, $0x10;
	[tilespmem:s25+$0xFFFFFFD0] =	vst.add.f32.msk $0xffff, v7  }
0x146: {  	v7 =	vand.u32 $0xFFFF0000, v3;
	v3 =	vshll.u32 v3, $0x10;
	[tilespmem:s25+$0xFFFFFFE0] =	vst.add.f32.msk $0xffff, v1  }
0x147: {  	v1 =	vand.u32 $0xFFFF0000, v4;
	v4 =	vshll.u32 v4, $0x10;
	v9 =	vld [tilespmem:s28+$0x70]  }
0x148: {  	v10 =	vand.u32 $0xFFFF0000, v5;
	v5 =	vshll.u32 v5, $0x10;
	v11 =	vld [tilespmem:s28+$0x40]  }
0x149: {  	v12 =	vld [tilespmem:s28+$0xFFFFFF80];
	v13 =	vand.u32 $0xFFFF0000, v6;
	v6 =	vshll.u32 v6, $0x10  }
0x14a: {  	[tilespmem:s25+$0xFFFFFE50] =	vst.add.f32.msk $0xffff, v8  }
0x14b: {  	[tilespmem:s25+$0xFFFFFE60] =	vst.add.f32.msk $0xffff, v2  }
0x14c: {  	[tilespmem:s25+$0xFFFFFE90] =	vst.add.f32.msk $0xffff, v7;
	v2 =	vand.u32 $0xFFFF0000, v9;
	v7 =	vshll.u32 v9, $0x10  }
0x14d: {  	v8 =	vand.u32 $0xFFFF0000, v11;
	v9 =	vshll.u32 v11, $0x10;
	[tilespmem:s25+$0x0] =	vst.add.f32.msk $0xffff, v7  }
0x14e: {  	v7 =	vand.u32 $0xFFFF0000, v12;
	v11 =	vshll.u32 v12, $0x10;
	[tilespmem:s25+$0xFFFFFEA0] =	vst.add.f32.msk $0xffff, v3  }
0x14f: {  	[tilespmem:s25+$0xFFFFFE10] =	vst.add.f32.msk $0xffff, v7  }
0x150: {  	[tilespmem:s25+$0xFFFFFE20] =	vst.add.f32.msk $0xffff, v11  }
0x151: {  	[tilespmem:s25+$0xFFFFFED0] =	vst.add.f32.msk $0xffff, v1  }
0x152: {  	[tilespmem:s25+$0xFFFFFEE0] =	vst.add.f32.msk $0xffff, v4  }
0x153: {  	[tilespmem:s25+$0xFFFFFF10] =	vst.add.f32.msk $0xffff, v10  }
0x154: {  	[tilespmem:s25+$0xFFFFFF20] =	vst.add.f32.msk $0xffff, v5  }
0x155: {  	[tilespmem:s25+$0xFFFFFF50] =	vst.add.f32.msk $0xffff, v13  }
0x156: {  	[tilespmem:s25+$0xFFFFFF60] =	vst.add.f32.msk $0xffff, v6  }
0x157: {  	[tilespmem:s25+$0xFFFFFF90] =	vst.add.f32.msk $0xffff, v8  }
0x158: {  	[tilespmem:s25+$0xFFFFFFA0] =	vst.add.f32.msk $0xffff, v9  }
0x159: {  	v1 =	vld [tilespmem:s28+$0xFFFFFF90]  }
0x15a: {  	v3 =	vld [tilespmem:s28+$0xFFFFFFB0]  }
0x15b: {  	v4 =	vld [tilespmem:s28+$0xFFFFFFD0]  }
0x15c: {  	v5 =	vld [tilespmem:s28+$0xFFFFFFF0]  }
0x15d: {  	v6 =	vld [tilespmem:s28+$0x10]  }
0x15e: {  	v7 =	vand.u32 $0xFFFF0000, v1;
	v1 =	vshll.u32 v1, $0x10;
	v8 =	vld [tilespmem:s28+$0x30]  }
0x15f: {  	v9 =	vand.u32 $0xFFFF0000, v3;
	v3 =	vshll.u32 v3, $0x10;
	v10 =	vld [tilespmem:s28+$0x50]  }
0x160: {  	[tilespmem:s25+$0xFFFFFE30] =	vst.add.f32.msk $0xffff, v7;
	v7 =	vand.u32 $0xFFFF0000, v4;
	v4 =	vshll.u32 v4, $0x10  }
0x161: {  	[tilespmem:s25+$0xFFFFFE40] =	vst.add.f32.msk $0xffff, v1;
	v1 =	vand.u32 $0xFFFF0000, v5;
	v5 =	vshll.u32 v5, $0x10  }
0x162: {  	[tilespmem:s25+$0xFFFFFE70] =	vst.add.f32.msk $0xffff, v9;
	v9 =	vand.u32 $0xFFFF0000, v6;
	v6 =	vshll.u32 v6, $0x10  }
0x163: {  	[tilespmem:s25+$0xFFFFFE80] =	vst.add.f32.msk $0xffff, v3;
	v3 =	vand.u32 $0xFFFF0000, v8;
	v8 =	vshll.u32 v8, $0x10  }
0x164: {  	[tilespmem:s25+$0xFFFFFEB0] =	vst.add.f32.msk $0xffff, v7;
	v7 =	vand.u32 $0xFFFF0000, v10;
	v10 =	vshll.u32 v10, $0x10  }
0x165: {  	[tilespmem:s25+$0xFFFFFEC0] =	vst.add.f32.msk $0xffff, v4  }
0x166: {  	[tilespmem:s25+$0xFFFFFEF0] =	vst.add.f32.msk $0xffff, v1  }
0x167: {  	[tilespmem:s25+$0xFFFFFF00] =	vst.add.f32.msk $0xffff, v5  }
0x168: {  	[tilespmem:s25+$0xFFFFFF30] =	vst.add.f32.msk $0xffff, v9  }
0x169: {  	[tilespmem:s25+$0xFFFFFF40] =	vst.add.f32.msk $0xffff, v6  }
.Ltmp5:
0x16a: {  	[tilespmem:s25+$0xFFFFFF70] =	vst.add.f32.msk $0xffff, v3;
	(pc) =	sbr.rel @p1 .LBB2_9-.Ltmp5, $4  }
0x16b: {  	[tilespmem:s25+$0xFFFFFF80] =	vst.add.f32.msk $0xffff, v8  }
0x16c: {  	[tilespmem:s25+$0xFFFFFFB0] =	vst.add.f32.msk $0xffff, v7  }
0x16d: {  	[tilespmem:s25+$0xFFFFFFC0] =	vst.add.f32.msk $0xffff, v10  }
0x16e: {  	s28 =	sadd.s32 $0x100, s28;
	[tilespmem:s25+$0xFFFFFFF0] =	vst.add.f32.msk $0xffff, v2  }
0x16f: {  	s24 =	sadd.s32 @!p0 $0x300, s24;
	s25 =	simm.s32 @!p0 $0x80;
	s26 =	simm.s32 @!p0 $0x8400  }
0x170: {  	[tilespmem:s26], [sflag:$0x3] =	stream.indirect.gather @!p0 [hbm4b:s3+s25], $0x20, s24, s25, $0xb8;
	[tilespmem:$0xC400] =	vst v63  }
0x171: {  	_ =	swait.ge [sflag:s19], $0x1000  }
0x172: {  	[sflag:s19] =	ssyncset.done $0x0  }
0x173: {  	s31 =	simm.s32 $0x9480;
	[sflag:s19] =	ssyncadd.s32 $0xFFFFF000  }
0x174: {  	v1 =	vld [tilespmem:s31+$0x60]  }
0x175: {  	v2 =	vld [tilespmem:s31+$0xFFFFFFA0]  }
0x176: {  	v3 =	vld [tilespmem:s31+$0xFFFFFFC0]  }
0x177: {  	v4 =	vld [tilespmem:s31+$0xFFFFFFE0]  }
0x178: {  	v5 =	vld [tilespmem:s31+$0x0]  }
0x179: {  	v6 =	vld [tilespmem:s31+$0x20]  }
0x17a: {  	v55 =	vld [tilespmem:s31+$0x40]  }
0x17b: {  	s24 =	simm.s32 $0xA5F0;
	v9 =	vld [tilespmem:s31+$0xFFFFFF80];
	v7 =	vand.u32 $0xFFFF0000, v1  }
0x17c: {  	v1 =	vshll.u32 v1, $0x10;
	[tilespmem:s24+$0xFFFFFFD0] =	vst.add.f32.msk $0xffff, v7  }
0x17d: {  	v8 =	vand.u32 $0xFFFF0000, v2;
	[tilespmem:s24+$0xFFFFFFE0] =	vst.add.f32.msk $0xffff, v1  }
0x17e: {  	v2 =	vshll.u32 v2, $0x10;
	[tilespmem:s24+$0xFFFFFE50] =	vst.add.f32.msk $0xffff, v8  }
0x17f: {  	v56 =	vand.u32 $0xFFFF0000, v3;
	[tilespmem:s24+$0xFFFFFE60] =	vst.add.f32.msk $0xffff, v2  }
0x180: {  	v3 =	vshll.u32 v3, $0x10;
	[tilespmem:s24+$0xFFFFFE90] =	vst.add.f32.msk $0xffff, v56  }
0x181: {  	[tilespmem:s24+$0xFFFFFEA0] =	vst.add.f32.msk $0xffff, v3  }
0x182: {  	v3 =	vshll.u32 v9, $0x10;
	v1 =	vld [tilespmem:s31+$0x70]  }
0x183: {  	[tilespmem:s24+$0xFFFFFE20] =	vst.add.f32.msk $0xffff, v3  }
0x184: {  	v3 =	vshll.u32 v4, $0x10;
	v57 =	vld [tilespmem:s31+$0xFFFFFFD0]  }
0x185: {  	[tilespmem:s24+$0xFFFFFEE0] =	vst.add.f32.msk $0xffff, v3;
	v3 =	vshll.u32 v5, $0x10  }
0x186: {  	[tilespmem:s24+$0xFFFFFF20] =	vst.add.f32.msk $0xffff, v3;
	v3 =	vshll.u32 v6, $0x10  }
0x187: {  	[tilespmem:s24+$0xFFFFFF60] =	vst.add.f32.msk $0xffff, v3;
	v3 =	vshll.u32 v55, $0x10  }
0x188: {  	[tilespmem:s24+$0xFFFFFFA0] =	vst.add.f32.msk $0xffff, v3  }
0x189: {  	v3 =	vld [tilespmem:s31+$0xFFFFFFB0];
	v2 =	vshll.u32 v1, $0x10  }
0x18a: {  	v1 =	vand.u32 $0xFFFF0000, v1;
	[tilespmem:s24+$0x0] =	vst.add.f32.msk $0xffff, v2  }
0x18b: {  	v2 =	vand.u32 $0xFFFF0000, v9;
	[tilespmem:s24+$0xFFFFFFF0] =	vst.add.f32.msk $0xffff, v1  }
0x18c: {  	[tilespmem:s24+$0xFFFFFE10] =	vst.add.f32.msk $0xffff, v2;
	v2 =	vand.u32 $0xFFFF0000, v4  }
0x18d: {  	[tilespmem:s24+$0xFFFFFED0] =	vst.add.f32.msk $0xffff, v2;
	v2 =	vand.u32 $0xFFFF0000, v5  }
0x18e: {  	[tilespmem:s24+$0xFFFFFF10] =	vst.add.f32.msk $0xffff, v2;
	v2 =	vand.u32 $0xFFFF0000, v6  }
0x18f: {  	[tilespmem:s24+$0xFFFFFF50] =	vst.add.f32.msk $0xffff, v2;
	v2 =	vand.u32 $0xFFFF0000, v55  }
0x190: {  	[tilespmem:s24+$0xFFFFFF90] =	vst.add.f32.msk $0xffff, v2  }
0x191: {  	v2 =	vld [tilespmem:s31+$0xFFFFFF90]  }
0x192: {  	v58 =	vld [tilespmem:s31+$0xFFFFFFF0]  }
0x193: {  	v63 =	vand.u32 $0xFFFF0000, v3;
	v59 =	vld [tilespmem:s31+$0x10]  }
0x194: {  	[tilespmem:s24+$0xFFFFFE70] =	vst.add.f32.msk $0xffff, v63  }
0x195: {  	v60 =	vld [tilespmem:s31+$0x30]  }
0x196: {  	v62 =	vld [tilespmem:s31+$0x50];
	v61 =	vand.u32 $0xFFFF0000, v2  }
0x197: {  	v2 =	vshll.u32 v2, $0x10;
	[tilespmem:s24+$0xFFFFFE30] =	vst.add.f32.msk $0xffff, v61  }
0x198: {  	[tilespmem:s24+$0xFFFFFE40] =	vst.add.f32.msk $0xffff, v2;
	v2 =	vshll.u32 v3, $0x10  }
0x199: {  	v3 =	vand.u32 $0xFFFF0000, v57;
	[tilespmem:s24+$0xFFFFFE80] =	vst.add.f32.msk $0xffff, v2  }
0x19a: {  	v2 =	vshll.u32 v57, $0x10;
	[tilespmem:s24+$0xFFFFFEB0] =	vst.add.f32.msk $0xffff, v3  }
0x19b: {  	v3 =	vand.u32 $0xFFFF0000, v58;
	[tilespmem:s24+$0xFFFFFEC0] =	vst.add.f32.msk $0xffff, v2  }
0x19c: {  	v2 =	vshll.u32 v58, $0x10;
	[tilespmem:s24+$0xFFFFFEF0] =	vst.add.f32.msk $0xffff, v3  }
0x19d: {  	v3 =	vand.u32 $0xFFFF0000, v59;
	[tilespmem:s24+$0xFFFFFF00] =	vst.add.f32.msk $0xffff, v2  }
0x19e: {  	v2 =	vshll.u32 v59, $0x10;
	[tilespmem:s24+$0xFFFFFF30] =	vst.add.f32.msk $0xffff, v3  }
0x19f: {  	v3 =	vand.u32 $0xFFFF0000, v60;
	[tilespmem:s24+$0xFFFFFF40] =	vst.add.f32.msk $0xffff, v2  }
0x1a0: {  	v2 =	vshll.u32 v60, $0x10;
	[tilespmem:s24+$0xFFFFFF70] =	vst.add.f32.msk $0xffff, v3  }
0x1a1: {  	v3 =	vand.u32 $0xFFFF0000, v62;
	[tilespmem:s24+$0xFFFFFF80] =	vst.add.f32.msk $0xffff, v2  }
0x1a2: {  	v2 =	vshll.u32 v62, $0x10;
	[tilespmem:s24+$0xFFFFFFB0] =	vst.add.f32.msk $0xffff, v3  }
0x1a3: {  	s25 =	simm.s32 $0x0;
	s26 =	simm.s32 $0x9580;
	[tilespmem:s24+$0xFFFFFFC0] =	vst.add.f32.msk $0xffff, v2  }
.LBB2_11:
0x1a4: {  	v1 =	vld [tilespmem:s26+$0x60]  }
0x1a5: {  	s25 =	sadd.s32 $0x8, s25;
	v2 =	vld [tilespmem:s26+$0xFFFFFFA0]  }
0x1a6: {  	p1 =	slt.u32 s25, $0x78;
	v3 =	vld [tilespmem:s26+$0xFFFFFFC0]  }
0x1a7: {  	v4 =	vld [tilespmem:s26+$0xFFFFFFE0]  }
0x1a8: {  	v5 =	vld [tilespmem:s26+$0x0]  }
0x1a9: {  	s24 =	sadd.s32 $0x200, s24;
	v6 =	vld [tilespmem:s26+$0x20];
	v7 =	vand.u32 $0xFFFF0000, v1  }
0x1aa: {  	v1 =	vshll.u32 v1, $0x10;
	v8 =	vand.u32 $0xFFFF0000, v2;
	v2 =	vshll.u32 v2, $0x10;
	[tilespmem:s24+$0xFFFFFFD0] =	vst.add.f32.msk $0xffff, v7  }
0x1ab: {  	v7 =	vand.u32 $0xFFFF0000, v3;
	v3 =	vshll.u32 v3, $0x10;
	[tilespmem:s24+$0xFFFFFFE0] =	vst.add.f32.msk $0xffff, v1  }
0x1ac: {  	v1 =	vand.u32 $0xFFFF0000, v4;
	v4 =	vshll.u32 v4, $0x10;
	v9 =	vld [tilespmem:s26+$0x70]  }
0x1ad: {  	v10 =	vand.u32 $0xFFFF0000, v5;
	v5 =	vshll.u32 v5, $0x10;
	v11 =	vld [tilespmem:s26+$0x40]  }
0x1ae: {  	v12 =	vld [tilespmem:s26+$0xFFFFFF80];
	v13 =	vand.u32 $0xFFFF0000, v6;
	v6 =	vshll.u32 v6, $0x10  }
0x1af: {  	[tilespmem:s24+$0xFFFFFE50] =	vst.add.f32.msk $0xffff, v8  }
0x1b0: {  	[tilespmem:s24+$0xFFFFFE60] =	vst.add.f32.msk $0xffff, v2  }
0x1b1: {  	[tilespmem:s24+$0xFFFFFE90] =	vst.add.f32.msk $0xffff, v7;
	v2 =	vand.u32 $0xFFFF0000, v9;
	v7 =	vshll.u32 v9, $0x10  }
0x1b2: {  	v8 =	vand.u32 $0xFFFF0000, v11;
	v9 =	vshll.u32 v11, $0x10;
	[tilespmem:s24+$0x0] =	vst.add.f32.msk $0xffff, v7  }
0x1b3: {  	v7 =	vand.u32 $0xFFFF0000, v12;
	v11 =	vshll.u32 v12, $0x10;
	[tilespmem:s24+$0xFFFFFEA0] =	vst.add.f32.msk $0xffff, v3  }
0x1b4: {  	[tilespmem:s24+$0xFFFFFE10] =	vst.add.f32.msk $0xffff, v7  }
0x1b5: {  	[tilespmem:s24+$0xFFFFFE20] =	vst.add.f32.msk $0xffff, v11  }
0x1b6: {  	[tilespmem:s24+$0xFFFFFED0] =	vst.add.f32.msk $0xffff, v1  }
0x1b7: {  	[tilespmem:s24+$0xFFFFFEE0] =	vst.add.f32.msk $0xffff, v4  }
0x1b8: {  	[tilespmem:s24+$0xFFFFFF10] =	vst.add.f32.msk $0xffff, v10  }
0x1b9: {  	[tilespmem:s24+$0xFFFFFF20] =	vst.add.f32.msk $0xffff, v5  }
0x1ba: {  	[tilespmem:s24+$0xFFFFFF50] =	vst.add.f32.msk $0xffff, v13  }
0x1bb: {  	[tilespmem:s24+$0xFFFFFF60] =	vst.add.f32.msk $0xffff, v6  }
0x1bc: {  	[tilespmem:s24+$0xFFFFFF90] =	vst.add.f32.msk $0xffff, v8  }
0x1bd: {  	[tilespmem:s24+$0xFFFFFFA0] =	vst.add.f32.msk $0xffff, v9  }
0x1be: {  	v1 =	vld [tilespmem:s26+$0xFFFFFF90]  }
0x1bf: {  	v3 =	vld [tilespmem:s26+$0xFFFFFFB0]  }
0x1c0: {  	v4 =	vld [tilespmem:s26+$0xFFFFFFD0]  }
0x1c1: {  	v5 =	vld [tilespmem:s26+$0xFFFFFFF0]  }
0x1c2: {  	v6 =	vld [tilespmem:s26+$0x10]  }
0x1c3: {  	v7 =	vand.u32 $0xFFFF0000, v1;
	v1 =	vshll.u32 v1, $0x10;
	v8 =	vld [tilespmem:s26+$0x30]  }
0x1c4: {  	v9 =	vand.u32 $0xFFFF0000, v3;
	v3 =	vshll.u32 v3, $0x10;
	v10 =	vld [tilespmem:s26+$0x50]  }
0x1c5: {  	[tilespmem:s24+$0xFFFFFE30] =	vst.add.f32.msk $0xffff, v7;
	v7 =	vand.u32 $0xFFFF0000, v4;
	v4 =	vshll.u32 v4, $0x10  }
0x1c6: {  	[tilespmem:s24+$0xFFFFFE40] =	vst.add.f32.msk $0xffff, v1;
	v1 =	vand.u32 $0xFFFF0000, v5;
	v5 =	vshll.u32 v5, $0x10  }
0x1c7: {  	[tilespmem:s24+$0xFFFFFE70] =	vst.add.f32.msk $0xffff, v9;
	v9 =	vand.u32 $0xFFFF0000, v6;
	v6 =	vshll.u32 v6, $0x10  }
0x1c8: {  	[tilespmem:s24+$0xFFFFFE80] =	vst.add.f32.msk $0xffff, v3;
	v3 =	vand.u32 $0xFFFF0000, v8;
	v8 =	vshll.u32 v8, $0x10  }
0x1c9: {  	[tilespmem:s24+$0xFFFFFEB0] =	vst.add.f32.msk $0xffff, v7;
	v7 =	vand.u32 $0xFFFF0000, v10;
	v10 =	vshll.u32 v10, $0x10  }
0x1ca: {  	[tilespmem:s24+$0xFFFFFEC0] =	vst.add.f32.msk $0xffff, v4  }
0x1cb: {  	[tilespmem:s24+$0xFFFFFEF0] =	vst.add.f32.msk $0xffff, v1  }
0x1cc: {  	[tilespmem:s24+$0xFFFFFF00] =	vst.add.f32.msk $0xffff, v5  }
0x1cd: {  	[tilespmem:s24+$0xFFFFFF30] =	vst.add.f32.msk $0xffff, v9  }
0x1ce: {  	[tilespmem:s24+$0xFFFFFF40] =	vst.add.f32.msk $0xffff, v6  }
.Ltmp6:
0x1cf: {  	[tilespmem:s24+$0xFFFFFF70] =	vst.add.f32.msk $0xffff, v3;
	(pc) =	sbr.rel @p1 .LBB2_11-.Ltmp6, $4  }
0x1d0: {  	[tilespmem:s24+$0xFFFFFF80] =	vst.add.f32.msk $0xffff, v8  }
0x1d1: {  	[tilespmem:s24+$0xFFFFFFB0] =	vst.add.f32.msk $0xffff, v7  }
0x1d2: {  	[tilespmem:s24+$0xFFFFFFC0] =	vst.add.f32.msk $0xffff, v10  }
0x1d3: {  	s26 =	sadd.s32 $0x100, s26;
	[tilespmem:s24+$0xFFFFFFF0] =	vst.add.f32.msk $0xffff, v2  }
.Ltmp7:
0x1d4: {  	(pc) =	sbr.rel @p0 .LBB2_14-.Ltmp7, $1  }
0x1d5: {  	_ =	sdelay $0x3  }
.Ltmp8:
0x1d6: {  	(pc) =	sbr.rel .LBB2_4-.Ltmp8, $4  }
0x1d7: {  	_ = 	snop  }
0x1d8: {  	s23 =	sshrl.u32 s23, $0x2  }
0x1d9: {  	s22 =	sadd.s32 $0x1, s22;
	s23 =	sadd.s32 $0x380, s23  }
0x1da: {  	[tilespmem:s15], [sflag:$0x4] =	stream.indirect.gather [hbm4b:s3+s7], $0x20, s23, s7, $0xb8;
	[tilespmem:$0xC400] =	vst v63  }
.LBB2_15:
0x1db: {  	_ =	sfence.sel $0x180000  }
0x1dc: {  	[bflag:$0x0] =	sbarrier.arrive $0xFFFF  }
0x1dd: {  	p0 =	sne.s32 s1, $0x0;
	_ =	strace $0x9000004A  }
0x1de: {  	s0 =	sadd.s32 @!p0 $0x100000, s0;
	[bflag:$0x2] =	sbarrier.arrive $0xFFFF  }
0x1df: {  	[sflag:s0] =	ssyncadd.tile.s32 @!p0 $0x1;
	_ =	shalt  }
.Lfunc_end2:
_tile_overlayer_lowered:
.L_overlay_start_2:
0x1e0: {  	(tag) =	ssettag $0x2  }
0x1e1: {  	s0 =	rddreg [dreg:$0x0];
	s2 =	stileid.u32  }
0x1e2: {  	s1 =	rddreg [dreg:$0x1];
	p0 =	sne.s32 s2, $0x0  }
0x1e3: {  	s3 =	rddreg [dreg:$0x2];
	[bflag:$0x3] =	sbarrier.arrive $0xFFFF;
	s2 =	simm.s32 @!p0 $0x1C05  }
0x1e4: {  	[timem:s3], [sflag:s2] =	dma.local @!p0 [hbm:s0], s1  }
0x1e5: {  	s0 =	simm.s32 @!p0 $0x5  }
0x1e6: {  	_ =	swait.ge @!p0 [sflag:s0], s1  }
0x1e7: {  	s1 =	ssub.s32 @!p0 $0x0, s1;
	[sflag:s0] =	ssyncset.done @!p0 $0x0  }
0x1e8: {  	[sflag:s0] =	ssyncadd.s32 @!p0 s1  }
0x1e9: {  	[bflag:$0x3] =	sbarrier.arrive $0xFFFF  }
0x1ea: {  	_ =	shalt  }

</sc_bundles>
